<compile_context>
chip_gen: v7x
topology: tpu7x:2x2x1
jax: 0.10.2.dev20260603
libtpu: 0.0.44.dev20260713+nightly
codegen_flags: <defaults>
</compile_context>

<pallas_src>
import functools

import jax
import jax.numpy as jnp
from jax import lax
from jax.experimental import pallas as pl
from jax.experimental.pallas import tpu as pltpu
from jax.experimental.pallas import tpu_sc as plsc

_B = 16384
_D = 32
_N = 1_000_000
_NQ = _N // 4
_NC = 2
_NS = 16
_NW = _NC * _NS
_BPW = _B // _NW
_CH = 128
_NCH = _BPW // _CH

_BLK = 2048
_G = 262144
_TBN = 8192
_GB = _G // _TBN


def _stage_body(t0_ref, t1_ref, t2_ref, t3_ref, o_ref):
    o_ref[...] = jnp.concatenate(
        [t0_ref[...].T, t1_ref[...].T, t2_ref[...].T, t3_ref[...].T], axis=1)


_LASTB = _N // _TBN


def _in_spec(q):
    return pl.BlockSpec(
        (_D, _TBN), lambda i, q=q: (0, jnp.minimum(q * _GB + i, _LASTB)))


def _to_staged(table_t):
    return pl.pallas_call(
        _stage_body,
        grid=(_GB,),
        in_specs=[_in_spec(0), _in_spec(1), _in_spec(2), _in_spec(3)],
        out_specs=pl.BlockSpec((_TBN, 128), lambda i: (i, 0)),
        out_shape=jax.ShapeDtypeStruct((_G, 128), jnp.float32),
    )(table_t, table_t, table_t, table_t)


def _remap(v):
    q = jax.lax.shift_right_logical(v, 18)
    t = jax.lax.bitwise_and(v, _G - 1)
    return 4 * t + q


def _gather_body(uid_hbm, mid_hbm, ut_hbm, mt_hbm, outu_hbm, outm_hbm,
                 uidx_v, midx_v, ubuf, mbuf, usem, msem):
    wid = lax.axis_index("s") * _NC + lax.axis_index("c")
    rbase = wid * _NCH
    base = wid * _BPW
    pltpu.sync_copy(uid_hbm.at[pl.ds(rbase, _NCH)], uidx_v)
    pltpu.sync_copy(mid_hbm.at[pl.ds(rbase, _NCH)], midx_v)
    for j in range(_NCH):
        for k in range(_CH // 16):
            s = pl.ds(k * 16, 16)
            uidx_v[j, s] = _remap(uidx_v[j, s])
            midx_v[j, s] = _remap(midx_v[j, s])
    udescs = [pltpu.async_copy(ut_hbm.at[uidx_v.at[j]], ubuf.at[j], usem)
              for j in range(_NCH)]
    mdescs = [pltpu.async_copy(mt_hbm.at[midx_v.at[j]], mbuf.at[j], msem)
              for j in range(_NCH)]
    for j in range(_NCH):
        udescs[j].wait()
        pltpu.sync_copy(ubuf.at[j], outu_hbm.at[pl.ds(base + j * _CH, _CH)])
    for j in range(_NCH):
        mdescs[j].wait()
        pltpu.sync_copy(mbuf.at[j], outm_hbm.at[pl.ds(base + j * _CH, _CH)])


@functools.cache
def _gather():
    return pl.kernel(
        _gather_body,
        out_type=[jax.ShapeDtypeStruct((_B, _D), jnp.float32),
                  jax.ShapeDtypeStruct((_B, _D), jnp.float32)],
        mesh=plsc.VectorSubcoreMesh(core_axis_name="c", subcore_axis_name="s"),
        scratch_types=[pltpu.VMEM((_NCH, _CH), jnp.int32),
                       pltpu.VMEM((_NCH, _CH), jnp.int32),
                       pltpu.VMEM((_NCH, _CH, _D), jnp.float32),
                       pltpu.VMEM((_NCH, _CH, _D), jnp.float32),
                       pltpu.SemaphoreType.DMA,
                       pltpu.SemaphoreType.DMA],
        compiler_params=pltpu.CompilerParams(use_tc_tiling_on_sc=False),
    )


def _mlp_body(u_ref, m_ref, w1u_ref, w1m_ref, b1_ref, w2_ref, b2_ref,
              w3_ref, b3_ref, wo_ref, bo_ref, o_ref):
    x = (jnp.dot(u_ref[...], w1u_ref[...], preferred_element_type=jnp.float32)
         + jnp.dot(m_ref[...], w1m_ref[...], preferred_element_type=jnp.float32)
         + b1_ref[...])
    x = jnp.maximum(x, 0.0)
    x = jnp.maximum(
        jnp.dot(x, w2_ref[...], preferred_element_type=jnp.float32) + b2_ref[...], 0.0)
    x = jnp.maximum(
        jnp.dot(x, w3_ref[...], preferred_element_type=jnp.float32) + b3_ref[...], 0.0)
    z = jnp.dot(x, wo_ref[...], preferred_element_type=jnp.float32) + bo_ref[...]
    o_ref[...] = 1.0 / (1.0 + jnp.exp(-z))


def _mlp(u, m, w1u, w1m, b1, w2, b2, w3, b3, wo, bo):
    grid = (_B // _BLK,)
    full = lambda shape: pl.BlockSpec(shape, lambda i: (0, 0))
    return pl.pallas_call(
        _mlp_body,
        grid=grid,
        in_specs=[
            pl.BlockSpec((_BLK, _D), lambda i: (i, 0)),
            pl.BlockSpec((_BLK, _D), lambda i: (i, 0)),
            full(w1u.shape), full(w1m.shape), full(b1.shape),
            full(w2.shape), full(b2.shape),
            full(w3.shape), full(b3.shape),
            full(wo.shape), full(bo.shape),
        ],
        out_specs=pl.BlockSpec((_BLK, 1), lambda i: (i, 0)),
        out_shape=jax.ShapeDtypeStruct((_B, 1), jnp.float32),
    )(u, m, w1u, w1m, b1, w2, b2, w3, b3, wo, bo)


def kernel(user_ids, movie_ids, user_table, movie_table,
           W1, b1, W2, b2, W3, b3, Wo, bo):
    uid = user_ids.astype(jnp.int32).reshape(_B // _CH, _CH)
    mid = movie_ids.astype(jnp.int32).reshape(_B // _CH, _CH)
    ut_rm = _to_staged(user_table.T).reshape(_G * 128).reshape(4 * _G, _D)
    mt_rm = _to_staged(movie_table.T).reshape(_G * 128).reshape(4 * _G, _D)
    u, m = _gather()(uid, mid, ut_rm, mt_rm)
    out = _mlp(u, m,
               W1[:_D, :], W1[_D:, :], b1.reshape(1, -1),
               W2, b2.reshape(1, -1),
               W3, b3.reshape(1, -1),
               Wo, bo.reshape(1, -1))
    return out[:, 0]

# --- scband reference (transcript-rebuilt; emitter-appended) ---
"""Pipeline reference for scband-ncf-15367392985184 (READ-ONLY COPY).

The authoritative reference and input builder live on the scoring server;
editing this copy changes nothing except your own understanding.
"""

import jax, jax.numpy as jnp
import numpy as np

N_USERS = 1000000
N_MOVIES = 1000000
EMBED_DIM = 32
LAYERS = [64, 32, 16]
BATCH = 16384


def setup_inputs(seed: int = 0) -> dict:
    key = jax.random.key(seed)
    ks = jax.random.split(key, 16)
    user_ids = jax.random.randint(ks[0], (BATCH,), 0, N_USERS, dtype=jnp.int64 if jax.config.jax_enable_x64 else jnp.int32)
    movie_ids = jax.random.randint(ks[1], (BATCH,), 0, N_MOVIES, dtype=jnp.int64 if jax.config.jax_enable_x64 else jnp.int32)
    user_table = jax.random.normal(ks[2], (N_USERS, EMBED_DIM), dtype=jnp.float32)
    movie_table = jax.random.normal(ks[3], (N_MOVIES, EMBED_DIM), dtype=jnp.float32)
    dims = [EMBED_DIM * 2] + LAYERS
    W1 = jax.random.normal(ks[4], (dims[0], dims[1]), dtype=jnp.float32) * (1.0 / np.sqrt(dims[0]))
    b1 = jnp.zeros((dims[1],), dtype=jnp.float32)
    W2 = jax.random.normal(ks[5], (dims[1], dims[2]), dtype=jnp.float32) * (1.0 / np.sqrt(dims[1]))
    b2 = jnp.zeros((dims[2],), dtype=jnp.float32)
    W3 = jax.random.normal(ks[6], (dims[2], dims[3]), dtype=jnp.float32) * (1.0 / np.sqrt(dims[2]))
    b3 = jnp.zeros((dims[3],), dtype=jnp.float32)
    Wo = jax.random.normal(ks[7], (dims[3], 1), dtype=jnp.float32) * (1.0 / np.sqrt(dims[3]))
    bo = jnp.zeros((1,), dtype=jnp.float32)
    return {"user_ids": user_ids, "movie_ids": movie_ids,
            "user_table": user_table, "movie_table": movie_table,
            "W1": W1, "b1": b1, "W2": W2, "b2": b2, "W3": W3, "b3": b3,
            "Wo": Wo, "bo": bo}


def reference(user_ids, movie_ids, user_table, movie_table, W1, b1, W2, b2, W3, b3, Wo, bo):
    user_vec = jnp.take(user_table, user_ids, axis=0)
    movie_vec = jnp.take(movie_table, movie_ids, axis=0)
    x = jnp.concatenate([user_vec, movie_vec], axis=1)
    x = jax.nn.relu(x @ W1 + b1)  # dropout is identity in eval
    x = jax.nn.relu(x @ W2 + b2)
    x = jax.nn.relu(x @ W3 + b3)
    out = jax.nn.sigmoid(x @ Wo + bo)
    return jnp.squeeze(out, axis=-1)

if __name__ == "__main__":
    import jax
    _d = setup_inputs()
    print(jax.jit(kernel)(*tuple(_d.values())))

</pallas_src>

<mosaic_0001>
#map = affine_map<(d0, d1) -> (0, 0)>
module attributes {stable_mosaic.version = 14 : i64} {
  func.func @_gather_body(%arg0: i32, %arg1: i32, %arg2: memref<128x128xi32, #tpu.memory_space<hbm>>, %arg3: memref<128x128xi32, #tpu.memory_space<hbm>>, %arg4: memref<1048576x32xf32, #tpu.memory_space<hbm>>, %arg5: memref<1048576x32xf32, #tpu.memory_space<hbm>>, %arg6: memref<16384x32xf32, #tpu.memory_space<hbm>>, %arg7: memref<16384x32xf32, #tpu.memory_space<hbm>>, %arg8: memref<4x128xi32, #tpu.memory_space<vmem>>, %arg9: memref<4x128xi32, #tpu.memory_space<vmem>>, %arg10: memref<4x128x32xf32, #tpu.memory_space<vmem>>, %arg11: memref<4x128x32xf32, #tpu.memory_space<vmem>>, %arg12: memref<!tpu.dma_semaphore, #tpu.memory_space<semaphore_mem>>, %arg13: memref<!tpu.dma_semaphore, #tpu.memory_space<semaphore_mem>>) attributes {dimension_semantics = [#tpu.dimension_semantics<core_parallel>, #tpu.dimension_semantics<subcore_parallel>], iteration_bounds = array<i64: 2, 16>, scalar_prefetch = 0 : i64, scratch_operands = 6 : i64, tpu.core_type = #tpu.core_type<sc_vector_subcore>, window_params = [{transform_indices = #map}, {transform_indices = #map}, {transform_indices = #map}, {transform_indices = #map}, {transform_indices = #map}, {transform_indices = #map}]} {
    %mul3A = arith.constant 2 : i32
    %mul3A_0 = arith.muli %arg1, %mul3A : i32
    %add3A = arith.addi %mul3A_0, %arg0 : i32
    %mul3A_1 = arith.constant 4 : i32
    %mul3A_2 = arith.muli %add3A, %mul3A_1 : i32
    %mul3A_3 = arith.constant 512 : i32
    %mul3A_4 = arith.muli %add3A, %mul3A_3 : i32
    "tpu.region"() ({
      %run_scoped3A_1558 = tpu.sem_alloc : memref<!tpu.dma_semaphore, #tpu.memory_space<semaphore_mem>>
      %dma_start3A_1559 = arith.constant 0 : i32
      %dma_start3A_1560 = tpu.memref_slice %arg2[%mul3A_2, %dma_start3A_1559] : memref<128x128xi32, #tpu.memory_space<hbm>> -> memref<4x128xi32, #tpu.memory_space<hbm>>
      %dma_start3A_1561 = arith.constant 0 : i32
      %dma_start3A_1562 = tpu.memref_slice %arg2[%mul3A_2, %dma_start3A_1561] : memref<128x128xi32, #tpu.memory_space<hbm>> -> memref<4x128xi32, #tpu.memory_space<hbm>>
      tpu.enqueue_dma source(%dma_start3A_1562 : memref<4x128xi32, #tpu.memory_space<hbm>>) target(%arg8 : memref<4x128xi32, #tpu.memory_space<vmem>>) target_semaphore(%run_scoped3A_1558 : memref<!tpu.dma_semaphore, #tpu.memory_space<semaphore_mem>>)
      %dma_wait3A_1563 = arith.constant 0 : i32
      %dma_wait3A_1564 = tpu.memref_slice %arg2[%mul3A_2, %dma_wait3A_1563] : memref<128x128xi32, #tpu.memory_space<hbm>> -> memref<4x128xi32, #tpu.memory_space<hbm>>
      %dma_wait3A_1565 = arith.constant 0 : i32
      %dma_wait3A_1566 = tpu.memref_slice %arg2[%mul3A_2, %dma_wait3A_1565] : memref<128x128xi32, #tpu.memory_space<hbm>> -> memref<4x128xi32, #tpu.memory_space<hbm>>
      tpu.wait_dma2 semaphore(%run_scoped3A_1558 : memref<!tpu.dma_semaphore, #tpu.memory_space<semaphore_mem>>) src(%dma_wait3A_1566 : memref<4x128xi32, #tpu.memory_space<hbm>>) dst(%arg8 : memref<4x128xi32, #tpu.memory_space<vmem>>)
      tpu.yield
    }) : () -> ()
    "tpu.region"() ({
      %run_scoped3A_1558 = tpu.sem_alloc : memref<!tpu.dma_semaphore, #tpu.memory_space<semaphore_mem>>
      %dma_start3A_1559 = arith.constant 0 : i32
      %dma_start3A_1560 = tpu.memref_slice %arg3[%mul3A_2, %dma_start3A_1559] : memref<128x128xi32, #tpu.memory_space<hbm>> -> memref<4x128xi32, #tpu.memory_space<hbm>>
      %dma_start3A_1561 = arith.constant 0 : i32
      %dma_start3A_1562 = tpu.memref_slice %arg3[%mul3A_2, %dma_start3A_1561] : memref<128x128xi32, #tpu.memory_space<hbm>> -> memref<4x128xi32, #tpu.memory_space<hbm>>
      tpu.enqueue_dma source(%dma_start3A_1562 : memref<4x128xi32, #tpu.memory_space<hbm>>) target(%arg9 : memref<4x128xi32, #tpu.memory_space<vmem>>) target_semaphore(%run_scoped3A_1558 : memref<!tpu.dma_semaphore, #tpu.memory_space<semaphore_mem>>)
      %dma_wait3A_1563 = arith.constant 0 : i32
      %dma_wait3A_1564 = tpu.memref_slice %arg3[%mul3A_2, %dma_wait3A_1563] : memref<128x128xi32, #tpu.memory_space<hbm>> -> memref<4x128xi32, #tpu.memory_space<hbm>>
      %dma_wait3A_1565 = arith.constant 0 : i32
      %dma_wait3A_1566 = tpu.memref_slice %arg3[%mul3A_2, %dma_wait3A_1565] : memref<128x128xi32, #tpu.memory_space<hbm>> -> memref<4x128xi32, #tpu.memory_space<hbm>>
      tpu.wait_dma2 semaphore(%run_scoped3A_1558 : memref<!tpu.dma_semaphore, #tpu.memory_space<semaphore_mem>>) src(%dma_wait3A_1566 : memref<4x128xi32, #tpu.memory_space<hbm>>) dst(%arg9 : memref<4x128xi32, #tpu.memory_space<vmem>>)
      tpu.yield
    }) : () -> ()
    %get3A = arith.constant 0 : i32
    %get3A_5 = arith.index_cast %get3A : i32 to index
    %get3A_6 = arith.constant 0 : index
    %get3A_7 = tpu.vector_load %arg8[%get3A_5, %get3A_6] {strides = array<i32>} : memref<4x128xi32, #tpu.memory_space<vmem>>, vector<1x16xi32>,
    %get3A_8 = vector.shape_cast %get3A_7 : vector<1x16xi32> to vector<16xi32>
    %shift_right_logical3A = arith.constant 18 : i32
    %shift_right_logical3A_9 = vector.broadcast %shift_right_logical3A : i32 to vector<16xi32>
    %shift_right_logical3A_10 = arith.shrui %get3A_8, %shift_right_logical3A_9 : vector<16xi32>
    %and3A = arith.constant 262143 : i32
    %and3A_11 = vector.broadcast %and3A : i32 to vector<16xi32>
    %and3A_12 = arith.andi %get3A_8, %and3A_11 : vector<16xi32>
    %mul3A_13 = arith.constant 4 : i32
    %mul3A_14 = vector.broadcast %mul3A_13 : i32 to vector<16xi32>
    %mul3A_15 = arith.muli %mul3A_14, %and3A_12 : vector<16xi32>
    %add3A_16 = arith.addi %mul3A_15, %shift_right_logical3A_10 : vector<16xi32>
    %swap3A = arith.constant 0 : i32
    %swap3A_17 = arith.index_cast %swap3A : i32 to index
    %swap3A_18 = arith.constant 0 : index
    %swap3A_19 = tpu.vector_load %arg8[%swap3A_17, %swap3A_18] {strides = array<i32>} : memref<4x128xi32, #tpu.memory_space<vmem>>, vector<1x16xi32>,
    %swap3A_20 = vector.shape_cast %swap3A_19 : vector<1x16xi32> to vector<16xi32>
    %swap3A_21 = vector.shape_cast %add3A_16 : vector<16xi32> to vector<1x16xi32>
    tpu.vector_store %arg8[%swap3A_17, %swap3A_18], %swap3A_21 {strides = array<i32>} : memref<4x128xi32, #tpu.memory_space<vmem>>, vector<1x16xi32>,
    %get3A_22 = arith.constant 0 : i32
    %get3A_23 = arith.index_cast %get3A_22 : i32 to index
    %get3A_24 = arith.constant 0 : index
    %get3A_25 = tpu.vector_load %arg9[%get3A_23, %get3A_24] {strides = array<i32>} : memref<4x128xi32, #tpu.memory_space<vmem>>, vector<1x16xi32>,
    %get3A_26 = vector.shape_cast %get3A_25 : vector<1x16xi32> to vector<16xi32>
    %shift_right_logical3A_27 = arith.constant 18 : i32
    %shift_right_logical3A_28 = vector.broadcast %shift_right_logical3A_27 : i32 to vector<16xi32>
    %shift_right_logical3A_29 = arith.shrui %get3A_26, %shift_right_logical3A_28 : vector<16xi32>
    %and3A_30 = arith.constant 262143 : i32
    %and3A_31 = vector.broadcast %and3A_30 : i32 to vector<16xi32>
    %and3A_32 = arith.andi %get3A_26, %and3A_31 : vector<16xi32>
    %mul3A_33 = arith.constant 4 : i32
    %mul3A_34 = vector.broadcast %mul3A_33 : i32 to vector<16xi32>
    %mul3A_35 = arith.muli %mul3A_34, %and3A_32 : vector<16xi32>
    %add3A_36 = arith.addi %mul3A_35, %shift_right_logical3A_29 : vector<16xi32>
    %swap3A_37 = arith.constant 0 : i32
    %swap3A_38 = arith.index_cast %swap3A_37 : i32 to index
    %swap3A_39 = arith.constant 0 : index
    %swap3A_40 = tpu.vector_load %arg9[%swap3A_38, %swap3A_39] {strides = array<i32>} : memref<4x128xi32, #tpu.memory_space<vmem>>, vector<1x16xi32>,
    %swap3A_41 = vector.shape_cast %swap3A_40 : vector<1x16xi32> to vector<16xi32>
    %swap3A_42 = vector.shape_cast %add3A_36 : vector<16xi32> to vector<1x16xi32>
    tpu.vector_store %arg9[%swap3A_38, %swap3A_39], %swap3A_42 {strides = array<i32>} : memref<4x128xi32, #tpu.memory_space<vmem>>, vector<1x16xi32>,
    %get3A_43 = arith.constant 0 : i32
    %get3A_44 = arith.index_cast %get3A_43 : i32 to index
    %get3A_45 = arith.constant 16 : index
    %get3A_46 = tpu.vector_load %arg8[%get3A_44, %get3A_45] {strides = array<i32>} : memref<4x128xi32, #tpu.memory_space<vmem>>, vector<1x16xi32>,
    %get3A_47 = vector.shape_cast %get3A_46 : vector<1x16xi32> to vector<16xi32>
    %shift_right_logical3A_48 = arith.constant 18 : i32
    %shift_right_logical3A_49 = vector.broadcast %shift_right_logical3A_48 : i32 to vector<16xi32>
    %shift_right_logical3A_50 = arith.shrui %get3A_47, %shift_right_logical3A_49 : vector<16xi32>
    %and3A_51 = arith.constant 262143 : i32
    %and3A_52 = vector.broadcast %and3A_51 : i32 to vector<16xi32>
    %and3A_53 = arith.andi %get3A_47, %and3A_52 : vector<16xi32>
    %mul3A_54 = arith.constant 4 : i32
    %mul3A_55 = vector.broadcast %mul3A_54 : i32 to vector<16xi32>
    %mul3A_56 = arith.muli %mul3A_55, %and3A_53 : vector<16xi32>
    %add3A_57 = arith.addi %mul3A_56, %shift_right_logical3A_50 : vector<16xi32>
    %swap3A_58 = arith.constant 0 : i32
    %swap3A_59 = arith.index_cast %swap3A_58 : i32 to index
    %swap3A_60 = arith.constant 16 : index
    %swap3A_61 = tpu.vector_load %arg8[%swap3A_59, %swap3A_60] {strides = array<i32>} : memref<4x128xi32, #tpu.memory_space<vmem>>, vector<1x16xi32>,
    %swap3A_62 = vector.shape_cast %swap3A_61 : vector<1x16xi32> to vector<16xi32>
    %swap3A_63 = vector.shape_cast %add3A_57 : vector<16xi32> to vector<1x16xi32>
    tpu.vector_store %arg8[%swap3A_59, %swap3A_60], %swap3A_63 {strides = array<i32>} : memref<4x128xi32, #tpu.memory_space<vmem>>, vector<1x16xi32>,
    %get3A_64 = arith.constant 0 : i32
    %get3A_65 = arith.index_cast %get3A_64 : i32 to index
    %get3A_66 = arith.constant 16 : index
    %get3A_67 = tpu.vector_load %arg9[%get3A_65, %get3A_66] {strides = array<i32>} : memref<4x128xi32, #tpu.memory_space<vmem>>, vector<1x16xi32>,
    %get3A_68 = vector.shape_cast %get3A_67 : vector<1x16xi32> to vector<16xi32>
    %shift_right_logical3A_69 = arith.constant 18 : i32
    %shift_right_logical3A_70 = vector.broadcast %shift_right_logical3A_69 : i32 to vector<16xi32>
    %shift_right_logical3A_71 = arith.shrui %get3A_68, %shift_right_logical3A_70 : vector<16xi32>
    %and3A_72 = arith.constant 262143 : i32
    %and3A_73 = vector.broadcast %and3A_72 : i32 to vector<16xi32>
    %and3A_74 = arith.andi %get3A_68, %and3A_73 : vector<16xi32>
    %mul3A_75 = arith.constant 4 : i32
    %mul3A_76 = vector.broadcast %mul3A_75 : i32 to vector<16xi32>
    %mul3A_77 = arith.muli %mul3A_76, %and3A_74 : vector<16xi32>
    %add3A_78 = arith.addi %mul3A_77, %shift_right_logical3A_71 : vector<16xi32>
    %swap3A_79 = arith.constant 0 : i32
    %swap3A_80 = arith.index_cast %swap3A_79 : i32 to index
    %swap3A_81 = arith.constant 16 : index
    %swap3A_82 = tpu.vector_load %arg9[%swap3A_80, %swap3A_81] {strides = array<i32>} : memref<4x128xi32, #tpu.memory_space<vmem>>, vector<1x16xi32>,
    %swap3A_83 = vector.shape_cast %swap3A_82 : vector<1x16xi32> to vector<16xi32>
    %swap3A_84 = vector.shape_cast %add3A_78 : vector<16xi32> to vector<1x16xi32>
    tpu.vector_store %arg9[%swap3A_80, %swap3A_81], %swap3A_84 {strides = array<i32>} : memref<4x128xi32, #tpu.memory_space<vmem>>, vector<1x16xi32>,
    %get3A_85 = arith.constant 0 : i32
    %get3A_86 = arith.index_cast %get3A_85 : i32 to index
    %get3A_87 = arith.constant 32 : index
    %get3A_88 = tpu.vector_load %arg8[%get3A_86, %get3A_87] {strides = array<i32>} : memref<4x128xi32, #tpu.memory_space<vmem>>, vector<1x16xi32>,
    %get3A_89 = vector.shape_cast %get3A_88 : vector<1x16xi32> to vector<16xi32>
    %shift_right_logical3A_90 = arith.constant 18 : i32
    %shift_right_logical3A_91 = vector.broadcast %shift_right_logical3A_90 : i32 to vector<16xi32>
    %shift_right_logical3A_92 = arith.shrui %get3A_89, %shift_right_logical3A_91 : vector<16xi32>
    %and3A_93 = arith.constant 262143 : i32
    %and3A_94 = vector.broadcast %and3A_93 : i32 to vector<16xi32>
    %and3A_95 = arith.andi %get3A_89, %and3A_94 : vector<16xi32>
    %mul3A_96 = arith.constant 4 : i32
    %mul3A_97 = vector.broadcast %mul3A_96 : i32 to vector<16xi32>
    %mul3A_98 = arith.muli %mul3A_97, %and3A_95 : vector<16xi32>
    %add3A_99 = arith.addi %mul3A_98, %shift_right_logical3A_92 : vector<16xi32>
    %swap3A_100 = arith.constant 0 : i32
    %swap3A_101 = arith.index_cast %swap3A_100 : i32 to index
    %swap3A_102 = arith.constant 32 : index
    %swap3A_103 = tpu.vector_load %arg8[%swap3A_101, %swap3A_102] {strides = array<i32>} : memref<4x128xi32, #tpu.memory_space<vmem>>, vector<1x16xi32>,
    %swap3A_104 = vector.shape_cast %swap3A_103 : vector<1x16xi32> to vector<16xi32>
    %swap3A_105 = vector.shape_cast %add3A_99 : vector<16xi32> to vector<1x16xi32>
    tpu.vector_store %arg8[%swap3A_101, %swap3A_102], %swap3A_105 {strides = array<i32>} : memref<4x128xi32, #tpu.memory_space<vmem>>, vector<1x16xi32>,
    %get3A_106 = arith.constant 0 : i32
    %get3A_107 = arith.index_cast %get3A_106 : i32 to index
    %get3A_108 = arith.constant 32 : index
    %get3A_109 = tpu.vector_load %arg9[%get3A_107, %get3A_108] {strides = array<i32>} : memref<4x128xi32, #tpu.memory_space<vmem>>, vector<1x16xi32>,
    %get3A_110 = vector.shape_cast %get3A_109 : vector<1x16xi32> to vector<16xi32>
    %shift_right_logical3A_111 = arith.constant 18 : i32
    %shift_right_logical3A_112 = vector.broadcast %shift_right_logical3A_111 : i32 to vector<16xi32>
    %shift_right_logical3A_113 = arith.shrui %get3A_110, %shift_right_logical3A_112 : vector<16xi32>
    %and3A_114 = arith.constant 262143 : i32
    %and3A_115 = vector.broadcast %and3A_114 : i32 to vector<16xi32>
    %and3A_116 = arith.andi %get3A_110, %and3A_115 : vector<16xi32>
    %mul3A_117 = arith.constant 4 : i32
    %mul3A_118 = vector.broadcast %mul3A_117 : i32 to vector<16xi32>
    %mul3A_119 = arith.muli %mul3A_118, %and3A_116 : vector<16xi32>
    %add3A_120 = arith.addi %mul3A_119, %shift_right_logical3A_113 : vector<16xi32>
    %swap3A_121 = arith.constant 0 : i32
    %swap3A_122 = arith.index_cast %swap3A_121 : i32 to index
    %swap3A_123 = arith.constant 32 : index
    %swap3A_124 = tpu.vector_load %arg9[%swap3A_122, %swap3A_123] {strides = array<i32>} : memref<4x128xi32, #tpu.memory_space<vmem>>, vector<1x16xi32>,
    %swap3A_125 = vector.shape_cast %swap3A_124 : vector<1x16xi32> to vector<16xi32>
    %swap3A_126 = vector.shape_cast %add3A_120 : vector<16xi32> to vector<1x16xi32>
    tpu.vector_store %arg9[%swap3A_122, %swap3A_123], %swap3A_126 {strides = array<i32>} : memref<4x128xi32, #tpu.memory_space<vmem>>, vector<1x16xi32>,
    %get3A_127 = arith.constant 0 : i32
    %get3A_128 = arith.index_cast %get3A_127 : i32 to index
    %get3A_129 = arith.constant 48 : index
    %get3A_130 = tpu.vector_load %arg8[%get3A_128, %get3A_129] {strides = array<i32>} : memref<4x128xi32, #tpu.memory_space<vmem>>, vector<1x16xi32>,
    %get3A_131 = vector.shape_cast %get3A_130 : vector<1x16xi32> to vector<16xi32>
    %shift_right_logical3A_132 = arith.constant 18 : i32
    %shift_right_logical3A_133 = vector.broadcast %shift_right_logical3A_132 : i32 to vector<16xi32>
    %shift_right_logical3A_134 = arith.shrui %get3A_131, %shift_right_logical3A_133 : vector<16xi32>
    %and3A_135 = arith.constant 262143 : i32
    %and3A_136 = vector.broadcast %and3A_135 : i32 to vector<16xi32>
    %and3A_137 = arith.andi %get3A_131, %and3A_136 : vector<16xi32>
    %mul3A_138 = arith.constant 4 : i32
    %mul3A_139 = vector.broadcast %mul3A_138 : i32 to vector<16xi32>
    %mul3A_140 = arith.muli %mul3A_139, %and3A_137 : vector<16xi32>
    %add3A_141 = arith.addi %mul3A_140, %shift_right_logical3A_134 : vector<16xi32>
    %swap3A_142 = arith.constant 0 : i32
    %swap3A_143 = arith.index_cast %swap3A_142 : i32 to index
    %swap3A_144 = arith.constant 48 : index
    %swap3A_145 = tpu.vector_load %arg8[%swap3A_143, %swap3A_144] {strides = array<i32>} : memref<4x128xi32, #tpu.memory_space<vmem>>, vector<1x16xi32>,
    %swap3A_146 = vector.shape_cast %swap3A_145 : vector<1x16xi32> to vector<16xi32>
    %swap3A_147 = vector.shape_cast %add3A_141 : vector<16xi32> to vector<1x16xi32>
    tpu.vector_store %arg8[%swap3A_143, %swap3A_144], %swap3A_147 {strides = array<i32>} : memref<4x128xi32, #tpu.memory_space<vmem>>, vector<1x16xi32>,
    %get3A_148 = arith.constant 0 : i32
    %get3A_149 = arith.index_cast %get3A_148 : i32 to index
    %get3A_150 = arith.constant 48 : index
    %get3A_151 = tpu.vector_load %arg9[%get3A_149, %get3A_150] {strides = array<i32>} : memref<4x128xi32, #tpu.memory_space<vmem>>, vector<1x16xi32>,
    %get3A_152 = vector.shape_cast %get3A_151 : vector<1x16xi32> to vector<16xi32>
    %shift_right_logical3A_153 = arith.constant 18 : i32
    %shift_right_logical3A_154 = vector.broadcast %shift_right_logical3A_153 : i32 to vector<16xi32>
    %shift_right_logical3A_155 = arith.shrui %get3A_152, %shift_right_logical3A_154 : vector<16xi32>
    %and3A_156 = arith.constant 262143 : i32
    %and3A_157 = vector.broadcast %and3A_156 : i32 to vector<16xi32>
    %and3A_158 = arith.andi %get3A_152, %and3A_157 : vector<16xi32>
    %mul3A_159 = arith.constant 4 : i32
    %mul3A_160 = vector.broadcast %mul3A_159 : i32 to vector<16xi32>
    %mul3A_161 = arith.muli %mul3A_160, %and3A_158 : vector<16xi32>
    %add3A_162 = arith.addi %mul3A_161, %shift_right_logical3A_155 : vector<16xi32>
    %swap3A_163 = arith.constant 0 : i32
    %swap3A_164 = arith.index_cast %swap3A_163 : i32 to index
    %swap3A_165 = arith.constant 48 : index
    %swap3A_166 = tpu.vector_load %arg9[%swap3A_164, %swap3A_165] {strides = array<i32>} : memref<4x128xi32, #tpu.memory_space<vmem>>, vector<1x16xi32>,
    %swap3A_167 = vector.shape_cast %swap3A_166 : vector<1x16xi32> to vector<16xi32>
    %swap3A_168 = vector.shape_cast %add3A_162 : vector<16xi32> to vector<1x16xi32>
    tpu.vector_store %arg9[%swap3A_164, %swap3A_165], %swap3A_168 {strides = array<i32>} : memref<4x128xi32, #tpu.memory_space<vmem>>, vector<1x16xi32>,
    %get3A_169 = arith.constant 0 : i32
    %get3A_170 = arith.index_cast %get3A_169 : i32 to index
    %get3A_171 = arith.constant 64 : index
    %get3A_172 = tpu.vector_load %arg8[%get3A_170, %get3A_171] {strides = array<i32>} : memref<4x128xi32, #tpu.memory_space<vmem>>, vector<1x16xi32>,
    %get3A_173 = vector.shape_cast %get3A_172 : vector<1x16xi32> to vector<16xi32>
    %shift_right_logical3A_174 = arith.constant 18 : i32
    %shift_right_logical3A_175 = vector.broadcast %shift_right_logical3A_174 : i32 to vector<16xi32>
    %shift_right_logical3A_176 = arith.shrui %get3A_173, %shift_right_logical3A_175 : vector<16xi32>
    %and3A_177 = arith.constant 262143 : i32
    %and3A_178 = vector.broadcast %and3A_177 : i32 to vector<16xi32>
    %and3A_179 = arith.andi %get3A_173, %and3A_178 : vector<16xi32>
    %mul3A_180 = arith.constant 4 : i32
    %mul3A_181 = vector.broadcast %mul3A_180 : i32 to vector<16xi32>
    %mul3A_182 = arith.muli %mul3A_181, %and3A_179 : vector<16xi32>
    %add3A_183 = arith.addi %mul3A_182, %shift_right_logical3A_176 : vector<16xi32>
    %swap3A_184 = arith.constant 0 : i32
    %swap3A_185 = arith.index_cast %swap3A_184 : i32 to index
    %swap3A_186 = arith.constant 64 : index
    %swap3A_187 = tpu.vector_load %arg8[%swap3A_185, %swap3A_186] {strides = array<i32>} : memref<4x128xi32, #tpu.memory_space<vmem>>, vector<1x16xi32>,
    %swap3A_188 = vector.shape_cast %swap3A_187 : vector<1x16xi32> to vector<16xi32>
    %swap3A_189 = vector.shape_cast %add3A_183 : vector<16xi32> to vector<1x16xi32>
    tpu.vector_store %arg8[%swap3A_185, %swap3A_186], %swap3A_189 {strides = array<i32>} : memref<4x128xi32, #tpu.memory_space<vmem>>, vector<1x16xi32>,
    %get3A_190 = arith.constant 0 : i32
    %get3A_191 = arith.index_cast %get3A_190 : i32 to index
    %get3A_192 = arith.constant 64 : index
    %get3A_193 = tpu.vector_load %arg9[%get3A_191, %get3A_192] {strides = array<i32>} : memref<4x128xi32, #tpu.memory_space<vmem>>, vector<1x16xi32>,
    %get3A_194 = vector.shape_cast %get3A_193 : vector<1x16xi32> to vector<16xi32>
    %shift_right_logical3A_195 = arith.constant 18 : i32
    %shift_right_logical3A_196 = vector.broadcast %shift_right_logical3A_195 : i32 to vector<16xi32>
    %shift_right_logical3A_197 = arith.shrui %get3A_194, %shift_right_logical3A_196 : vector<16xi32>
    %and3A_198 = arith.constant 262143 : i32
    %and3A_199 = vector.broadcast %and3A_198 : i32 to vector<16xi32>
    %and3A_200 = arith.andi %get3A_194, %and3A_199 : vector<16xi32>
    %mul3A_201 = arith.constant 4 : i32
    %mul3A_202 = vector.broadcast %mul3A_201 : i32 to vector<16xi32>
    %mul3A_203 = arith.muli %mul3A_202, %and3A_200 : vector<16xi32>
    %add3A_204 = arith.addi %mul3A_203, %shift_right_logical3A_197 : vector<16xi32>
    %swap3A_205 = arith.constant 0 : i32
    %swap3A_206 = arith.index_cast %swap3A_205 : i32 to index
    %swap3A_207 = arith.constant 64 : index
    %swap3A_208 = tpu.vector_load %arg9[%swap3A_206, %swap3A_207] {strides = array<i32>} : memref<4x128xi32, #tpu.memory_space<vmem>>, vector<1x16xi32>,
    %swap3A_209 = vector.shape_cast %swap3A_208 : vector<1x16xi32> to vector<16xi32>
    %swap3A_210 = vector.shape_cast %add3A_204 : vector<16xi32> to vector<1x16xi32>
    tpu.vector_store %arg9[%swap3A_206, %swap3A_207], %swap3A_210 {strides = array<i32>} : memref<4x128xi32, #tpu.memory_space<vmem>>, vector<1x16xi32>,
    %get3A_211 = arith.constant 0 : i32
    %get3A_212 = arith.index_cast %get3A_211 : i32 to index
    %get3A_213 = arith.constant 80 : index
    %get3A_214 = tpu.vector_load %arg8[%get3A_212, %get3A_213] {strides = array<i32>} : memref<4x128xi32, #tpu.memory_space<vmem>>, vector<1x16xi32>,
    %get3A_215 = vector.shape_cast %get3A_214 : vector<1x16xi32> to vector<16xi32>
    %shift_right_logical3A_216 = arith.constant 18 : i32
    %shift_right_logical3A_217 = vector.broadcast %shift_right_logical3A_216 : i32 to vector<16xi32>
    %shift_right_logical3A_218 = arith.shrui %get3A_215, %shift_right_logical3A_217 : vector<16xi32>
    %and3A_219 = arith.constant 262143 : i32
    %and3A_220 = vector.broadcast %and3A_219 : i32 to vector<16xi32>
    %and3A_221 = arith.andi %get3A_215, %and3A_220 : vector<16xi32>
    %mul3A_222 = arith.constant 4 : i32
    %mul3A_223 = vector.broadcast %mul3A_222 : i32 to vector<16xi32>
    %mul3A_224 = arith.muli %mul3A_223, %and3A_221 : vector<16xi32>
    %add3A_225 = arith.addi %mul3A_224, %shift_right_logical3A_218 : vector<16xi32>
    %swap3A_226 = arith.constant 0 : i32
    %swap3A_227 = arith.index_cast %swap3A_226 : i32 to index
    %swap3A_228 = arith.constant 80 : index
    %swap3A_229 = tpu.vector_load %arg8[%swap3A_227, %swap3A_228] {strides = array<i32>} : memref<4x128xi32, #tpu.memory_space<vmem>>, vector<1x16xi32>,
    %swap3A_230 = vector.shape_cast %swap3A_229 : vector<1x16xi32> to vector<16xi32>
    %swap3A_231 = vector.shape_cast %add3A_225 : vector<16xi32> to vector<1x16xi32>
    tpu.vector_store %arg8[%swap3A_227, %swap3A_228], %swap3A_231 {strides = array<i32>} : memref<4x128xi32, #tpu.memory_space<vmem>>, vector<1x16xi32>,
    %get3A_232 = arith.constant 0 : i32
    %get3A_233 = arith.index_cast %get3A_232 : i32 to index
    %get3A_234 = arith.constant 80 : index
    %get3A_235 = tpu.vector_load %arg9[%get3A_233, %get3A_234] {strides = array<i32>} : memref<4x128xi32, #tpu.memory_space<vmem>>, vector<1x16xi32>,
    %get3A_236 = vector.shape_cast %get3A_235 : vector<1x16xi32> to vector<16xi32>
    %shift_right_logical3A_237 = arith.constant 18 : i32
    %shift_right_logical3A_238 = vector.broadcast %shift_right_logical3A_237 : i32 to vector<16xi32>
    %shift_right_logical3A_239 = arith.shrui %get3A_236, %shift_right_logical3A_238 : vector<16xi32>
    %and3A_240 = arith.constant 262143 : i32
    %and3A_241 = vector.broadcast %and3A_240 : i32 to vector<16xi32>
    %and3A_242 = arith.andi %get3A_236, %and3A_241 : vector<16xi32>
    %mul3A_243 = arith.constant 4 : i32
    %mul3A_244 = vector.broadcast %mul3A_243 : i32 to vector<16xi32>
    %mul3A_245 = arith.muli %mul3A_244, %and3A_242 : vector<16xi32>
    %add3A_246 = arith.addi %mul3A_245, %shift_right_logical3A_239 : vector<16xi32>
    %swap3A_247 = arith.constant 0 : i32
    %swap3A_248 = arith.index_cast %swap3A_247 : i32 to index
    %swap3A_249 = arith.constant 80 : index
    %swap3A_250 = tpu.vector_load %arg9[%swap3A_248, %swap3A_249] {strides = array<i32>} : memref<4x128xi32, #tpu.memory_space<vmem>>, vector<1x16xi32>,
    %swap3A_251 = vector.shape_cast %swap3A_250 : vector<1x16xi32> to vector<16xi32>
    %swap3A_252 = vector.shape_cast %add3A_246 : vector<16xi32> to vector<1x16xi32>
    tpu.vector_store %arg9[%swap3A_248, %swap3A_249], %swap3A_252 {strides = array<i32>} : memref<4x128xi32, #tpu.memory_space<vmem>>, vector<1x16xi32>,
    %get3A_253 = arith.constant 0 : i32
    %get3A_254 = arith.index_cast %get3A_253 : i32 to index
    %get3A_255 = arith.constant 96 : index
    %get3A_256 = tpu.vector_load %arg8[%get3A_254, %get3A_255] {strides = array<i32>} : memref<4x128xi32, #tpu.memory_space<vmem>>, vector<1x16xi32>,
    %get3A_257 = vector.shape_cast %get3A_256 : vector<1x16xi32> to vector<16xi32>
    %shift_right_logical3A_258 = arith.constant 18 : i32
    %shift_right_logical3A_259 = vector.broadcast %shift_right_logical3A_258 : i32 to vector<16xi32>
    %shift_right_logical3A_260 = arith.shrui %get3A_257, %shift_right_logical3A_259 : vector<16xi32>
    %and3A_261 = arith.constant 262143 : i32
    %and3A_262 = vector.broadcast %and3A_261 : i32 to vector<16xi32>
    %and3A_263 = arith.andi %get3A_257, %and3A_262 : vector<16xi32>
    %mul3A_264 = arith.constant 4 : i32
    %mul3A_265 = vector.broadcast %mul3A_264 : i32 to vector<16xi32>
    %mul3A_266 = arith.muli %mul3A_265, %and3A_263 : vector<16xi32>
    %add3A_267 = arith.addi %mul3A_266, %shift_right_logical3A_260 : vector<16xi32>
    %swap3A_268 = arith.constant 0 : i32
    %swap3A_269 = arith.index_cast %swap3A_268 : i32 to index
    %swap3A_270 = arith.constant 96 : index
    %swap3A_271 = tpu.vector_load %arg8[%swap3A_269, %swap3A_270] {strides = array<i32>} : memref<4x128xi32, #tpu.memory_space<vmem>>, vector<1x16xi32>,
    %swap3A_272 = vector.shape_cast %swap3A_271 : vector<1x16xi32> to vector<16xi32>
    %swap3A_273 = vector.shape_cast %add3A_267 : vector<16xi32> to vector<1x16xi32>
    tpu.vector_store %arg8[%swap3A_269, %swap3A_270], %swap3A_273 {strides = array<i32>} : memref<4x128xi32, #tpu.memory_space<vmem>>, vector<1x16xi32>,
    %get3A_274 = arith.constant 0 : i32
    %get3A_275 = arith.index_cast %get3A_274 : i32 to index
    %get3A_276 = arith.constant 96 : index
    %get3A_277 = tpu.vector_load %arg9[%get3A_275, %get3A_276] {strides = array<i32>} : memref<4x128xi32, #tpu.memory_space<vmem>>, vector<1x16xi32>,
    %get3A_278 = vector.shape_cast %get3A_277 : vector<1x16xi32> to vector<16xi32>
    %shift_right_logical3A_279 = arith.constant 18 : i32
    %shift_right_logical3A_280 = vector.broadcast %shift_right_logical3A_279 : i32 to vector<16xi32>
    %shift_right_logical3A_281 = arith.shrui %get3A_278, %shift_right_logical3A_280 : vector<16xi32>
    %and3A_282 = arith.constant 262143 : i32
    %and3A_283 = vector.broadcast %and3A_282 : i32 to vector<16xi32>
    %and3A_284 = arith.andi %get3A_278, %and3A_283 : vector<16xi32>
    %mul3A_285 = arith.constant 4 : i32
    %mul3A_286 = vector.broadcast %mul3A_285 : i32 to vector<16xi32>
    %mul3A_287 = arith.muli %mul3A_286, %and3A_284 : vector<16xi32>
    %add3A_288 = arith.addi %mul3A_287, %shift_right_logical3A_281 : vector<16xi32>
    %swap3A_289 = arith.constant 0 : i32
    %swap3A_290 = arith.index_cast %swap3A_289 : i32 to index
    %swap3A_291 = arith.constant 96 : index
    %swap3A_292 = tpu.vector_load %arg9[%swap3A_290, %swap3A_291] {strides = array<i32>} : memref<4x128xi32, #tpu.memory_space<vmem>>, vector<1x16xi32>,
    %swap3A_293 = vector.shape_cast %swap3A_292 : vector<1x16xi32> to vector<16xi32>
    %swap3A_294 = vector.shape_cast %add3A_288 : vector<16xi32> to vector<1x16xi32>
    tpu.vector_store %arg9[%swap3A_290, %swap3A_291], %swap3A_294 {strides = array<i32>} : memref<4x128xi32, #tpu.memory_space<vmem>>, vector<1x16xi32>,
    %get3A_295 = arith.constant 0 : i32
    %get3A_296 = arith.index_cast %get3A_295 : i32 to index
    %get3A_297 = arith.constant 112 : index
    %get3A_298 = tpu.vector_load %arg8[%get3A_296, %get3A_297] {strides = array<i32>} : memref<4x128xi32, #tpu.memory_space<vmem>>, vector<1x16xi32>,
    %get3A_299 = vector.shape_cast %get3A_298 : vector<1x16xi32> to vector<16xi32>
    %shift_right_logical3A_300 = arith.constant 18 : i32
    %shift_right_logical3A_301 = vector.broadcast %shift_right_logical3A_300 : i32 to vector<16xi32>
    %shift_right_logical3A_302 = arith.shrui %get3A_299, %shift_right_logical3A_301 : vector<16xi32>
    %and3A_303 = arith.constant 262143 : i32
    %and3A_304 = vector.broadcast %and3A_303 : i32 to vector<16xi32>
    %and3A_305 = arith.andi %get3A_299, %and3A_304 : vector<16xi32>
    %mul3A_306 = arith.constant 4 : i32
    %mul3A_307 = vector.broadcast %mul3A_306 : i32 to vector<16xi32>
    %mul3A_308 = arith.muli %mul3A_307, %and3A_305 : vector<16xi32>
    %add3A_309 = arith.addi %mul3A_308, %shift_right_logical3A_302 : vector<16xi32>
    %swap3A_310 = arith.constant 0 : i32
    %swap3A_311 = arith.index_cast %swap3A_310 : i32 to index
    %swap3A_312 = arith.constant 112 : index
    %swap3A_313 = tpu.vector_load %arg8[%swap3A_311, %swap3A_312] {strides = array<i32>} : memref<4x128xi32, #tpu.memory_space<vmem>>, vector<1x16xi32>,
    %swap3A_314 = vector.shape_cast %swap3A_313 : vector<1x16xi32> to vector<16xi32>
    %swap3A_315 = vector.shape_cast %add3A_309 : vector<16xi32> to vector<1x16xi32>
    tpu.vector_store %arg8[%swap3A_311, %swap3A_312], %swap3A_315 {strides = array<i32>} : memref<4x128xi32, #tpu.memory_space<vmem>>, vector<1x16xi32>,
    %get3A_316 = arith.constant 0 : i32
    %get3A_317 = arith.index_cast %get3A_316 : i32 to index
    %get3A_318 = arith.constant 112 : index
    %get3A_319 = tpu.vector_load %arg9[%get3A_317, %get3A_318] {strides = array<i32>} : memref<4x128xi32, #tpu.memory_space<vmem>>, vector<1x16xi32>,
    %get3A_320 = vector.shape_cast %get3A_319 : vector<1x16xi32> to vector<16xi32>
    %shift_right_logical3A_321 = arith.constant 18 : i32
    %shift_right_logical3A_322 = vector.broadcast %shift_right_logical3A_321 : i32 to vector<16xi32>
    %shift_right_logical3A_323 = arith.shrui %get3A_320, %shift_right_logical3A_322 : vector<16xi32>
    %and3A_324 = arith.constant 262143 : i32
    %and3A_325 = vector.broadcast %and3A_324 : i32 to vector<16xi32>
    %and3A_326 = arith.andi %get3A_320, %and3A_325 : vector<16xi32>
    %mul3A_327 = arith.constant 4 : i32
    %mul3A_328 = vector.broadcast %mul3A_327 : i32 to vector<16xi32>
    %mul3A_329 = arith.muli %mul3A_328, %and3A_326 : vector<16xi32>
    %add3A_330 = arith.addi %mul3A_329, %shift_right_logical3A_323 : vector<16xi32>
    %swap3A_331 = arith.constant 0 : i32
    %swap3A_332 = arith.index_cast %swap3A_331 : i32 to index
    %swap3A_333 = arith.constant 112 : index
    %swap3A_334 = tpu.vector_load %arg9[%swap3A_332, %swap3A_333] {strides = array<i32>} : memref<4x128xi32, #tpu.memory_space<vmem>>, vector<1x16xi32>,
    %swap3A_335 = vector.shape_cast %swap3A_334 : vector<1x16xi32> to vector<16xi32>
    %swap3A_336 = vector.shape_cast %add3A_330 : vector<16xi32> to vector<1x16xi32>
    tpu.vector_store %arg9[%swap3A_332, %swap3A_333], %swap3A_336 {strides = array<i32>} : memref<4x128xi32, #tpu.memory_space<vmem>>, vector<1x16xi32>,
    %get3A_337 = arith.constant 1 : i32
    %get3A_338 = arith.index_cast %get3A_337 : i32 to index
    %get3A_339 = arith.constant 0 : index
    %get3A_340 = tpu.vector_load %arg8[%get3A_338, %get3A_339] {strides = array<i32>} : memref<4x128xi32, #tpu.memory_space<vmem>>, vector<1x16xi32>,
    %get3A_341 = vector.shape_cast %get3A_340 : vector<1x16xi32> to vector<16xi32>
    %shift_right_logical3A_342 = arith.constant 18 : i32
    %shift_right_logical3A_343 = vector.broadcast %shift_right_logical3A_342 : i32 to vector<16xi32>
    %shift_right_logical3A_344 = arith.shrui %get3A_341, %shift_right_logical3A_343 : vector<16xi32>
    %and3A_345 = arith.constant 262143 : i32
    %and3A_346 = vector.broadcast %and3A_345 : i32 to vector<16xi32>
    %and3A_347 = arith.andi %get3A_341, %and3A_346 : vector<16xi32>
    %mul3A_348 = arith.constant 4 : i32
    %mul3A_349 = vector.broadcast %mul3A_348 : i32 to vector<16xi32>
    %mul3A_350 = arith.muli %mul3A_349, %and3A_347 : vector<16xi32>
    %add3A_351 = arith.addi %mul3A_350, %shift_right_logical3A_344 : vector<16xi32>
    %swap3A_352 = arith.constant 1 : i32
    %swap3A_353 = arith.index_cast %swap3A_352 : i32 to index
    %swap3A_354 = arith.constant 0 : index
    %swap3A_355 = tpu.vector_load %arg8[%swap3A_353, %swap3A_354] {strides = array<i32>} : memref<4x128xi32, #tpu.memory_space<vmem>>, vector<1x16xi32>,
    %swap3A_356 = vector.shape_cast %swap3A_355 : vector<1x16xi32> to vector<16xi32>
    %swap3A_357 = vector.shape_cast %add3A_351 : vector<16xi32> to vector<1x16xi32>
    tpu.vector_store %arg8[%swap3A_353, %swap3A_354], %swap3A_357 {strides = array<i32>} : memref<4x128xi32, #tpu.memory_space<vmem>>, vector<1x16xi32>,
    %get3A_358 = arith.constant 1 : i32
    %get3A_359 = arith.index_cast %get3A_358 : i32 to index
    %get3A_360 = arith.constant 0 : index
    %get3A_361 = tpu.vector_load %arg9[%get3A_359, %get3A_360] {strides = array<i32>} : memref<4x128xi32, #tpu.memory_space<vmem>>, vector<1x16xi32>,
    %get3A_362 = vector.shape_cast %get3A_361 : vector<1x16xi32> to vector<16xi32>
    %shift_right_logical3A_363 = arith.constant 18 : i32
    %shift_right_logical3A_364 = vector.broadcast %shift_right_logical3A_363 : i32 to vector<16xi32>
    %shift_right_logical3A_365 = arith.shrui %get3A_362, %shift_right_logical3A_364 : vector<16xi32>
    %and3A_366 = arith.constant 262143 : i32
    %and3A_367 = vector.broadcast %and3A_366 : i32 to vector<16xi32>
    %and3A_368 = arith.andi %get3A_362, %and3A_367 : vector<16xi32>
    %mul3A_369 = arith.constant 4 : i32
    %mul3A_370 = vector.broadcast %mul3A_369 : i32 to vector<16xi32>
    %mul3A_371 = arith.muli %mul3A_370, %and3A_368 : vector<16xi32>
    %add3A_372 = arith.addi %mul3A_371, %shift_right_logical3A_365 : vector<16xi32>
    %swap3A_373 = arith.constant 1 : i32
    %swap3A_374 = arith.index_cast %swap3A_373 : i32 to index
    %swap3A_375 = arith.constant 0 : index
    %swap3A_376 = tpu.vector_load %arg9[%swap3A_374, %swap3A_375] {strides = array<i32>} : memref<4x128xi32, #tpu.memory_space<vmem>>, vector<1x16xi32>,
    %swap3A_377 = vector.shape_cast %swap3A_376 : vector<1x16xi32> to vector<16xi32>
    %swap3A_378 = vector.shape_cast %add3A_372 : vector<16xi32> to vector<1x16xi32>
    tpu.vector_store %arg9[%swap3A_374, %swap3A_375], %swap3A_378 {strides = array<i32>} : memref<4x128xi32, #tpu.memory_space<vmem>>, vector<1x16xi32>,
    %get3A_379 = arith.constant 1 : i32
    %get3A_380 = arith.index_cast %get3A_379 : i32 to index
    %get3A_381 = arith.constant 16 : index
    %get3A_382 = tpu.vector_load %arg8[%get3A_380, %get3A_381] {strides = array<i32>} : memref<4x128xi32, #tpu.memory_space<vmem>>, vector<1x16xi32>,
    %get3A_383 = vector.shape_cast %get3A_382 : vector<1x16xi32> to vector<16xi32>
    %shift_right_logical3A_384 = arith.constant 18 : i32
    %shift_right_logical3A_385 = vector.broadcast %shift_right_logical3A_384 : i32 to vector<16xi32>
    %shift_right_logical3A_386 = arith.shrui %get3A_383, %shift_right_logical3A_385 : vector<16xi32>
    %and3A_387 = arith.constant 262143 : i32
    %and3A_388 = vector.broadcast %and3A_387 : i32 to vector<16xi32>
    %and3A_389 = arith.andi %get3A_383, %and3A_388 : vector<16xi32>
    %mul3A_390 = arith.constant 4 : i32
    %mul3A_391 = vector.broadcast %mul3A_390 : i32 to vector<16xi32>
    %mul3A_392 = arith.muli %mul3A_391, %and3A_389 : vector<16xi32>
    %add3A_393 = arith.addi %mul3A_392, %shift_right_logical3A_386 : vector<16xi32>
    %swap3A_394 = arith.constant 1 : i32
    %swap3A_395 = arith.index_cast %swap3A_394 : i32 to index
    %swap3A_396 = arith.constant 16 : index
    %swap3A_397 = tpu.vector_load %arg8[%swap3A_395, %swap3A_396] {strides = array<i32>} : memref<4x128xi32, #tpu.memory_space<vmem>>, vector<1x16xi32>,
    %swap3A_398 = vector.shape_cast %swap3A_397 : vector<1x16xi32> to vector<16xi32>
    %swap3A_399 = vector.shape_cast %add3A_393 : vector<16xi32> to vector<1x16xi32>
    tpu.vector_store %arg8[%swap3A_395, %swap3A_396], %swap3A_399 {strides = array<i32>} : memref<4x128xi32, #tpu.memory_space<vmem>>, vector<1x16xi32>,
    %get3A_400 = arith.constant 1 : i32
    %get3A_401 = arith.index_cast %get3A_400 : i32 to index
    %get3A_402 = arith.constant 16 : index
    %get3A_403 = tpu.vector_load %arg9[%get3A_401, %get3A_402] {strides = array<i32>} : memref<4x128xi32, #tpu.memory_space<vmem>>, vector<1x16xi32>,
    %get3A_404 = vector.shape_cast %get3A_403 : vector<1x16xi32> to vector<16xi32>
    %shift_right_logical3A_405 = arith.constant 18 : i32
    %shift_right_logical3A_406 = vector.broadcast %shift_right_logical3A_405 : i32 to vector<16xi32>
    %shift_right_logical3A_407 = arith.shrui %get3A_404, %shift_right_logical3A_406 : vector<16xi32>
    %and3A_408 = arith.constant 262143 : i32
    %and3A_409 = vector.broadcast %and3A_408 : i32 to vector<16xi32>
    %and3A_410 = arith.andi %get3A_404, %and3A_409 : vector<16xi32>
    %mul3A_411 = arith.constant 4 : i32
    %mul3A_412 = vector.broadcast %mul3A_411 : i32 to vector<16xi32>
    %mul3A_413 = arith.muli %mul3A_412, %and3A_410 : vector<16xi32>
    %add3A_414 = arith.addi %mul3A_413, %shift_right_logical3A_407 : vector<16xi32>
    %swap3A_415 = arith.constant 1 : i32
    %swap3A_416 = arith.index_cast %swap3A_415 : i32 to index
    %swap3A_417 = arith.constant 16 : index
    %swap3A_418 = tpu.vector_load %arg9[%swap3A_416, %swap3A_417] {strides = array<i32>} : memref<4x128xi32, #tpu.memory_space<vmem>>, vector<1x16xi32>,
    %swap3A_419 = vector.shape_cast %swap3A_418 : vector<1x16xi32> to vector<16xi32>
    %swap3A_420 = vector.shape_cast %add3A_414 : vector<16xi32> to vector<1x16xi32>
    tpu.vector_store %arg9[%swap3A_416, %swap3A_417], %swap3A_420 {strides = array<i32>} : memref<4x128xi32, #tpu.memory_space<vmem>>, vector<1x16xi32>,
    %get3A_421 = arith.constant 1 : i32
    %get3A_422 = arith.index_cast %get3A_421 : i32 to index
    %get3A_423 = arith.constant 32 : index
    %get3A_424 = tpu.vector_load %arg8[%get3A_422, %get3A_423] {strides = array<i32>} : memref<4x128xi32, #tpu.memory_space<vmem>>, vector<1x16xi32>,
    %get3A_425 = vector.shape_cast %get3A_424 : vector<1x16xi32> to vector<16xi32>
    %shift_right_logical3A_426 = arith.constant 18 : i32
    %shift_right_logical3A_427 = vector.broadcast %shift_right_logical3A_426 : i32 to vector<16xi32>
    %shift_right_logical3A_428 = arith.shrui %get3A_425, %shift_right_logical3A_427 : vector<16xi32>
    %and3A_429 = arith.constant 262143 : i32
    %and3A_430 = vector.broadcast %and3A_429 : i32 to vector<16xi32>
    %and3A_431 = arith.andi %get3A_425, %and3A_430 : vector<16xi32>
    %mul3A_432 = arith.constant 4 : i32
    %mul3A_433 = vector.broadcast %mul3A_432 : i32 to vector<16xi32>
    %mul3A_434 = arith.muli %mul3A_433, %and3A_431 : vector<16xi32>
    %add3A_435 = arith.addi %mul3A_434, %shift_right_logical3A_428 : vector<16xi32>
    %swap3A_436 = arith.constant 1 : i32
    %swap3A_437 = arith.index_cast %swap3A_436 : i32 to index
    %swap3A_438 = arith.constant 32 : index
    %swap3A_439 = tpu.vector_load %arg8[%swap3A_437, %swap3A_438] {strides = array<i32>} : memref<4x128xi32, #tpu.memory_space<vmem>>, vector<1x16xi32>,
    %swap3A_440 = vector.shape_cast %swap3A_439 : vector<1x16xi32> to vector<16xi32>
    %swap3A_441 = vector.shape_cast %add3A_435 : vector<16xi32> to vector<1x16xi32>
    tpu.vector_store %arg8[%swap3A_437, %swap3A_438], %swap3A_441 {strides = array<i32>} : memref<4x128xi32, #tpu.memory_space<vmem>>, vector<1x16xi32>,
    %get3A_442 = arith.constant 1 : i32
    %get3A_443 = arith.index_cast %get3A_442 : i32 to index
    %get3A_444 = arith.constant 32 : index
    %get3A_445 = tpu.vector_load %arg9[%get3A_443, %get3A_444] {strides = array<i32>} : memref<4x128xi32, #tpu.memory_space<vmem>>, vector<1x16xi32>,
    %get3A_446 = vector.shape_cast %get3A_445 : vector<1x16xi32> to vector<16xi32>
    %shift_right_logical3A_447 = arith.constant 18 : i32
    %shift_right_logical3A_448 = vector.broadcast %shift_right_logical3A_447 : i32 to vector<16xi32>
    %shift_right_logical3A_449 = arith.shrui %get3A_446, %shift_right_logical3A_448 : vector<16xi32>
    %and3A_450 = arith.constant 262143 : i32
    %and3A_451 = vector.broadcast %and3A_450 : i32 to vector<16xi32>
    %and3A_452 = arith.andi %get3A_446, %and3A_451 : vector<16xi32>
    %mul3A_453 = arith.constant 4 : i32
    %mul3A_454 = vector.broadcast %mul3A_453 : i32 to vector<16xi32>
    %mul3A_455 = arith.muli %mul3A_454, %and3A_452 : vector<16xi32>
    %add3A_456 = arith.addi %mul3A_455, %shift_right_logical3A_449 : vector<16xi32>
    %swap3A_457 = arith.constant 1 : i32
    %swap3A_458 = arith.index_cast %swap3A_457 : i32 to index
    %swap3A_459 = arith.constant 32 : index
    %swap3A_460 = tpu.vector_load %arg9[%swap3A_458, %swap3A_459] {strides = array<i32>} : memref<4x128xi32, #tpu.memory_space<vmem>>, vector<1x16xi32>,
    %swap3A_461 = vector.shape_cast %swap3A_460 : vector<1x16xi32> to vector<16xi32>
    %swap3A_462 = vector.shape_cast %add3A_456 : vector<16xi32> to vector<1x16xi32>
    tpu.vector_store %arg9[%swap3A_458, %swap3A_459], %swap3A_462 {strides = array<i32>} : memref<4x128xi32, #tpu.memory_space<vmem>>, vector<1x16xi32>,
    %get3A_463 = arith.constant 1 : i32
    %get3A_464 = arith.index_cast %get3A_463 : i32 to index
    %get3A_465 = arith.constant 48 : index
    %get3A_466 = tpu.vector_load %arg8[%get3A_464, %get3A_465] {strides = array<i32>} : memref<4x128xi32, #tpu.memory_space<vmem>>, vector<1x16xi32>,
    %get3A_467 = vector.shape_cast %get3A_466 : vector<1x16xi32> to vector<16xi32>
    %shift_right_logical3A_468 = arith.constant 18 : i32
    %shift_right_logical3A_469 = vector.broadcast %shift_right_logical3A_468 : i32 to vector<16xi32>
    %shift_right_logical3A_470 = arith.shrui %get3A_467, %shift_right_logical3A_469 : vector<16xi32>
    %and3A_471 = arith.constant 262143 : i32
    %and3A_472 = vector.broadcast %and3A_471 : i32 to vector<16xi32>
    %and3A_473 = arith.andi %get3A_467, %and3A_472 : vector<16xi32>
    %mul3A_474 = arith.constant 4 : i32
    %mul3A_475 = vector.broadcast %mul3A_474 : i32 to vector<16xi32>
    %mul3A_476 = arith.muli %mul3A_475, %and3A_473 : vector<16xi32>
    %add3A_477 = arith.addi %mul3A_476, %shift_right_logical3A_470 : vector<16xi32>
    %swap3A_478 = arith.constant 1 : i32
    %swap3A_479 = arith.index_cast %swap3A_478 : i32 to index
    %swap3A_480 = arith.constant 48 : index
    %swap3A_481 = tpu.vector_load %arg8[%swap3A_479, %swap3A_480] {strides = array<i32>} : memref<4x128xi32, #tpu.memory_space<vmem>>, vector<1x16xi32>,
    %swap3A_482 = vector.shape_cast %swap3A_481 : vector<1x16xi32> to vector<16xi32>
    %swap3A_483 = vector.shape_cast %add3A_477 : vector<16xi32> to vector<1x16xi32>
    tpu.vector_store %arg8[%swap3A_479, %swap3A_480], %swap3A_483 {strides = array<i32>} : memref<4x128xi32, #tpu.memory_space<vmem>>, vector<1x16xi32>,
    %get3A_484 = arith.constant 1 : i32
    %get3A_485 = arith.index_cast %get3A_484 : i32 to index
    %get3A_486 = arith.constant 48 : index
    %get3A_487 = tpu.vector_load %arg9[%get3A_485, %get3A_486] {strides = array<i32>} : memref<4x128xi32, #tpu.memory_space<vmem>>, vector<1x16xi32>,
    %get3A_488 = vector.shape_cast %get3A_487 : vector<1x16xi32> to vector<16xi32>
    %shift_right_logical3A_489 = arith.constant 18 : i32
    %shift_right_logical3A_490 = vector.broadcast %shift_right_logical3A_489 : i32 to vector<16xi32>
    %shift_right_logical3A_491 = arith.shrui %get3A_488, %shift_right_logical3A_490 : vector<16xi32>
    %and3A_492 = arith.constant 262143 : i32
    %and3A_493 = vector.broadcast %and3A_492 : i32 to vector<16xi32>
    %and3A_494 = arith.andi %get3A_488, %and3A_493 : vector<16xi32>
    %mul3A_495 = arith.constant 4 : i32
    %mul3A_496 = vector.broadcast %mul3A_495 : i32 to vector<16xi32>
    %mul3A_497 = arith.muli %mul3A_496, %and3A_494 : vector<16xi32>
    %add3A_498 = arith.addi %mul3A_497, %shift_right_logical3A_491 : vector<16xi32>
    %swap3A_499 = arith.constant 1 : i32
    %swap3A_500 = arith.index_cast %swap3A_499 : i32 to index
    %swap3A_501 = arith.constant 48 : index
    %swap3A_502 = tpu.vector_load %arg9[%swap3A_500, %swap3A_501] {strides = array<i32>} : memref<4x128xi32, #tpu.memory_space<vmem>>, vector<1x16xi32>,
    %swap3A_503 = vector.shape_cast %swap3A_502 : vector<1x16xi32> to vector<16xi32>
    %swap3A_504 = vector.shape_cast %add3A_498 : vector<16xi32> to vector<1x16xi32>
    tpu.vector_store %arg9[%swap3A_500, %swap3A_501], %swap3A_504 {strides = array<i32>} : memref<4x128xi32, #tpu.memory_space<vmem>>, vector<1x16xi32>,
    %get3A_505 = arith.constant 1 : i32
    %get3A_506 = arith.index_cast %get3A_505 : i32 to index
    %get3A_507 = arith.constant 64 : index
    %get3A_508 = tpu.vector_load %arg8[%get3A_506, %get3A_507] {strides = array<i32>} : memref<4x128xi32, #tpu.memory_space<vmem>>, vector<1x16xi32>,
    %get3A_509 = vector.shape_cast %get3A_508 : vector<1x16xi32> to vector<16xi32>
    %shift_right_logical3A_510 = arith.constant 18 : i32
    %shift_right_logical3A_511 = vector.broadcast %shift_right_logical3A_510 : i32 to vector<16xi32>
    %shift_right_logical3A_512 = arith.shrui %get3A_509, %shift_right_logical3A_511 : vector<16xi32>
    %and3A_513 = arith.constant 262143 : i32
    %and3A_514 = vector.broadcast %and3A_513 : i32 to vector<16xi32>
    %and3A_515 = arith.andi %get3A_509, %and3A_514 : vector<16xi32>
    %mul3A_516 = arith.constant 4 : i32
    %mul3A_517 = vector.broadcast %mul3A_516 : i32 to vector<16xi32>
    %mul3A_518 = arith.muli %mul3A_517, %and3A_515 : vector<16xi32>
    %add3A_519 = arith.addi %mul3A_518, %shift_right_logical3A_512 : vector<16xi32>
    %swap3A_520 = arith.constant 1 : i32
    %swap3A_521 = arith.index_cast %swap3A_520 : i32 to index
    %swap3A_522 = arith.constant 64 : index
    %swap3A_523 = tpu.vector_load %arg8[%swap3A_521, %swap3A_522] {strides = array<i32>} : memref<4x128xi32, #tpu.memory_space<vmem>>, vector<1x16xi32>,
    %swap3A_524 = vector.shape_cast %swap3A_523 : vector<1x16xi32> to vector<16xi32>
    %swap3A_525 = vector.shape_cast %add3A_519 : vector<16xi32> to vector<1x16xi32>
    tpu.vector_store %arg8[%swap3A_521, %swap3A_522], %swap3A_525 {strides = array<i32>} : memref<4x128xi32, #tpu.memory_space<vmem>>, vector<1x16xi32>,
    %get3A_526 = arith.constant 1 : i32
    %get3A_527 = arith.index_cast %get3A_526 : i32 to index
    %get3A_528 = arith.constant 64 : index
    %get3A_529 = tpu.vector_load %arg9[%get3A_527, %get3A_528] {strides = array<i32>} : memref<4x128xi32, #tpu.memory_space<vmem>>, vector<1x16xi32>,
    %get3A_530 = vector.shape_cast %get3A_529 : vector<1x16xi32> to vector<16xi32>
    %shift_right_logical3A_531 = arith.constant 18 : i32
    %shift_right_logical3A_532 = vector.broadcast %shift_right_logical3A_531 : i32 to vector<16xi32>
    %shift_right_logical3A_533 = arith.shrui %get3A_530, %shift_right_logical3A_532 : vector<16xi32>
    %and3A_534 = arith.constant 262143 : i32
    %and3A_535 = vector.broadcast %and3A_534 : i32 to vector<16xi32>
    %and3A_536 = arith.andi %get3A_530, %and3A_535 : vector<16xi32>
    %mul3A_537 = arith.constant 4 : i32
    %mul3A_538 = vector.broadcast %mul3A_537 : i32 to vector<16xi32>
    %mul3A_539 = arith.muli %mul3A_538, %and3A_536 : vector<16xi32>
    %add3A_540 = arith.addi %mul3A_539, %shift_right_logical3A_533 : vector<16xi32>
    %swap3A_541 = arith.constant 1 : i32
    %swap3A_542 = arith.index_cast %swap3A_541 : i32 to index
    %swap3A_543 = arith.constant 64 : index
    %swap3A_544 = tpu.vector_load %arg9[%swap3A_542, %swap3A_543] {strides = array<i32>} : memref<4x128xi32, #tpu.memory_space<vmem>>, vector<1x16xi32>,
    %swap3A_545 = vector.shape_cast %swap3A_544 : vector<1x16xi32> to vector<16xi32>
    %swap3A_546 = vector.shape_cast %add3A_540 : vector<16xi32> to vector<1x16xi32>
    tpu.vector_store %arg9[%swap3A_542, %swap3A_543], %swap3A_546 {strides = array<i32>} : memref<4x128xi32, #tpu.memory_space<vmem>>, vector<1x16xi32>,
    %get3A_547 = arith.constant 1 : i32
    %get3A_548 = arith.index_cast %get3A_547 : i32 to index
    %get3A_549 = arith.constant 80 : index
    %get3A_550 = tpu.vector_load %arg8[%get3A_548, %get3A_549] {strides = array<i32>} : memref<4x128xi32, #tpu.memory_space<vmem>>, vector<1x16xi32>,
    %get3A_551 = vector.shape_cast %get3A_550 : vector<1x16xi32> to vector<16xi32>
    %shift_right_logical3A_552 = arith.constant 18 : i32
    %shift_right_logical3A_553 = vector.broadcast %shift_right_logical3A_552 : i32 to vector<16xi32>
    %shift_right_logical3A_554 = arith.shrui %get3A_551, %shift_right_logical3A_553 : vector<16xi32>
    %and3A_555 = arith.constant 262143 : i32
    %and3A_556 = vector.broadcast %and3A_555 : i32 to vector<16xi32>
    %and3A_557 = arith.andi %get3A_551, %and3A_556 : vector<16xi32>
    %mul3A_558 = arith.constant 4 : i32
    %mul3A_559 = vector.broadcast %mul3A_558 : i32 to vector<16xi32>
    %mul3A_560 = arith.muli %mul3A_559, %and3A_557 : vector<16xi32>
    %add3A_561 = arith.addi %mul3A_560, %shift_right_logical3A_554 : vector<16xi32>
    %swap3A_562 = arith.constant 1 : i32
    %swap3A_563 = arith.index_cast %swap3A_562 : i32 to index
    %swap3A_564 = arith.constant 80 : index
    %swap3A_565 = tpu.vector_load %arg8[%swap3A_563, %swap3A_564] {strides = array<i32>} : memref<4x128xi32, #tpu.memory_space<vmem>>, vector<1x16xi32>,
    %swap3A_566 = vector.shape_cast %swap3A_565 : vector<1x16xi32> to vector<16xi32>
    %swap3A_567 = vector.shape_cast %add3A_561 : vector<16xi32> to vector<1x16xi32>
    tpu.vector_store %arg8[%swap3A_563, %swap3A_564], %swap3A_567 {strides = array<i32>} : memref<4x128xi32, #tpu.memory_space<vmem>>, vector<1x16xi32>,
    %get3A_568 = arith.constant 1 : i32
    %get3A_569 = arith.index_cast %get3A_568 : i32 to index
    %get3A_570 = arith.constant 80 : index
    %get3A_571 = tpu.vector_load %arg9[%get3A_569, %get3A_570] {strides = array<i32>} : memref<4x128xi32, #tpu.memory_space<vmem>>, vector<1x16xi32>,
    %get3A_572 = vector.shape_cast %get3A_571 : vector<1x16xi32> to vector<16xi32>
    %shift_right_logical3A_573 = arith.constant 18 : i32
    %shift_right_logical3A_574 = vector.broadcast %shift_right_logical3A_573 : i32 to vector<16xi32>
    %shift_right_logical3A_575 = arith.shrui %get3A_572, %shift_right_logical3A_574 : vector<16xi32>
    %and3A_576 = arith.constant 262143 : i32
    %and3A_577 = vector.broadcast %and3A_576 : i32 to vector<16xi32>
    %and3A_578 = arith.andi %get3A_572, %and3A_577 : vector<16xi32>
    %mul3A_579 = arith.constant 4 : i32
    %mul3A_580 = vector.broadcast %mul3A_579 : i32 to vector<16xi32>
    %mul3A_581 = arith.muli %mul3A_580, %and3A_578 : vector<16xi32>
    %add3A_582 = arith.addi %mul3A_581, %shift_right_logical3A_575 : vector<16xi32>
    %swap3A_583 = arith.constant 1 : i32
    %swap3A_584 = arith.index_cast %swap3A_583 : i32 to index
    %swap3A_585 = arith.constant 80 : index
    %swap3A_586 = tpu.vector_load %arg9[%swap3A_584, %swap3A_585] {strides = array<i32>} : memref<4x128xi32, #tpu.memory_space<vmem>>, vector<1x16xi32>,
    %swap3A_587 = vector.shape_cast %swap3A_586 : vector<1x16xi32> to vector<16xi32>
    %swap3A_588 = vector.shape_cast %add3A_582 : vector<16xi32> to vector<1x16xi32>
    tpu.vector_store %arg9[%swap3A_584, %swap3A_585], %swap3A_588 {strides = array<i32>} : memref<4x128xi32, #tpu.memory_space<vmem>>, vector<1x16xi32>,
    %get3A_589 = arith.constant 1 : i32
    %get3A_590 = arith.index_cast %get3A_589 : i32 to index
    %get3A_591 = arith.constant 96 : index
    %get3A_592 = tpu.vector_load %arg8[%get3A_590, %get3A_591] {strides = array<i32>} : memref<4x128xi32, #tpu.memory_space<vmem>>, vector<1x16xi32>,
    %get3A_593 = vector.shape_cast %get3A_592 : vector<1x16xi32> to vector<16xi32>
    %shift_right_logical3A_594 = arith.constant 18 : i32
    %shift_right_logical3A_595 = vector.broadcast %shift_right_logical3A_594 : i32 to vector<16xi32>
    %shift_right_logical3A_596 = arith.shrui %get3A_593, %shift_right_logical3A_595 : vector<16xi32>
    %and3A_597 = arith.constant 262143 : i32
    %and3A_598 = vector.broadcast %and3A_597 : i32 to vector<16xi32>
    %and3A_599 = arith.andi %get3A_593, %and3A_598 : vector<16xi32>
    %mul3A_600 = arith.constant 4 : i32
    %mul3A_601 = vector.broadcast %mul3A_600 : i32 to vector<16xi32>
    %mul3A_602 = arith.muli %mul3A_601, %and3A_599 : vector<16xi32>
    %add3A_603 = arith.addi %mul3A_602, %shift_right_logical3A_596 : vector<16xi32>
    %swap3A_604 = arith.constant 1 : i32
    %swap3A_605 = arith.index_cast %swap3A_604 : i32 to index
    %swap3A_606 = arith.constant 96 : index
    %swap3A_607 = tpu.vector_load %arg8[%swap3A_605, %swap3A_606] {strides = array<i32>} : memref<4x128xi32, #tpu.memory_space<vmem>>, vector<1x16xi32>,
    %swap3A_608 = vector.shape_cast %swap3A_607 : vector<1x16xi32> to vector<16xi32>
    %swap3A_609 = vector.shape_cast %add3A_603 : vector<16xi32> to vector<1x16xi32>
    tpu.vector_store %arg8[%swap3A_605, %swap3A_606], %swap3A_609 {strides = array<i32>} : memref<4x128xi32, #tpu.memory_space<vmem>>, vector<1x16xi32>,
    %get3A_610 = arith.constant 1 : i32
    %get3A_611 = arith.index_cast %get3A_610 : i32 to index
    %get3A_612 = arith.constant 96 : index
    %get3A_613 = tpu.vector_load %arg9[%get3A_611, %get3A_612] {strides = array<i32>} : memref<4x128xi32, #tpu.memory_space<vmem>>, vector<1x16xi32>,
    %get3A_614 = vector.shape_cast %get3A_613 : vector<1x16xi32> to vector<16xi32>
    %shift_right_logical3A_615 = arith.constant 18 : i32
    %shift_right_logical3A_616 = vector.broadcast %shift_right_logical3A_615 : i32 to vector<16xi32>
    %shift_right_logical3A_617 = arith.shrui %get3A_614, %shift_right_logical3A_616 : vector<16xi32>
    %and3A_618 = arith.constant 262143 : i32
    %and3A_619 = vector.broadcast %and3A_618 : i32 to vector<16xi32>
    %and3A_620 = arith.andi %get3A_614, %and3A_619 : vector<16xi32>
    %mul3A_621 = arith.constant 4 : i32
    %mul3A_622 = vector.broadcast %mul3A_621 : i32 to vector<16xi32>
    %mul3A_623 = arith.muli %mul3A_622, %and3A_620 : vector<16xi32>
    %add3A_624 = arith.addi %mul3A_623, %shift_right_logical3A_617 : vector<16xi32>
    %swap3A_625 = arith.constant 1 : i32
    %swap3A_626 = arith.index_cast %swap3A_625 : i32 to index
    %swap3A_627 = arith.constant 96 : index
    %swap3A_628 = tpu.vector_load %arg9[%swap3A_626, %swap3A_627] {strides = array<i32>} : memref<4x128xi32, #tpu.memory_space<vmem>>, vector<1x16xi32>,
    %swap3A_629 = vector.shape_cast %swap3A_628 : vector<1x16xi32> to vector<16xi32>
    %swap3A_630 = vector.shape_cast %add3A_624 : vector<16xi32> to vector<1x16xi32>
    tpu.vector_store %arg9[%swap3A_626, %swap3A_627], %swap3A_630 {strides = array<i32>} : memref<4x128xi32, #tpu.memory_space<vmem>>, vector<1x16xi32>,
    %get3A_631 = arith.constant 1 : i32
    %get3A_632 = arith.index_cast %get3A_631 : i32 to index
    %get3A_633 = arith.constant 112 : index
    %get3A_634 = tpu.vector_load %arg8[%get3A_632, %get3A_633] {strides = array<i32>} : memref<4x128xi32, #tpu.memory_space<vmem>>, vector<1x16xi32>,
    %get3A_635 = vector.shape_cast %get3A_634 : vector<1x16xi32> to vector<16xi32>
    %shift_right_logical3A_636 = arith.constant 18 : i32
    %shift_right_logical3A_637 = vector.broadcast %shift_right_logical3A_636 : i32 to vector<16xi32>
    %shift_right_logical3A_638 = arith.shrui %get3A_635, %shift_right_logical3A_637 : vector<16xi32>
    %and3A_639 = arith.constant 262143 : i32
    %and3A_640 = vector.broadcast %and3A_639 : i32 to vector<16xi32>
    %and3A_641 = arith.andi %get3A_635, %and3A_640 : vector<16xi32>
    %mul3A_642 = arith.constant 4 : i32
    %mul3A_643 = vector.broadcast %mul3A_642 : i32 to vector<16xi32>
    %mul3A_644 = arith.muli %mul3A_643, %and3A_641 : vector<16xi32>
    %add3A_645 = arith.addi %mul3A_644, %shift_right_logical3A_638 : vector<16xi32>
    %swap3A_646 = arith.constant 1 : i32
    %swap3A_647 = arith.index_cast %swap3A_646 : i32 to index
    %swap3A_648 = arith.constant 112 : index
    %swap3A_649 = tpu.vector_load %arg8[%swap3A_647, %swap3A_648] {strides = array<i32>} : memref<4x128xi32, #tpu.memory_space<vmem>>, vector<1x16xi32>,
    %swap3A_650 = vector.shape_cast %swap3A_649 : vector<1x16xi32> to vector<16xi32>
    %swap3A_651 = vector.shape_cast %add3A_645 : vector<16xi32> to vector<1x16xi32>
    tpu.vector_store %arg8[%swap3A_647, %swap3A_648], %swap3A_651 {strides = array<i32>} : memref<4x128xi32, #tpu.memory_space<vmem>>, vector<1x16xi32>,
    %get3A_652 = arith.constant 1 : i32
    %get3A_653 = arith.index_cast %get3A_652 : i32 to index
    %get3A_654 = arith.constant 112 : index
    %get3A_655 = tpu.vector_load %arg9[%get3A_653, %get3A_654] {strides = array<i32>} : memref<4x128xi32, #tpu.memory_space<vmem>>, vector<1x16xi32>,
    %get3A_656 = vector.shape_cast %get3A_655 : vector<1x16xi32> to vector<16xi32>
    %shift_right_logical3A_657 = arith.constant 18 : i32
    %shift_right_logical3A_658 = vector.broadcast %shift_right_logical3A_657 : i32 to vector<16xi32>
    %shift_right_logical3A_659 = arith.shrui %get3A_656, %shift_right_logical3A_658 : vector<16xi32>
    %and3A_660 = arith.constant 262143 : i32
    %and3A_661 = vector.broadcast %and3A_660 : i32 to vector<16xi32>
    %and3A_662 = arith.andi %get3A_656, %and3A_661 : vector<16xi32>
    %mul3A_663 = arith.constant 4 : i32
    %mul3A_664 = vector.broadcast %mul3A_663 : i32 to vector<16xi32>
    %mul3A_665 = arith.muli %mul3A_664, %and3A_662 : vector<16xi32>
    %add3A_666 = arith.addi %mul3A_665, %shift_right_logical3A_659 : vector<16xi32>
    %swap3A_667 = arith.constant 1 : i32
    %swap3A_668 = arith.index_cast %swap3A_667 : i32 to index
    %swap3A_669 = arith.constant 112 : index
    %swap3A_670 = tpu.vector_load %arg9[%swap3A_668, %swap3A_669] {strides = array<i32>} : memref<4x128xi32, #tpu.memory_space<vmem>>, vector<1x16xi32>,
    %swap3A_671 = vector.shape_cast %swap3A_670 : vector<1x16xi32> to vector<16xi32>
    %swap3A_672 = vector.shape_cast %add3A_666 : vector<16xi32> to vector<1x16xi32>
    tpu.vector_store %arg9[%swap3A_668, %swap3A_669], %swap3A_672 {strides = array<i32>} : memref<4x128xi32, #tpu.memory_space<vmem>>, vector<1x16xi32>,
    %get3A_673 = arith.constant 2 : i32
    %get3A_674 = arith.index_cast %get3A_673 : i32 to index
    %get3A_675 = arith.constant 0 : index
    %get3A_676 = tpu.vector_load %arg8[%get3A_674, %get3A_675] {strides = array<i32>} : memref<4x128xi32, #tpu.memory_space<vmem>>, vector<1x16xi32>,
    %get3A_677 = vector.shape_cast %get3A_676 : vector<1x16xi32> to vector<16xi32>
    %shift_right_logical3A_678 = arith.constant 18 : i32
    %shift_right_logical3A_679 = vector.broadcast %shift_right_logical3A_678 : i32 to vector<16xi32>
    %shift_right_logical3A_680 = arith.shrui %get3A_677, %shift_right_logical3A_679 : vector<16xi32>
    %and3A_681 = arith.constant 262143 : i32
    %and3A_682 = vector.broadcast %and3A_681 : i32 to vector<16xi32>
    %and3A_683 = arith.andi %get3A_677, %and3A_682 : vector<16xi32>
    %mul3A_684 = arith.constant 4 : i32
    %mul3A_685 = vector.broadcast %mul3A_684 : i32 to vector<16xi32>
    %mul3A_686 = arith.muli %mul3A_685, %and3A_683 : vector<16xi32>
    %add3A_687 = arith.addi %mul3A_686, %shift_right_logical3A_680 : vector<16xi32>
    %swap3A_688 = arith.constant 2 : i32
    %swap3A_689 = arith.index_cast %swap3A_688 : i32 to index
    %swap3A_690 = arith.constant 0 : index
    %swap3A_691 = tpu.vector_load %arg8[%swap3A_689, %swap3A_690] {strides = array<i32>} : memref<4x128xi32, #tpu.memory_space<vmem>>, vector<1x16xi32>,
    %swap3A_692 = vector.shape_cast %swap3A_691 : vector<1x16xi32> to vector<16xi32>
    %swap3A_693 = vector.shape_cast %add3A_687 : vector<16xi32> to vector<1x16xi32>
    tpu.vector_store %arg8[%swap3A_689, %swap3A_690], %swap3A_693 {strides = array<i32>} : memref<4x128xi32, #tpu.memory_space<vmem>>, vector<1x16xi32>,
    %get3A_694 = arith.constant 2 : i32
    %get3A_695 = arith.index_cast %get3A_694 : i32 to index
    %get3A_696 = arith.constant 0 : index
    %get3A_697 = tpu.vector_load %arg9[%get3A_695, %get3A_696] {strides = array<i32>} : memref<4x128xi32, #tpu.memory_space<vmem>>, vector<1x16xi32>,
    %get3A_698 = vector.shape_cast %get3A_697 : vector<1x16xi32> to vector<16xi32>
    %shift_right_logical3A_699 = arith.constant 18 : i32
    %shift_right_logical3A_700 = vector.broadcast %shift_right_logical3A_699 : i32 to vector<16xi32>
    %shift_right_logical3A_701 = arith.shrui %get3A_698, %shift_right_logical3A_700 : vector<16xi32>
    %and3A_702 = arith.constant 262143 : i32
    %and3A_703 = vector.broadcast %and3A_702 : i32 to vector<16xi32>
    %and3A_704 = arith.andi %get3A_698, %and3A_703 : vector<16xi32>
    %mul3A_705 = arith.constant 4 : i32
    %mul3A_706 = vector.broadcast %mul3A_705 : i32 to vector<16xi32>
    %mul3A_707 = arith.muli %mul3A_706, %and3A_704 : vector<16xi32>
    %add3A_708 = arith.addi %mul3A_707, %shift_right_logical3A_701 : vector<16xi32>
    %swap3A_709 = arith.constant 2 : i32
    %swap3A_710 = arith.index_cast %swap3A_709 : i32 to index
    %swap3A_711 = arith.constant 0 : index
    %swap3A_712 = tpu.vector_load %arg9[%swap3A_710, %swap3A_711] {strides = array<i32>} : memref<4x128xi32, #tpu.memory_space<vmem>>, vector<1x16xi32>,
    %swap3A_713 = vector.shape_cast %swap3A_712 : vector<1x16xi32> to vector<16xi32>
    %swap3A_714 = vector.shape_cast %add3A_708 : vector<16xi32> to vector<1x16xi32>
    tpu.vector_store %arg9[%swap3A_710, %swap3A_711], %swap3A_714 {strides = array<i32>} : memref<4x128xi32, #tpu.memory_space<vmem>>, vector<1x16xi32>,
    %get3A_715 = arith.constant 2 : i32
    %get3A_716 = arith.index_cast %get3A_715 : i32 to index
    %get3A_717 = arith.constant 16 : index
    %get3A_718 = tpu.vector_load %arg8[%get3A_716, %get3A_717] {strides = array<i32>} : memref<4x128xi32, #tpu.memory_space<vmem>>, vector<1x16xi32>,
    %get3A_719 = vector.shape_cast %get3A_718 : vector<1x16xi32> to vector<16xi32>
    %shift_right_logical3A_720 = arith.constant 18 : i32
    %shift_right_logical3A_721 = vector.broadcast %shift_right_logical3A_720 : i32 to vector<16xi32>
    %shift_right_logical3A_722 = arith.shrui %get3A_719, %shift_right_logical3A_721 : vector<16xi32>
    %and3A_723 = arith.constant 262143 : i32
    %and3A_724 = vector.broadcast %and3A_723 : i32 to vector<16xi32>
    %and3A_725 = arith.andi %get3A_719, %and3A_724 : vector<16xi32>
    %mul3A_726 = arith.constant 4 : i32
    %mul3A_727 = vector.broadcast %mul3A_726 : i32 to vector<16xi32>
    %mul3A_728 = arith.muli %mul3A_727, %and3A_725 : vector<16xi32>
    %add3A_729 = arith.addi %mul3A_728, %shift_right_logical3A_722 : vector<16xi32>
    %swap3A_730 = arith.constant 2 : i32
    %swap3A_731 = arith.index_cast %swap3A_730 : i32 to index
    %swap3A_732 = arith.constant 16 : index
    %swap3A_733 = tpu.vector_load %arg8[%swap3A_731, %swap3A_732] {strides = array<i32>} : memref<4x128xi32, #tpu.memory_space<vmem>>, vector<1x16xi32>,
    %swap3A_734 = vector.shape_cast %swap3A_733 : vector<1x16xi32> to vector<16xi32>
    %swap3A_735 = vector.shape_cast %add3A_729 : vector<16xi32> to vector<1x16xi32>
    tpu.vector_store %arg8[%swap3A_731, %swap3A_732], %swap3A_735 {strides = array<i32>} : memref<4x128xi32, #tpu.memory_space<vmem>>, vector<1x16xi32>,
    %get3A_736 = arith.constant 2 : i32
    %get3A_737 = arith.index_cast %get3A_736 : i32 to index
    %get3A_738 = arith.constant 16 : index
    %get3A_739 = tpu.vector_load %arg9[%get3A_737, %get3A_738] {strides = array<i32>} : memref<4x128xi32, #tpu.memory_space<vmem>>, vector<1x16xi32>,
    %get3A_740 = vector.shape_cast %get3A_739 : vector<1x16xi32> to vector<16xi32>
    %shift_right_logical3A_741 = arith.constant 18 : i32
    %shift_right_logical3A_742 = vector.broadcast %shift_right_logical3A_741 : i32 to vector<16xi32>
    %shift_right_logical3A_743 = arith.shrui %get3A_740, %shift_right_logical3A_742 : vector<16xi32>
    %and3A_744 = arith.constant 262143 : i32
    %and3A_745 = vector.broadcast %and3A_744 : i32 to vector<16xi32>
    %and3A_746 = arith.andi %get3A_740, %and3A_745 : vector<16xi32>
    %mul3A_747 = arith.constant 4 : i32
    %mul3A_748 = vector.broadcast %mul3A_747 : i32 to vector<16xi32>
    %mul3A_749 = arith.muli %mul3A_748, %and3A_746 : vector<16xi32>
    %add3A_750 = arith.addi %mul3A_749, %shift_right_logical3A_743 : vector<16xi32>
    %swap3A_751 = arith.constant 2 : i32
    %swap3A_752 = arith.index_cast %swap3A_751 : i32 to index
    %swap3A_753 = arith.constant 16 : index
    %swap3A_754 = tpu.vector_load %arg9[%swap3A_752, %swap3A_753] {strides = array<i32>} : memref<4x128xi32, #tpu.memory_space<vmem>>, vector<1x16xi32>,
    %swap3A_755 = vector.shape_cast %swap3A_754 : vector<1x16xi32> to vector<16xi32>
    %swap3A_756 = vector.shape_cast %add3A_750 : vector<16xi32> to vector<1x16xi32>
    tpu.vector_store %arg9[%swap3A_752, %swap3A_753], %swap3A_756 {strides = array<i32>} : memref<4x128xi32, #tpu.memory_space<vmem>>, vector<1x16xi32>,
    %get3A_757 = arith.constant 2 : i32
    %get3A_758 = arith.index_cast %get3A_757 : i32 to index
    %get3A_759 = arith.constant 32 : index
    %get3A_760 = tpu.vector_load %arg8[%get3A_758, %get3A_759] {strides = array<i32>} : memref<4x128xi32, #tpu.memory_space<vmem>>, vector<1x16xi32>,
    %get3A_761 = vector.shape_cast %get3A_760 : vector<1x16xi32> to vector<16xi32>
    %shift_right_logical3A_762 = arith.constant 18 : i32
    %shift_right_logical3A_763 = vector.broadcast %shift_right_logical3A_762 : i32 to vector<16xi32>
    %shift_right_logical3A_764 = arith.shrui %get3A_761, %shift_right_logical3A_763 : vector<16xi32>
    %and3A_765 = arith.constant 262143 : i32
    %and3A_766 = vector.broadcast %and3A_765 : i32 to vector<16xi32>
    %and3A_767 = arith.andi %get3A_761, %and3A_766 : vector<16xi32>
    %mul3A_768 = arith.constant 4 : i32
    %mul3A_769 = vector.broadcast %mul3A_768 : i32 to vector<16xi32>
    %mul3A_770 = arith.muli %mul3A_769, %and3A_767 : vector<16xi32>
    %add3A_771 = arith.addi %mul3A_770, %shift_right_logical3A_764 : vector<16xi32>
    %swap3A_772 = arith.constant 2 : i32
    %swap3A_773 = arith.index_cast %swap3A_772 : i32 to index
    %swap3A_774 = arith.constant 32 : index
    %swap3A_775 = tpu.vector_load %arg8[%swap3A_773, %swap3A_774] {strides = array<i32>} : memref<4x128xi32, #tpu.memory_space<vmem>>, vector<1x16xi32>,
    %swap3A_776 = vector.shape_cast %swap3A_775 : vector<1x16xi32> to vector<16xi32>
    %swap3A_777 = vector.shape_cast %add3A_771 : vector<16xi32> to vector<1x16xi32>
    tpu.vector_store %arg8[%swap3A_773, %swap3A_774], %swap3A_777 {strides = array<i32>} : memref<4x128xi32, #tpu.memory_space<vmem>>, vector<1x16xi32>,
    %get3A_778 = arith.constant 2 : i32
    %get3A_779 = arith.index_cast %get3A_778 : i32 to index
    %get3A_780 = arith.constant 32 : index
    %get3A_781 = tpu.vector_load %arg9[%get3A_779, %get3A_780] {strides = array<i32>} : memref<4x128xi32, #tpu.memory_space<vmem>>, vector<1x16xi32>,
    %get3A_782 = vector.shape_cast %get3A_781 : vector<1x16xi32> to vector<16xi32>
    %shift_right_logical3A_783 = arith.constant 18 : i32
    %shift_right_logical3A_784 = vector.broadcast %shift_right_logical3A_783 : i32 to vector<16xi32>
    %shift_right_logical3A_785 = arith.shrui %get3A_782, %shift_right_logical3A_784 : vector<16xi32>
    %and3A_786 = arith.constant 262143 : i32
    %and3A_787 = vector.broadcast %and3A_786 : i32 to vector<16xi32>
    %and3A_788 = arith.andi %get3A_782, %and3A_787 : vector<16xi32>
    %mul3A_789 = arith.constant 4 : i32
    %mul3A_790 = vector.broadcast %mul3A_789 : i32 to vector<16xi32>
    %mul3A_791 = arith.muli %mul3A_790, %and3A_788 : vector<16xi32>
    %add3A_792 = arith.addi %mul3A_791, %shift_right_logical3A_785 : vector<16xi32>
    %swap3A_793 = arith.constant 2 : i32
    %swap3A_794 = arith.index_cast %swap3A_793 : i32 to index
    %swap3A_795 = arith.constant 32 : index
    %swap3A_796 = tpu.vector_load %arg9[%swap3A_794, %swap3A_795] {strides = array<i32>} : memref<4x128xi32, #tpu.memory_space<vmem>>, vector<1x16xi32>,
    %swap3A_797 = vector.shape_cast %swap3A_796 : vector<1x16xi32> to vector<16xi32>
    %swap3A_798 = vector.shape_cast %add3A_792 : vector<16xi32> to vector<1x16xi32>
    tpu.vector_store %arg9[%swap3A_794, %swap3A_795], %swap3A_798 {strides = array<i32>} : memref<4x128xi32, #tpu.memory_space<vmem>>, vector<1x16xi32>,
    %get3A_799 = arith.constant 2 : i32
    %get3A_800 = arith.index_cast %get3A_799 : i32 to index
    %get3A_801 = arith.constant 48 : index
    %get3A_802 = tpu.vector_load %arg8[%get3A_800, %get3A_801] {strides = array<i32>} : memref<4x128xi32, #tpu.memory_space<vmem>>, vector<1x16xi32>,
    %get3A_803 = vector.shape_cast %get3A_802 : vector<1x16xi32> to vector<16xi32>
    %shift_right_logical3A_804 = arith.constant 18 : i32
    %shift_right_logical3A_805 = vector.broadcast %shift_right_logical3A_804 : i32 to vector<16xi32>
    %shift_right_logical3A_806 = arith.shrui %get3A_803, %shift_right_logical3A_805 : vector<16xi32>
    %and3A_807 = arith.constant 262143 : i32
    %and3A_808 = vector.broadcast %and3A_807 : i32 to vector<16xi32>
    %and3A_809 = arith.andi %get3A_803, %and3A_808 : vector<16xi32>
    %mul3A_810 = arith.constant 4 : i32
    %mul3A_811 = vector.broadcast %mul3A_810 : i32 to vector<16xi32>
    %mul3A_812 = arith.muli %mul3A_811, %and3A_809 : vector<16xi32>
    %add3A_813 = arith.addi %mul3A_812, %shift_right_logical3A_806 : vector<16xi32>
    %swap3A_814 = arith.constant 2 : i32
    %swap3A_815 = arith.index_cast %swap3A_814 : i32 to index
    %swap3A_816 = arith.constant 48 : index
    %swap3A_817 = tpu.vector_load %arg8[%swap3A_815, %swap3A_816] {strides = array<i32>} : memref<4x128xi32, #tpu.memory_space<vmem>>, vector<1x16xi32>,
    %swap3A_818 = vector.shape_cast %swap3A_817 : vector<1x16xi32> to vector<16xi32>
    %swap3A_819 = vector.shape_cast %add3A_813 : vector<16xi32> to vector<1x16xi32>
    tpu.vector_store %arg8[%swap3A_815, %swap3A_816], %swap3A_819 {strides = array<i32>} : memref<4x128xi32, #tpu.memory_space<vmem>>, vector<1x16xi32>,
    %get3A_820 = arith.constant 2 : i32
    %get3A_821 = arith.index_cast %get3A_820 : i32 to index
    %get3A_822 = arith.constant 48 : index
    %get3A_823 = tpu.vector_load %arg9[%get3A_821, %get3A_822] {strides = array<i32>} : memref<4x128xi32, #tpu.memory_space<vmem>>, vector<1x16xi32>,
    %get3A_824 = vector.shape_cast %get3A_823 : vector<1x16xi32> to vector<16xi32>
    %shift_right_logical3A_825 = arith.constant 18 : i32
    %shift_right_logical3A_826 = vector.broadcast %shift_right_logical3A_825 : i32 to vector<16xi32>
    %shift_right_logical3A_827 = arith.shrui %get3A_824, %shift_right_logical3A_826 : vector<16xi32>
    %and3A_828 = arith.constant 262143 : i32
    %and3A_829 = vector.broadcast %and3A_828 : i32 to vector<16xi32>
    %and3A_830 = arith.andi %get3A_824, %and3A_829 : vector<16xi32>
    %mul3A_831 = arith.constant 4 : i32
    %mul3A_832 = vector.broadcast %mul3A_831 : i32 to vector<16xi32>
    %mul3A_833 = arith.muli %mul3A_832, %and3A_830 : vector<16xi32>
    %add3A_834 = arith.addi %mul3A_833, %shift_right_logical3A_827 : vector<16xi32>
    %swap3A_835 = arith.constant 2 : i32
    %swap3A_836 = arith.index_cast %swap3A_835 : i32 to index
    %swap3A_837 = arith.constant 48 : index
    %swap3A_838 = tpu.vector_load %arg9[%swap3A_836, %swap3A_837] {strides = array<i32>} : memref<4x128xi32, #tpu.memory_space<vmem>>, vector<1x16xi32>,
    %swap3A_839 = vector.shape_cast %swap3A_838 : vector<1x16xi32> to vector<16xi32>
    %swap3A_840 = vector.shape_cast %add3A_834 : vector<16xi32> to vector<1x16xi32>
    tpu.vector_store %arg9[%swap3A_836, %swap3A_837], %swap3A_840 {strides = array<i32>} : memref<4x128xi32, #tpu.memory_space<vmem>>, vector<1x16xi32>,
    %get3A_841 = arith.constant 2 : i32
    %get3A_842 = arith.index_cast %get3A_841 : i32 to index
    %get3A_843 = arith.constant 64 : index
    %get3A_844 = tpu.vector_load %arg8[%get3A_842, %get3A_843] {strides = array<i32>} : memref<4x128xi32, #tpu.memory_space<vmem>>, vector<1x16xi32>,
    %get3A_845 = vector.shape_cast %get3A_844 : vector<1x16xi32> to vector<16xi32>
    %shift_right_logical3A_846 = arith.constant 18 : i32
    %shift_right_logical3A_847 = vector.broadcast %shift_right_logical3A_846 : i32 to vector<16xi32>
    %shift_right_logical3A_848 = arith.shrui %get3A_845, %shift_right_logical3A_847 : vector<16xi32>
    %and3A_849 = arith.constant 262143 : i32
    %and3A_850 = vector.broadcast %and3A_849 : i32 to vector<16xi32>
    %and3A_851 = arith.andi %get3A_845, %and3A_850 : vector<16xi32>
    %mul3A_852 = arith.constant 4 : i32
    %mul3A_853 = vector.broadcast %mul3A_852 : i32 to vector<16xi32>
    %mul3A_854 = arith.muli %mul3A_853, %and3A_851 : vector<16xi32>
    %add3A_855 = arith.addi %mul3A_854, %shift_right_logical3A_848 : vector<16xi32>
    %swap3A_856 = arith.constant 2 : i32
    %swap3A_857 = arith.index_cast %swap3A_856 : i32 to index
    %swap3A_858 = arith.constant 64 : index
    %swap3A_859 = tpu.vector_load %arg8[%swap3A_857, %swap3A_858] {strides = array<i32>} : memref<4x128xi32, #tpu.memory_space<vmem>>, vector<1x16xi32>,
    %swap3A_860 = vector.shape_cast %swap3A_859 : vector<1x16xi32> to vector<16xi32>
    %swap3A_861 = vector.shape_cast %add3A_855 : vector<16xi32> to vector<1x16xi32>
    tpu.vector_store %arg8[%swap3A_857, %swap3A_858], %swap3A_861 {strides = array<i32>} : memref<4x128xi32, #tpu.memory_space<vmem>>, vector<1x16xi32>,
    %get3A_862 = arith.constant 2 : i32
    %get3A_863 = arith.index_cast %get3A_862 : i32 to index
    %get3A_864 = arith.constant 64 : index
    %get3A_865 = tpu.vector_load %arg9[%get3A_863, %get3A_864] {strides = array<i32>} : memref<4x128xi32, #tpu.memory_space<vmem>>, vector<1x16xi32>,
    %get3A_866 = vector.shape_cast %get3A_865 : vector<1x16xi32> to vector<16xi32>
    %shift_right_logical3A_867 = arith.constant 18 : i32
    %shift_right_logical3A_868 = vector.broadcast %shift_right_logical3A_867 : i32 to vector<16xi32>
    %shift_right_logical3A_869 = arith.shrui %get3A_866, %shift_right_logical3A_868 : vector<16xi32>
    %and3A_870 = arith.constant 262143 : i32
    %and3A_871 = vector.broadcast %and3A_870 : i32 to vector<16xi32>
    %and3A_872 = arith.andi %get3A_866, %and3A_871 : vector<16xi32>
    %mul3A_873 = arith.constant 4 : i32
    %mul3A_874 = vector.broadcast %mul3A_873 : i32 to vector<16xi32>
    %mul3A_875 = arith.muli %mul3A_874, %and3A_872 : vector<16xi32>
    %add3A_876 = arith.addi %mul3A_875, %shift_right_logical3A_869 : vector<16xi32>
    %swap3A_877 = arith.constant 2 : i32
    %swap3A_878 = arith.index_cast %swap3A_877 : i32 to index
    %swap3A_879 = arith.constant 64 : index
    %swap3A_880 = tpu.vector_load %arg9[%swap3A_878, %swap3A_879] {strides = array<i32>} : memref<4x128xi32, #tpu.memory_space<vmem>>, vector<1x16xi32>,
    %swap3A_881 = vector.shape_cast %swap3A_880 : vector<1x16xi32> to vector<16xi32>
    %swap3A_882 = vector.shape_cast %add3A_876 : vector<16xi32> to vector<1x16xi32>
    tpu.vector_store %arg9[%swap3A_878, %swap3A_879], %swap3A_882 {strides = array<i32>} : memref<4x128xi32, #tpu.memory_space<vmem>>, vector<1x16xi32>,
    %get3A_883 = arith.constant 2 : i32
    %get3A_884 = arith.index_cast %get3A_883 : i32 to index
    %get3A_885 = arith.constant 80 : index
    %get3A_886 = tpu.vector_load %arg8[%get3A_884, %get3A_885] {strides = array<i32>} : memref<4x128xi32, #tpu.memory_space<vmem>>, vector<1x16xi32>,
    %get3A_887 = vector.shape_cast %get3A_886 : vector<1x16xi32> to vector<16xi32>
    %shift_right_logical3A_888 = arith.constant 18 : i32
    %shift_right_logical3A_889 = vector.broadcast %shift_right_logical3A_888 : i32 to vector<16xi32>
    %shift_right_logical3A_890 = arith.shrui %get3A_887, %shift_right_logical3A_889 : vector<16xi32>
    %and3A_891 = arith.constant 262143 : i32
    %and3A_892 = vector.broadcast %and3A_891 : i32 to vector<16xi32>
    %and3A_893 = arith.andi %get3A_887, %and3A_892 : vector<16xi32>
    %mul3A_894 = arith.constant 4 : i32
    %mul3A_895 = vector.broadcast %mul3A_894 : i32 to vector<16xi32>
    %mul3A_896 = arith.muli %mul3A_895, %and3A_893 : vector<16xi32>
    %add3A_897 = arith.addi %mul3A_896, %shift_right_logical3A_890 : vector<16xi32>
    %swap3A_898 = arith.constant 2 : i32
    %swap3A_899 = arith.index_cast %swap3A_898 : i32 to index
    %swap3A_900 = arith.constant 80 : index
    %swap3A_901 = tpu.vector_load %arg8[%swap3A_899, %swap3A_900] {strides = array<i32>} : memref<4x128xi32, #tpu.memory_space<vmem>>, vector<1x16xi32>,
    %swap3A_902 = vector.shape_cast %swap3A_901 : vector<1x16xi32> to vector<16xi32>
    %swap3A_903 = vector.shape_cast %add3A_897 : vector<16xi32> to vector<1x16xi32>
    tpu.vector_store %arg8[%swap3A_899, %swap3A_900], %swap3A_903 {strides = array<i32>} : memref<4x128xi32, #tpu.memory_space<vmem>>, vector<1x16xi32>,
    %get3A_904 = arith.constant 2 : i32
    %get3A_905 = arith.index_cast %get3A_904 : i32 to index
    %get3A_906 = arith.constant 80 : index
    %get3A_907 = tpu.vector_load %arg9[%get3A_905, %get3A_906] {strides = array<i32>} : memref<4x128xi32, #tpu.memory_space<vmem>>, vector<1x16xi32>,
    %get3A_908 = vector.shape_cast %get3A_907 : vector<1x16xi32> to vector<16xi32>
    %shift_right_logical3A_909 = arith.constant 18 : i32
    %shift_right_logical3A_910 = vector.broadcast %shift_right_logical3A_909 : i32 to vector<16xi32>
    %shift_right_logical3A_911 = arith.shrui %get3A_908, %shift_right_logical3A_910 : vector<16xi32>
    %and3A_912 = arith.constant 262143 : i32
    %and3A_913 = vector.broadcast %and3A_912 : i32 to vector<16xi32>
    %and3A_914 = arith.andi %get3A_908, %and3A_913 : vector<16xi32>
    %mul3A_915 = arith.constant 4 : i32
    %mul3A_916 = vector.broadcast %mul3A_915 : i32 to vector<16xi32>
    %mul3A_917 = arith.muli %mul3A_916, %and3A_914 : vector<16xi32>
    %add3A_918 = arith.addi %mul3A_917, %shift_right_logical3A_911 : vector<16xi32>
    %swap3A_919 = arith.constant 2 : i32
    %swap3A_920 = arith.index_cast %swap3A_919 : i32 to index
    %swap3A_921 = arith.constant 80 : index
    %swap3A_922 = tpu.vector_load %arg9[%swap3A_920, %swap3A_921] {strides = array<i32>} : memref<4x128xi32, #tpu.memory_space<vmem>>, vector<1x16xi32>,
    %swap3A_923 = vector.shape_cast %swap3A_922 : vector<1x16xi32> to vector<16xi32>
    %swap3A_924 = vector.shape_cast %add3A_918 : vector<16xi32> to vector<1x16xi32>
    tpu.vector_store %arg9[%swap3A_920, %swap3A_921], %swap3A_924 {strides = array<i32>} : memref<4x128xi32, #tpu.memory_space<vmem>>, vector<1x16xi32>,
    %get3A_925 = arith.constant 2 : i32
    %get3A_926 = arith.index_cast %get3A_925 : i32 to index
    %get3A_927 = arith.constant 96 : index
    %get3A_928 = tpu.vector_load %arg8[%get3A_926, %get3A_927] {strides = array<i32>} : memref<4x128xi32, #tpu.memory_space<vmem>>, vector<1x16xi32>,
    %get3A_929 = vector.shape_cast %get3A_928 : vector<1x16xi32> to vector<16xi32>
    %shift_right_logical3A_930 = arith.constant 18 : i32
    %shift_right_logical3A_931 = vector.broadcast %shift_right_logical3A_930 : i32 to vector<16xi32>
    %shift_right_logical3A_932 = arith.shrui %get3A_929, %shift_right_logical3A_931 : vector<16xi32>
    %and3A_933 = arith.constant 262143 : i32
    %and3A_934 = vector.broadcast %and3A_933 : i32 to vector<16xi32>
    %and3A_935 = arith.andi %get3A_929, %and3A_934 : vector<16xi32>
    %mul3A_936 = arith.constant 4 : i32
    %mul3A_937 = vector.broadcast %mul3A_936 : i32 to vector<16xi32>
    %mul3A_938 = arith.muli %mul3A_937, %and3A_935 : vector<16xi32>
    %add3A_939 = arith.addi %mul3A_938, %shift_right_logical3A_932 : vector<16xi32>
    %swap3A_940 = arith.constant 2 : i32
    %swap3A_941 = arith.index_cast %swap3A_940 : i32 to index
    %swap3A_942 = arith.constant 96 : index
    %swap3A_943 = tpu.vector_load %arg8[%swap3A_941, %swap3A_942] {strides = array<i32>} : memref<4x128xi32, #tpu.memory_space<vmem>>, vector<1x16xi32>,
    %swap3A_944 = vector.shape_cast %swap3A_943 : vector<1x16xi32> to vector<16xi32>
    %swap3A_945 = vector.shape_cast %add3A_939 : vector<16xi32> to vector<1x16xi32>
    tpu.vector_store %arg8[%swap3A_941, %swap3A_942], %swap3A_945 {strides = array<i32>} : memref<4x128xi32, #tpu.memory_space<vmem>>, vector<1x16xi32>,
    %get3A_946 = arith.constant 2 : i32
    %get3A_947 = arith.index_cast %get3A_946 : i32 to index
    %get3A_948 = arith.constant 96 : index
    %get3A_949 = tpu.vector_load %arg9[%get3A_947, %get3A_948] {strides = array<i32>} : memref<4x128xi32, #tpu.memory_space<vmem>>, vector<1x16xi32>,
    %get3A_950 = vector.shape_cast %get3A_949 : vector<1x16xi32> to vector<16xi32>
    %shift_right_logical3A_951 = arith.constant 18 : i32
    %shift_right_logical3A_952 = vector.broadcast %shift_right_logical3A_951 : i32 to vector<16xi32>
    %shift_right_logical3A_953 = arith.shrui %get3A_950, %shift_right_logical3A_952 : vector<16xi32>
    %and3A_954 = arith.constant 262143 : i32
    %and3A_955 = vector.broadcast %and3A_954 : i32 to vector<16xi32>
    %and3A_956 = arith.andi %get3A_950, %and3A_955 : vector<16xi32>
    %mul3A_957 = arith.constant 4 : i32
    %mul3A_958 = vector.broadcast %mul3A_957 : i32 to vector<16xi32>
    %mul3A_959 = arith.muli %mul3A_958, %and3A_956 : vector<16xi32>
    %add3A_960 = arith.addi %mul3A_959, %shift_right_logical3A_953 : vector<16xi32>
    %swap3A_961 = arith.constant 2 : i32
    %swap3A_962 = arith.index_cast %swap3A_961 : i32 to index
    %swap3A_963 = arith.constant 96 : index
    %swap3A_964 = tpu.vector_load %arg9[%swap3A_962, %swap3A_963] {strides = array<i32>} : memref<4x128xi32, #tpu.memory_space<vmem>>, vector<1x16xi32>,
    %swap3A_965 = vector.shape_cast %swap3A_964 : vector<1x16xi32> to vector<16xi32>
    %swap3A_966 = vector.shape_cast %add3A_960 : vector<16xi32> to vector<1x16xi32>
    tpu.vector_store %arg9[%swap3A_962, %swap3A_963], %swap3A_966 {strides = array<i32>} : memref<4x128xi32, #tpu.memory_space<vmem>>, vector<1x16xi32>,
    %get3A_967 = arith.constant 2 : i32
    %get3A_968 = arith.index_cast %get3A_967 : i32 to index
    %get3A_969 = arith.constant 112 : index
    %get3A_970 = tpu.vector_load %arg8[%get3A_968, %get3A_969] {strides = array<i32>} : memref<4x128xi32, #tpu.memory_space<vmem>>, vector<1x16xi32>,
    %get3A_971 = vector.shape_cast %get3A_970 : vector<1x16xi32> to vector<16xi32>
    %shift_right_logical3A_972 = arith.constant 18 : i32
    %shift_right_logical3A_973 = vector.broadcast %shift_right_logical3A_972 : i32 to vector<16xi32>
    %shift_right_logical3A_974 = arith.shrui %get3A_971, %shift_right_logical3A_973 : vector<16xi32>
    %and3A_975 = arith.constant 262143 : i32
    %and3A_976 = vector.broadcast %and3A_975 : i32 to vector<16xi32>
    %and3A_977 = arith.andi %get3A_971, %and3A_976 : vector<16xi32>
    %mul3A_978 = arith.constant 4 : i32
    %mul3A_979 = vector.broadcast %mul3A_978 : i32 to vector<16xi32>
    %mul3A_980 = arith.muli %mul3A_979, %and3A_977 : vector<16xi32>
    %add3A_981 = arith.addi %mul3A_980, %shift_right_logical3A_974 : vector<16xi32>
    %swap3A_982 = arith.constant 2 : i32
    %swap3A_983 = arith.index_cast %swap3A_982 : i32 to index
    %swap3A_984 = arith.constant 112 : index
    %swap3A_985 = tpu.vector_load %arg8[%swap3A_983, %swap3A_984] {strides = array<i32>} : memref<4x128xi32, #tpu.memory_space<vmem>>, vector<1x16xi32>,
    %swap3A_986 = vector.shape_cast %swap3A_985 : vector<1x16xi32> to vector<16xi32>
    %swap3A_987 = vector.shape_cast %add3A_981 : vector<16xi32> to vector<1x16xi32>
    tpu.vector_store %arg8[%swap3A_983, %swap3A_984], %swap3A_987 {strides = array<i32>} : memref<4x128xi32, #tpu.memory_space<vmem>>, vector<1x16xi32>,
    %get3A_988 = arith.constant 2 : i32
    %get3A_989 = arith.index_cast %get3A_988 : i32 to index
    %get3A_990 = arith.constant 112 : index
    %get3A_991 = tpu.vector_load %arg9[%get3A_989, %get3A_990] {strides = array<i32>} : memref<4x128xi32, #tpu.memory_space<vmem>>, vector<1x16xi32>,
    %get3A_992 = vector.shape_cast %get3A_991 : vector<1x16xi32> to vector<16xi32>
    %shift_right_logical3A_993 = arith.constant 18 : i32
    %shift_right_logical3A_994 = vector.broadcast %shift_right_logical3A_993 : i32 to vector<16xi32>
    %shift_right_logical3A_995 = arith.shrui %get3A_992, %shift_right_logical3A_994 : vector<16xi32>
    %and3A_996 = arith.constant 262143 : i32
    %and3A_997 = vector.broadcast %and3A_996 : i32 to vector<16xi32>
    %and3A_998 = arith.andi %get3A_992, %and3A_997 : vector<16xi32>
    %mul3A_999 = arith.constant 4 : i32
    %mul3A_1000 = vector.broadcast %mul3A_999 : i32 to vector<16xi32>
    %mul3A_1001 = arith.muli %mul3A_1000, %and3A_998 : vector<16xi32>
    %add3A_1002 = arith.addi %mul3A_1001, %shift_right_logical3A_995 : vector<16xi32>
    %swap3A_1003 = arith.constant 2 : i32
    %swap3A_1004 = arith.index_cast %swap3A_1003 : i32 to index
    %swap3A_1005 = arith.constant 112 : index
    %swap3A_1006 = tpu.vector_load %arg9[%swap3A_1004, %swap3A_1005] {strides = array<i32>} : memref<4x128xi32, #tpu.memory_space<vmem>>, vector<1x16xi32>,
    %swap3A_1007 = vector.shape_cast %swap3A_1006 : vector<1x16xi32> to vector<16xi32>
    %swap3A_1008 = vector.shape_cast %add3A_1002 : vector<16xi32> to vector<1x16xi32>
    tpu.vector_store %arg9[%swap3A_1004, %swap3A_1005], %swap3A_1008 {strides = array<i32>} : memref<4x128xi32, #tpu.memory_space<vmem>>, vector<1x16xi32>,
    %get3A_1009 = arith.constant 3 : i32
    %get3A_1010 = arith.index_cast %get3A_1009 : i32 to index
    %get3A_1011 = arith.constant 0 : index
    %get3A_1012 = tpu.vector_load %arg8[%get3A_1010, %get3A_1011] {strides = array<i32>} : memref<4x128xi32, #tpu.memory_space<vmem>>, vector<1x16xi32>,
    %get3A_1013 = vector.shape_cast %get3A_1012 : vector<1x16xi32> to vector<16xi32>
    %shift_right_logical3A_1014 = arith.constant 18 : i32
    %shift_right_logical3A_1015 = vector.broadcast %shift_right_logical3A_1014 : i32 to vector<16xi32>
    %shift_right_logical3A_1016 = arith.shrui %get3A_1013, %shift_right_logical3A_1015 : vector<16xi32>
    %and3A_1017 = arith.constant 262143 : i32
    %and3A_1018 = vector.broadcast %and3A_1017 : i32 to vector<16xi32>
    %and3A_1019 = arith.andi %get3A_1013, %and3A_1018 : vector<16xi32>
    %mul3A_1020 = arith.constant 4 : i32
    %mul3A_1021 = vector.broadcast %mul3A_1020 : i32 to vector<16xi32>
    %mul3A_1022 = arith.muli %mul3A_1021, %and3A_1019 : vector<16xi32>
    %add3A_1023 = arith.addi %mul3A_1022, %shift_right_logical3A_1016 : vector<16xi32>
    %swap3A_1024 = arith.constant 3 : i32
    %swap3A_1025 = arith.index_cast %swap3A_1024 : i32 to index
    %swap3A_1026 = arith.constant 0 : index
    %swap3A_1027 = tpu.vector_load %arg8[%swap3A_1025, %swap3A_1026] {strides = array<i32>} : memref<4x128xi32, #tpu.memory_space<vmem>>, vector<1x16xi32>,
    %swap3A_1028 = vector.shape_cast %swap3A_1027 : vector<1x16xi32> to vector<16xi32>
    %swap3A_1029 = vector.shape_cast %add3A_1023 : vector<16xi32> to vector<1x16xi32>
    tpu.vector_store %arg8[%swap3A_1025, %swap3A_1026], %swap3A_1029 {strides = array<i32>} : memref<4x128xi32, #tpu.memory_space<vmem>>, vector<1x16xi32>,
    %get3A_1030 = arith.constant 3 : i32
    %get3A_1031 = arith.index_cast %get3A_1030 : i32 to index
    %get3A_1032 = arith.constant 0 : index
    %get3A_1033 = tpu.vector_load %arg9[%get3A_1031, %get3A_1032] {strides = array<i32>} : memref<4x128xi32, #tpu.memory_space<vmem>>, vector<1x16xi32>,
    %get3A_1034 = vector.shape_cast %get3A_1033 : vector<1x16xi32> to vector<16xi32>
    %shift_right_logical3A_1035 = arith.constant 18 : i32
    %shift_right_logical3A_1036 = vector.broadcast %shift_right_logical3A_1035 : i32 to vector<16xi32>
    %shift_right_logical3A_1037 = arith.shrui %get3A_1034, %shift_right_logical3A_1036 : vector<16xi32>
    %and3A_1038 = arith.constant 262143 : i32
    %and3A_1039 = vector.broadcast %and3A_1038 : i32 to vector<16xi32>
    %and3A_1040 = arith.andi %get3A_1034, %and3A_1039 : vector<16xi32>
    %mul3A_1041 = arith.constant 4 : i32
    %mul3A_1042 = vector.broadcast %mul3A_1041 : i32 to vector<16xi32>
    %mul3A_1043 = arith.muli %mul3A_1042, %and3A_1040 : vector<16xi32>
    %add3A_1044 = arith.addi %mul3A_1043, %shift_right_logical3A_1037 : vector<16xi32>
    %swap3A_1045 = arith.constant 3 : i32
    %swap3A_1046 = arith.index_cast %swap3A_1045 : i32 to index
    %swap3A_1047 = arith.constant 0 : index
    %swap3A_1048 = tpu.vector_load %arg9[%swap3A_1046, %swap3A_1047] {strides = array<i32>} : memref<4x128xi32, #tpu.memory_space<vmem>>, vector<1x16xi32>,
    %swap3A_1049 = vector.shape_cast %swap3A_1048 : vector<1x16xi32> to vector<16xi32>
    %swap3A_1050 = vector.shape_cast %add3A_1044 : vector<16xi32> to vector<1x16xi32>
    tpu.vector_store %arg9[%swap3A_1046, %swap3A_1047], %swap3A_1050 {strides = array<i32>} : memref<4x128xi32, #tpu.memory_space<vmem>>, vector<1x16xi32>,
    %get3A_1051 = arith.constant 3 : i32
    %get3A_1052 = arith.index_cast %get3A_1051 : i32 to index
    %get3A_1053 = arith.constant 16 : index
    %get3A_1054 = tpu.vector_load %arg8[%get3A_1052, %get3A_1053] {strides = array<i32>} : memref<4x128xi32, #tpu.memory_space<vmem>>, vector<1x16xi32>,
    %get3A_1055 = vector.shape_cast %get3A_1054 : vector<1x16xi32> to vector<16xi32>
    %shift_right_logical3A_1056 = arith.constant 18 : i32
    %shift_right_logical3A_1057 = vector.broadcast %shift_right_logical3A_1056 : i32 to vector<16xi32>
    %shift_right_logical3A_1058 = arith.shrui %get3A_1055, %shift_right_logical3A_1057 : vector<16xi32>
    %and3A_1059 = arith.constant 262143 : i32
    %and3A_1060 = vector.broadcast %and3A_1059 : i32 to vector<16xi32>
    %and3A_1061 = arith.andi %get3A_1055, %and3A_1060 : vector<16xi32>
    %mul3A_1062 = arith.constant 4 : i32
    %mul3A_1063 = vector.broadcast %mul3A_1062 : i32 to vector<16xi32>
    %mul3A_1064 = arith.muli %mul3A_1063, %and3A_1061 : vector<16xi32>
    %add3A_1065 = arith.addi %mul3A_1064, %shift_right_logical3A_1058 : vector<16xi32>
    %swap3A_1066 = arith.constant 3 : i32
    %swap3A_1067 = arith.index_cast %swap3A_1066 : i32 to index
    %swap3A_1068 = arith.constant 16 : index
    %swap3A_1069 = tpu.vector_load %arg8[%swap3A_1067, %swap3A_1068] {strides = array<i32>} : memref<4x128xi32, #tpu.memory_space<vmem>>, vector<1x16xi32>,
    %swap3A_1070 = vector.shape_cast %swap3A_1069 : vector<1x16xi32> to vector<16xi32>
    %swap3A_1071 = vector.shape_cast %add3A_1065 : vector<16xi32> to vector<1x16xi32>
    tpu.vector_store %arg8[%swap3A_1067, %swap3A_1068], %swap3A_1071 {strides = array<i32>} : memref<4x128xi32, #tpu.memory_space<vmem>>, vector<1x16xi32>,
    %get3A_1072 = arith.constant 3 : i32
    %get3A_1073 = arith.index_cast %get3A_1072 : i32 to index
    %get3A_1074 = arith.constant 16 : index
    %get3A_1075 = tpu.vector_load %arg9[%get3A_1073, %get3A_1074] {strides = array<i32>} : memref<4x128xi32, #tpu.memory_space<vmem>>, vector<1x16xi32>,
    %get3A_1076 = vector.shape_cast %get3A_1075 : vector<1x16xi32> to vector<16xi32>
    %shift_right_logical3A_1077 = arith.constant 18 : i32
    %shift_right_logical3A_1078 = vector.broadcast %shift_right_logical3A_1077 : i32 to vector<16xi32>
    %shift_right_logical3A_1079 = arith.shrui %get3A_1076, %shift_right_logical3A_1078 : vector<16xi32>
    %and3A_1080 = arith.constant 262143 : i32
    %and3A_1081 = vector.broadcast %and3A_1080 : i32 to vector<16xi32>
    %and3A_1082 = arith.andi %get3A_1076, %and3A_1081 : vector<16xi32>
    %mul3A_1083 = arith.constant 4 : i32
    %mul3A_1084 = vector.broadcast %mul3A_1083 : i32 to vector<16xi32>
    %mul3A_1085 = arith.muli %mul3A_1084, %and3A_1082 : vector<16xi32>
    %add3A_1086 = arith.addi %mul3A_1085, %shift_right_logical3A_1079 : vector<16xi32>
    %swap3A_1087 = arith.constant 3 : i32
    %swap3A_1088 = arith.index_cast %swap3A_1087 : i32 to index
    %swap3A_1089 = arith.constant 16 : index
    %swap3A_1090 = tpu.vector_load %arg9[%swap3A_1088, %swap3A_1089] {strides = array<i32>} : memref<4x128xi32, #tpu.memory_space<vmem>>, vector<1x16xi32>,
    %swap3A_1091 = vector.shape_cast %swap3A_1090 : vector<1x16xi32> to vector<16xi32>
    %swap3A_1092 = vector.shape_cast %add3A_1086 : vector<16xi32> to vector<1x16xi32>
    tpu.vector_store %arg9[%swap3A_1088, %swap3A_1089], %swap3A_1092 {strides = array<i32>} : memref<4x128xi32, #tpu.memory_space<vmem>>, vector<1x16xi32>,
    %get3A_1093 = arith.constant 3 : i32
    %get3A_1094 = arith.index_cast %get3A_1093 : i32 to index
    %get3A_1095 = arith.constant 32 : index
    %get3A_1096 = tpu.vector_load %arg8[%get3A_1094, %get3A_1095] {strides = array<i32>} : memref<4x128xi32, #tpu.memory_space<vmem>>, vector<1x16xi32>,
    %get3A_1097 = vector.shape_cast %get3A_1096 : vector<1x16xi32> to vector<16xi32>
    %shift_right_logical3A_1098 = arith.constant 18 : i32
    %shift_right_logical3A_1099 = vector.broadcast %shift_right_logical3A_1098 : i32 to vector<16xi32>
    %shift_right_logical3A_1100 = arith.shrui %get3A_1097, %shift_right_logical3A_1099 : vector<16xi32>
    %and3A_1101 = arith.constant 262143 : i32
    %and3A_1102 = vector.broadcast %and3A_1101 : i32 to vector<16xi32>
    %and3A_1103 = arith.andi %get3A_1097, %and3A_1102 : vector<16xi32>
    %mul3A_1104 = arith.constant 4 : i32
    %mul3A_1105 = vector.broadcast %mul3A_1104 : i32 to vector<16xi32>
    %mul3A_1106 = arith.muli %mul3A_1105, %and3A_1103 : vector<16xi32>
    %add3A_1107 = arith.addi %mul3A_1106, %shift_right_logical3A_1100 : vector<16xi32>
    %swap3A_1108 = arith.constant 3 : i32
    %swap3A_1109 = arith.index_cast %swap3A_1108 : i32 to index
    %swap3A_1110 = arith.constant 32 : index
    %swap3A_1111 = tpu.vector_load %arg8[%swap3A_1109, %swap3A_1110] {strides = array<i32>} : memref<4x128xi32, #tpu.memory_space<vmem>>, vector<1x16xi32>,
    %swap3A_1112 = vector.shape_cast %swap3A_1111 : vector<1x16xi32> to vector<16xi32>
    %swap3A_1113 = vector.shape_cast %add3A_1107 : vector<16xi32> to vector<1x16xi32>
    tpu.vector_store %arg8[%swap3A_1109, %swap3A_1110], %swap3A_1113 {strides = array<i32>} : memref<4x128xi32, #tpu.memory_space<vmem>>, vector<1x16xi32>,
    %get3A_1114 = arith.constant 3 : i32
    %get3A_1115 = arith.index_cast %get3A_1114 : i32 to index
    %get3A_1116 = arith.constant 32 : index
    %get3A_1117 = tpu.vector_load %arg9[%get3A_1115, %get3A_1116] {strides = array<i32>} : memref<4x128xi32, #tpu.memory_space<vmem>>, vector<1x16xi32>,
    %get3A_1118 = vector.shape_cast %get3A_1117 : vector<1x16xi32> to vector<16xi32>
    %shift_right_logical3A_1119 = arith.constant 18 : i32
    %shift_right_logical3A_1120 = vector.broadcast %shift_right_logical3A_1119 : i32 to vector<16xi32>
    %shift_right_logical3A_1121 = arith.shrui %get3A_1118, %shift_right_logical3A_1120 : vector<16xi32>
    %and3A_1122 = arith.constant 262143 : i32
    %and3A_1123 = vector.broadcast %and3A_1122 : i32 to vector<16xi32>
    %and3A_1124 = arith.andi %get3A_1118, %and3A_1123 : vector<16xi32>
    %mul3A_1125 = arith.constant 4 : i32
    %mul3A_1126 = vector.broadcast %mul3A_1125 : i32 to vector<16xi32>
    %mul3A_1127 = arith.muli %mul3A_1126, %and3A_1124 : vector<16xi32>
    %add3A_1128 = arith.addi %mul3A_1127, %shift_right_logical3A_1121 : vector<16xi32>
    %swap3A_1129 = arith.constant 3 : i32
    %swap3A_1130 = arith.index_cast %swap3A_1129 : i32 to index
    %swap3A_1131 = arith.constant 32 : index
    %swap3A_1132 = tpu.vector_load %arg9[%swap3A_1130, %swap3A_1131] {strides = array<i32>} : memref<4x128xi32, #tpu.memory_space<vmem>>, vector<1x16xi32>,
    %swap3A_1133 = vector.shape_cast %swap3A_1132 : vector<1x16xi32> to vector<16xi32>
    %swap3A_1134 = vector.shape_cast %add3A_1128 : vector<16xi32> to vector<1x16xi32>
    tpu.vector_store %arg9[%swap3A_1130, %swap3A_1131], %swap3A_1134 {strides = array<i32>} : memref<4x128xi32, #tpu.memory_space<vmem>>, vector<1x16xi32>,
    %get3A_1135 = arith.constant 3 : i32
    %get3A_1136 = arith.index_cast %get3A_1135 : i32 to index
    %get3A_1137 = arith.constant 48 : index
    %get3A_1138 = tpu.vector_load %arg8[%get3A_1136, %get3A_1137] {strides = array<i32>} : memref<4x128xi32, #tpu.memory_space<vmem>>, vector<1x16xi32>,
    %get3A_1139 = vector.shape_cast %get3A_1138 : vector<1x16xi32> to vector<16xi32>
    %shift_right_logical3A_1140 = arith.constant 18 : i32
    %shift_right_logical3A_1141 = vector.broadcast %shift_right_logical3A_1140 : i32 to vector<16xi32>
    %shift_right_logical3A_1142 = arith.shrui %get3A_1139, %shift_right_logical3A_1141 : vector<16xi32>
    %and3A_1143 = arith.constant 262143 : i32
    %and3A_1144 = vector.broadcast %and3A_1143 : i32 to vector<16xi32>
    %and3A_1145 = arith.andi %get3A_1139, %and3A_1144 : vector<16xi32>
    %mul3A_1146 = arith.constant 4 : i32
    %mul3A_1147 = vector.broadcast %mul3A_1146 : i32 to vector<16xi32>
    %mul3A_1148 = arith.muli %mul3A_1147, %and3A_1145 : vector<16xi32>
    %add3A_1149 = arith.addi %mul3A_1148, %shift_right_logical3A_1142 : vector<16xi32>
    %swap3A_1150 = arith.constant 3 : i32
    %swap3A_1151 = arith.index_cast %swap3A_1150 : i32 to index
    %swap3A_1152 = arith.constant 48 : index
    %swap3A_1153 = tpu.vector_load %arg8[%swap3A_1151, %swap3A_1152] {strides = array<i32>} : memref<4x128xi32, #tpu.memory_space<vmem>>, vector<1x16xi32>,
    %swap3A_1154 = vector.shape_cast %swap3A_1153 : vector<1x16xi32> to vector<16xi32>
    %swap3A_1155 = vector.shape_cast %add3A_1149 : vector<16xi32> to vector<1x16xi32>
    tpu.vector_store %arg8[%swap3A_1151, %swap3A_1152], %swap3A_1155 {strides = array<i32>} : memref<4x128xi32, #tpu.memory_space<vmem>>, vector<1x16xi32>,
    %get3A_1156 = arith.constant 3 : i32
    %get3A_1157 = arith.index_cast %get3A_1156 : i32 to index
    %get3A_1158 = arith.constant 48 : index
    %get3A_1159 = tpu.vector_load %arg9[%get3A_1157, %get3A_1158] {strides = array<i32>} : memref<4x128xi32, #tpu.memory_space<vmem>>, vector<1x16xi32>,
    %get3A_1160 = vector.shape_cast %get3A_1159 : vector<1x16xi32> to vector<16xi32>
    %shift_right_logical3A_1161 = arith.constant 18 : i32
    %shift_right_logical3A_1162 = vector.broadcast %shift_right_logical3A_1161 : i32 to vector<16xi32>
    %shift_right_logical3A_1163 = arith.shrui %get3A_1160, %shift_right_logical3A_1162 : vector<16xi32>
    %and3A_1164 = arith.constant 262143 : i32
    %and3A_1165 = vector.broadcast %and3A_1164 : i32 to vector<16xi32>
    %and3A_1166 = arith.andi %get3A_1160, %and3A_1165 : vector<16xi32>
    %mul3A_1167 = arith.constant 4 : i32
    %mul3A_1168 = vector.broadcast %mul3A_1167 : i32 to vector<16xi32>
    %mul3A_1169 = arith.muli %mul3A_1168, %and3A_1166 : vector<16xi32>
    %add3A_1170 = arith.addi %mul3A_1169, %shift_right_logical3A_1163 : vector<16xi32>
    %swap3A_1171 = arith.constant 3 : i32
    %swap3A_1172 = arith.index_cast %swap3A_1171 : i32 to index
    %swap3A_1173 = arith.constant 48 : index
    %swap3A_1174 = tpu.vector_load %arg9[%swap3A_1172, %swap3A_1173] {strides = array<i32>} : memref<4x128xi32, #tpu.memory_space<vmem>>, vector<1x16xi32>,
    %swap3A_1175 = vector.shape_cast %swap3A_1174 : vector<1x16xi32> to vector<16xi32>
    %swap3A_1176 = vector.shape_cast %add3A_1170 : vector<16xi32> to vector<1x16xi32>
    tpu.vector_store %arg9[%swap3A_1172, %swap3A_1173], %swap3A_1176 {strides = array<i32>} : memref<4x128xi32, #tpu.memory_space<vmem>>, vector<1x16xi32>,
    %get3A_1177 = arith.constant 3 : i32
    %get3A_1178 = arith.index_cast %get3A_1177 : i32 to index
    %get3A_1179 = arith.constant 64 : index
    %get3A_1180 = tpu.vector_load %arg8[%get3A_1178, %get3A_1179] {strides = array<i32>} : memref<4x128xi32, #tpu.memory_space<vmem>>, vector<1x16xi32>,
    %get3A_1181 = vector.shape_cast %get3A_1180 : vector<1x16xi32> to vector<16xi32>
    %shift_right_logical3A_1182 = arith.constant 18 : i32
    %shift_right_logical3A_1183 = vector.broadcast %shift_right_logical3A_1182 : i32 to vector<16xi32>
    %shift_right_logical3A_1184 = arith.shrui %get3A_1181, %shift_right_logical3A_1183 : vector<16xi32>
    %and3A_1185 = arith.constant 262143 : i32
    %and3A_1186 = vector.broadcast %and3A_1185 : i32 to vector<16xi32>
    %and3A_1187 = arith.andi %get3A_1181, %and3A_1186 : vector<16xi32>
    %mul3A_1188 = arith.constant 4 : i32
    %mul3A_1189 = vector.broadcast %mul3A_1188 : i32 to vector<16xi32>
    %mul3A_1190 = arith.muli %mul3A_1189, %and3A_1187 : vector<16xi32>
    %add3A_1191 = arith.addi %mul3A_1190, %shift_right_logical3A_1184 : vector<16xi32>
    %swap3A_1192 = arith.constant 3 : i32
    %swap3A_1193 = arith.index_cast %swap3A_1192 : i32 to index
    %swap3A_1194 = arith.constant 64 : index
    %swap3A_1195 = tpu.vector_load %arg8[%swap3A_1193, %swap3A_1194] {strides = array<i32>} : memref<4x128xi32, #tpu.memory_space<vmem>>, vector<1x16xi32>,
    %swap3A_1196 = vector.shape_cast %swap3A_1195 : vector<1x16xi32> to vector<16xi32>
    %swap3A_1197 = vector.shape_cast %add3A_1191 : vector<16xi32> to vector<1x16xi32>
    tpu.vector_store %arg8[%swap3A_1193, %swap3A_1194], %swap3A_1197 {strides = array<i32>} : memref<4x128xi32, #tpu.memory_space<vmem>>, vector<1x16xi32>,
    %get3A_1198 = arith.constant 3 : i32
    %get3A_1199 = arith.index_cast %get3A_1198 : i32 to index
    %get3A_1200 = arith.constant 64 : index
    %get3A_1201 = tpu.vector_load %arg9[%get3A_1199, %get3A_1200] {strides = array<i32>} : memref<4x128xi32, #tpu.memory_space<vmem>>, vector<1x16xi32>,
    %get3A_1202 = vector.shape_cast %get3A_1201 : vector<1x16xi32> to vector<16xi32>
    %shift_right_logical3A_1203 = arith.constant 18 : i32
    %shift_right_logical3A_1204 = vector.broadcast %shift_right_logical3A_1203 : i32 to vector<16xi32>
    %shift_right_logical3A_1205 = arith.shrui %get3A_1202, %shift_right_logical3A_1204 : vector<16xi32>
    %and3A_1206 = arith.constant 262143 : i32
    %and3A_1207 = vector.broadcast %and3A_1206 : i32 to vector<16xi32>
    %and3A_1208 = arith.andi %get3A_1202, %and3A_1207 : vector<16xi32>
    %mul3A_1209 = arith.constant 4 : i32
    %mul3A_1210 = vector.broadcast %mul3A_1209 : i32 to vector<16xi32>
    %mul3A_1211 = arith.muli %mul3A_1210, %and3A_1208 : vector<16xi32>
    %add3A_1212 = arith.addi %mul3A_1211, %shift_right_logical3A_1205 : vector<16xi32>
    %swap3A_1213 = arith.constant 3 : i32
    %swap3A_1214 = arith.index_cast %swap3A_1213 : i32 to index
    %swap3A_1215 = arith.constant 64 : index
    %swap3A_1216 = tpu.vector_load %arg9[%swap3A_1214, %swap3A_1215] {strides = array<i32>} : memref<4x128xi32, #tpu.memory_space<vmem>>, vector<1x16xi32>,
    %swap3A_1217 = vector.shape_cast %swap3A_1216 : vector<1x16xi32> to vector<16xi32>
    %swap3A_1218 = vector.shape_cast %add3A_1212 : vector<16xi32> to vector<1x16xi32>
    tpu.vector_store %arg9[%swap3A_1214, %swap3A_1215], %swap3A_1218 {strides = array<i32>} : memref<4x128xi32, #tpu.memory_space<vmem>>, vector<1x16xi32>,
    %get3A_1219 = arith.constant 3 : i32
    %get3A_1220 = arith.index_cast %get3A_1219 : i32 to index
    %get3A_1221 = arith.constant 80 : index
    %get3A_1222 = tpu.vector_load %arg8[%get3A_1220, %get3A_1221] {strides = array<i32>} : memref<4x128xi32, #tpu.memory_space<vmem>>, vector<1x16xi32>,
    %get3A_1223 = vector.shape_cast %get3A_1222 : vector<1x16xi32> to vector<16xi32>
    %shift_right_logical3A_1224 = arith.constant 18 : i32
    %shift_right_logical3A_1225 = vector.broadcast %shift_right_logical3A_1224 : i32 to vector<16xi32>
    %shift_right_logical3A_1226 = arith.shrui %get3A_1223, %shift_right_logical3A_1225 : vector<16xi32>
    %and3A_1227 = arith.constant 262143 : i32
    %and3A_1228 = vector.broadcast %and3A_1227 : i32 to vector<16xi32>
    %and3A_1229 = arith.andi %get3A_1223, %and3A_1228 : vector<16xi32>
    %mul3A_1230 = arith.constant 4 : i32
    %mul3A_1231 = vector.broadcast %mul3A_1230 : i32 to vector<16xi32>
    %mul3A_1232 = arith.muli %mul3A_1231, %and3A_1229 : vector<16xi32>
    %add3A_1233 = arith.addi %mul3A_1232, %shift_right_logical3A_1226 : vector<16xi32>
    %swap3A_1234 = arith.constant 3 : i32
    %swap3A_1235 = arith.index_cast %swap3A_1234 : i32 to index
    %swap3A_1236 = arith.constant 80 : index
    %swap3A_1237 = tpu.vector_load %arg8[%swap3A_1235, %swap3A_1236] {strides = array<i32>} : memref<4x128xi32, #tpu.memory_space<vmem>>, vector<1x16xi32>,
    %swap3A_1238 = vector.shape_cast %swap3A_1237 : vector<1x16xi32> to vector<16xi32>
    %swap3A_1239 = vector.shape_cast %add3A_1233 : vector<16xi32> to vector<1x16xi32>
    tpu.vector_store %arg8[%swap3A_1235, %swap3A_1236], %swap3A_1239 {strides = array<i32>} : memref<4x128xi32, #tpu.memory_space<vmem>>, vector<1x16xi32>,
    %get3A_1240 = arith.constant 3 : i32
    %get3A_1241 = arith.index_cast %get3A_1240 : i32 to index
    %get3A_1242 = arith.constant 80 : index
    %get3A_1243 = tpu.vector_load %arg9[%get3A_1241, %get3A_1242] {strides = array<i32>} : memref<4x128xi32, #tpu.memory_space<vmem>>, vector<1x16xi32>,
    %get3A_1244 = vector.shape_cast %get3A_1243 : vector<1x16xi32> to vector<16xi32>
    %shift_right_logical3A_1245 = arith.constant 18 : i32
    %shift_right_logical3A_1246 = vector.broadcast %shift_right_logical3A_1245 : i32 to vector<16xi32>
    %shift_right_logical3A_1247 = arith.shrui %get3A_1244, %shift_right_logical3A_1246 : vector<16xi32>
    %and3A_1248 = arith.constant 262143 : i32
    %and3A_1249 = vector.broadcast %and3A_1248 : i32 to vector<16xi32>
    %and3A_1250 = arith.andi %get3A_1244, %and3A_1249 : vector<16xi32>
    %mul3A_1251 = arith.constant 4 : i32
    %mul3A_1252 = vector.broadcast %mul3A_1251 : i32 to vector<16xi32>
    %mul3A_1253 = arith.muli %mul3A_1252, %and3A_1250 : vector<16xi32>
    %add3A_1254 = arith.addi %mul3A_1253, %shift_right_logical3A_1247 : vector<16xi32>
    %swap3A_1255 = arith.constant 3 : i32
    %swap3A_1256 = arith.index_cast %swap3A_1255 : i32 to index
    %swap3A_1257 = arith.constant 80 : index
    %swap3A_1258 = tpu.vector_load %arg9[%swap3A_1256, %swap3A_1257] {strides = array<i32>} : memref<4x128xi32, #tpu.memory_space<vmem>>, vector<1x16xi32>,
    %swap3A_1259 = vector.shape_cast %swap3A_1258 : vector<1x16xi32> to vector<16xi32>
    %swap3A_1260 = vector.shape_cast %add3A_1254 : vector<16xi32> to vector<1x16xi32>
    tpu.vector_store %arg9[%swap3A_1256, %swap3A_1257], %swap3A_1260 {strides = array<i32>} : memref<4x128xi32, #tpu.memory_space<vmem>>, vector<1x16xi32>,
    %get3A_1261 = arith.constant 3 : i32
    %get3A_1262 = arith.index_cast %get3A_1261 : i32 to index
    %get3A_1263 = arith.constant 96 : index
    %get3A_1264 = tpu.vector_load %arg8[%get3A_1262, %get3A_1263] {strides = array<i32>} : memref<4x128xi32, #tpu.memory_space<vmem>>, vector<1x16xi32>,
    %get3A_1265 = vector.shape_cast %get3A_1264 : vector<1x16xi32> to vector<16xi32>
    %shift_right_logical3A_1266 = arith.constant 18 : i32
    %shift_right_logical3A_1267 = vector.broadcast %shift_right_logical3A_1266 : i32 to vector<16xi32>
    %shift_right_logical3A_1268 = arith.shrui %get3A_1265, %shift_right_logical3A_1267 : vector<16xi32>
    %and3A_1269 = arith.constant 262143 : i32
    %and3A_1270 = vector.broadcast %and3A_1269 : i32 to vector<16xi32>
    %and3A_1271 = arith.andi %get3A_1265, %and3A_1270 : vector<16xi32>
    %mul3A_1272 = arith.constant 4 : i32
    %mul3A_1273 = vector.broadcast %mul3A_1272 : i32 to vector<16xi32>
    %mul3A_1274 = arith.muli %mul3A_1273, %and3A_1271 : vector<16xi32>
    %add3A_1275 = arith.addi %mul3A_1274, %shift_right_logical3A_1268 : vector<16xi32>
    %swap3A_1276 = arith.constant 3 : i32
    %swap3A_1277 = arith.index_cast %swap3A_1276 : i32 to index
    %swap3A_1278 = arith.constant 96 : index
    %swap3A_1279 = tpu.vector_load %arg8[%swap3A_1277, %swap3A_1278] {strides = array<i32>} : memref<4x128xi32, #tpu.memory_space<vmem>>, vector<1x16xi32>,
    %swap3A_1280 = vector.shape_cast %swap3A_1279 : vector<1x16xi32> to vector<16xi32>
    %swap3A_1281 = vector.shape_cast %add3A_1275 : vector<16xi32> to vector<1x16xi32>
    tpu.vector_store %arg8[%swap3A_1277, %swap3A_1278], %swap3A_1281 {strides = array<i32>} : memref<4x128xi32, #tpu.memory_space<vmem>>, vector<1x16xi32>,
    %get3A_1282 = arith.constant 3 : i32
    %get3A_1283 = arith.index_cast %get3A_1282 : i32 to index
    %get3A_1284 = arith.constant 96 : index
    %get3A_1285 = tpu.vector_load %arg9[%get3A_1283, %get3A_1284] {strides = array<i32>} : memref<4x128xi32, #tpu.memory_space<vmem>>, vector<1x16xi32>,
    %get3A_1286 = vector.shape_cast %get3A_1285 : vector<1x16xi32> to vector<16xi32>
    %shift_right_logical3A_1287 = arith.constant 18 : i32
    %shift_right_logical3A_1288 = vector.broadcast %shift_right_logical3A_1287 : i32 to vector<16xi32>
    %shift_right_logical3A_1289 = arith.shrui %get3A_1286, %shift_right_logical3A_1288 : vector<16xi32>
    %and3A_1290 = arith.constant 262143 : i32
    %and3A_1291 = vector.broadcast %and3A_1290 : i32 to vector<16xi32>
    %and3A_1292 = arith.andi %get3A_1286, %and3A_1291 : vector<16xi32>
    %mul3A_1293 = arith.constant 4 : i32
    %mul3A_1294 = vector.broadcast %mul3A_1293 : i32 to vector<16xi32>
    %mul3A_1295 = arith.muli %mul3A_1294, %and3A_1292 : vector<16xi32>
    %add3A_1296 = arith.addi %mul3A_1295, %shift_right_logical3A_1289 : vector<16xi32>
    %swap3A_1297 = arith.constant 3 : i32
    %swap3A_1298 = arith.index_cast %swap3A_1297 : i32 to index
    %swap3A_1299 = arith.constant 96 : index
    %swap3A_1300 = tpu.vector_load %arg9[%swap3A_1298, %swap3A_1299] {strides = array<i32>} : memref<4x128xi32, #tpu.memory_space<vmem>>, vector<1x16xi32>,
    %swap3A_1301 = vector.shape_cast %swap3A_1300 : vector<1x16xi32> to vector<16xi32>
    %swap3A_1302 = vector.shape_cast %add3A_1296 : vector<16xi32> to vector<1x16xi32>
    tpu.vector_store %arg9[%swap3A_1298, %swap3A_1299], %swap3A_1302 {strides = array<i32>} : memref<4x128xi32, #tpu.memory_space<vmem>>, vector<1x16xi32>,
    %get3A_1303 = arith.constant 3 : i32
    %get3A_1304 = arith.index_cast %get3A_1303 : i32 to index
    %get3A_1305 = arith.constant 112 : index
    %get3A_1306 = tpu.vector_load %arg8[%get3A_1304, %get3A_1305] {strides = array<i32>} : memref<4x128xi32, #tpu.memory_space<vmem>>, vector<1x16xi32>,
    %get3A_1307 = vector.shape_cast %get3A_1306 : vector<1x16xi32> to vector<16xi32>
    %shift_right_logical3A_1308 = arith.constant 18 : i32
    %shift_right_logical3A_1309 = vector.broadcast %shift_right_logical3A_1308 : i32 to vector<16xi32>
    %shift_right_logical3A_1310 = arith.shrui %get3A_1307, %shift_right_logical3A_1309 : vector<16xi32>
    %and3A_1311 = arith.constant 262143 : i32
    %and3A_1312 = vector.broadcast %and3A_1311 : i32 to vector<16xi32>
    %and3A_1313 = arith.andi %get3A_1307, %and3A_1312 : vector<16xi32>
    %mul3A_1314 = arith.constant 4 : i32
    %mul3A_1315 = vector.broadcast %mul3A_1314 : i32 to vector<16xi32>
    %mul3A_1316 = arith.muli %mul3A_1315, %and3A_1313 : vector<16xi32>
    %add3A_1317 = arith.addi %mul3A_1316, %shift_right_logical3A_1310 : vector<16xi32>
    %swap3A_1318 = arith.constant 3 : i32
    %swap3A_1319 = arith.index_cast %swap3A_1318 : i32 to index
    %swap3A_1320 = arith.constant 112 : index
    %swap3A_1321 = tpu.vector_load %arg8[%swap3A_1319, %swap3A_1320] {strides = array<i32>} : memref<4x128xi32, #tpu.memory_space<vmem>>, vector<1x16xi32>,
    %swap3A_1322 = vector.shape_cast %swap3A_1321 : vector<1x16xi32> to vector<16xi32>
    %swap3A_1323 = vector.shape_cast %add3A_1317 : vector<16xi32> to vector<1x16xi32>
    tpu.vector_store %arg8[%swap3A_1319, %swap3A_1320], %swap3A_1323 {strides = array<i32>} : memref<4x128xi32, #tpu.memory_space<vmem>>, vector<1x16xi32>,
    %get3A_1324 = arith.constant 3 : i32
    %get3A_1325 = arith.index_cast %get3A_1324 : i32 to index
    %get3A_1326 = arith.constant 112 : index
    %get3A_1327 = tpu.vector_load %arg9[%get3A_1325, %get3A_1326] {strides = array<i32>} : memref<4x128xi32, #tpu.memory_space<vmem>>, vector<1x16xi32>,
    %get3A_1328 = vector.shape_cast %get3A_1327 : vector<1x16xi32> to vector<16xi32>
    %shift_right_logical3A_1329 = arith.constant 18 : i32
    %shift_right_logical3A_1330 = vector.broadcast %shift_right_logical3A_1329 : i32 to vector<16xi32>
    %shift_right_logical3A_1331 = arith.shrui %get3A_1328, %shift_right_logical3A_1330 : vector<16xi32>
    %and3A_1332 = arith.constant 262143 : i32
    %and3A_1333 = vector.broadcast %and3A_1332 : i32 to vector<16xi32>
    %and3A_1334 = arith.andi %get3A_1328, %and3A_1333 : vector<16xi32>
    %mul3A_1335 = arith.constant 4 : i32
    %mul3A_1336 = vector.broadcast %mul3A_1335 : i32 to vector<16xi32>
    %mul3A_1337 = arith.muli %mul3A_1336, %and3A_1334 : vector<16xi32>
    %add3A_1338 = arith.addi %mul3A_1337, %shift_right_logical3A_1331 : vector<16xi32>
    %swap3A_1339 = arith.constant 3 : i32
    %swap3A_1340 = arith.index_cast %swap3A_1339 : i32 to index
    %swap3A_1341 = arith.constant 112 : index
    %swap3A_1342 = tpu.vector_load %arg9[%swap3A_1340, %swap3A_1341] {strides = array<i32>} : memref<4x128xi32, #tpu.memory_space<vmem>>, vector<1x16xi32>,
    %swap3A_1343 = vector.shape_cast %swap3A_1342 : vector<1x16xi32> to vector<16xi32>
    %swap3A_1344 = vector.shape_cast %add3A_1338 : vector<16xi32> to vector<1x16xi32>
    tpu.vector_store %arg9[%swap3A_1340, %swap3A_1341], %swap3A_1344 {strides = array<i32>} : memref<4x128xi32, #tpu.memory_space<vmem>>, vector<1x16xi32>,
    %dma_start3A = arith.constant 0 : i32
    %dma_start3A_1345 = arith.constant 0 : i32
    %dma_start3A_1346 = arith.constant 0 : i32
    %dma_start3A_1347 = arith.constant 0 : i32
    %dma_start3A_1348 = tpu.memref_slice %arg10[%dma_start3A_1345, %dma_start3A_1346, %dma_start3A_1347] : memref<4x128x32xf32, #tpu.memory_space<vmem>> -> memref<1x128x32xf32, #tpu.memory_space<vmem>>
    %dma_start3A_1349 = tpu.memref_squeeze %dma_start3A_1348 : memref<1x128x32xf32, #tpu.memory_space<vmem>> -> memref<128x32xf32, #tpu.memory_space<vmem>>
    %dma_start3A_1350 = arith.constant 0 : i32
    %dma_start3A_1351 = tpu.memref_slice %arg8[%dma_start3A, %dma_start3A_1350] : memref<4x128xi32, #tpu.memory_space<vmem>> -> memref<1x128xi32, #tpu.memory_space<vmem>>
    %dma_start3A_1352 = tpu.memref_squeeze %dma_start3A_1351 : memref<1x128xi32, #tpu.memory_space<vmem>> -> memref<128xi32, #tpu.memory_space<vmem>>
    %dma_start3A_1353 = arith.constant 0 : i32
    %dma_start3A_1354 = arith.constant 0 : i32
    %dma_start3A_1355 = tpu.memref_slice %arg4[%dma_start3A_1353, %dma_start3A_1354] : memref<1048576x32xf32, #tpu.memory_space<hbm>> -> memref<1048576x32xf32, #tpu.memory_space<hbm>>
    tpu.enqueue_indirect_dma source(%dma_start3A_1355 : memref<1048576x32xf32, #tpu.memory_space<hbm>>) target(%dma_start3A_1349 : memref<128x32xf32, #tpu.memory_space<vmem>>) offsets(%dma_start3A_1352 : memref<128xi32, #tpu.memory_space<vmem>>) semaphore(%arg12 : memref<!tpu.dma_semaphore, #tpu.memory_space<semaphore_mem>>)
    %dma_start3A_1356 = arith.constant 1 : i32
    %dma_start3A_1357 = arith.constant 1 : i32
    %dma_start3A_1358 = arith.constant 0 : i32
    %dma_start3A_1359 = arith.constant 0 : i32
    %dma_start3A_1360 = tpu.memref_slice %arg10[%dma_start3A_1357, %dma_start3A_1358, %dma_start3A_1359] : memref<4x128x32xf32, #tpu.memory_space<vmem>> -> memref<1x128x32xf32, #tpu.memory_space<vmem>>
    %dma_start3A_1361 = tpu.memref_squeeze %dma_start3A_1360 : memref<1x128x32xf32, #tpu.memory_space<vmem>> -> memref<128x32xf32, #tpu.memory_space<vmem>>
    %dma_start3A_1362 = arith.constant 0 : i32
    %dma_start3A_1363 = tpu.memref_slice %arg8[%dma_start3A_1356, %dma_start3A_1362] : memref<4x128xi32, #tpu.memory_space<vmem>> -> memref<1x128xi32, #tpu.memory_space<vmem>>
    %dma_start3A_1364 = tpu.memref_squeeze %dma_start3A_1363 : memref<1x128xi32, #tpu.memory_space<vmem>> -> memref<128xi32, #tpu.memory_space<vmem>>
    %dma_start3A_1365 = arith.constant 0 : i32
    %dma_start3A_1366 = arith.constant 0 : i32
    %dma_start3A_1367 = tpu.memref_slice %arg4[%dma_start3A_1365, %dma_start3A_1366] : memref<1048576x32xf32, #tpu.memory_space<hbm>> -> memref<1048576x32xf32, #tpu.memory_space<hbm>>
    tpu.enqueue_indirect_dma source(%dma_start3A_1367 : memref<1048576x32xf32, #tpu.memory_space<hbm>>) target(%dma_start3A_1361 : memref<128x32xf32, #tpu.memory_space<vmem>>) offsets(%dma_start3A_1364 : memref<128xi32, #tpu.memory_space<vmem>>) semaphore(%arg12 : memref<!tpu.dma_semaphore, #tpu.memory_space<semaphore_mem>>)
    %dma_start3A_1368 = arith.constant 2 : i32
    %dma_start3A_1369 = arith.constant 2 : i32
    %dma_start3A_1370 = arith.constant 0 : i32
    %dma_start3A_1371 = arith.constant 0 : i32
    %dma_start3A_1372 = tpu.memref_slice %arg10[%dma_start3A_1369, %dma_start3A_1370, %dma_start3A_1371] : memref<4x128x32xf32, #tpu.memory_space<vmem>> -> memref<1x128x32xf32, #tpu.memory_space<vmem>>
    %dma_start3A_1373 = tpu.memref_squeeze %dma_start3A_1372 : memref<1x128x32xf32, #tpu.memory_space<vmem>> -> memref<128x32xf32, #tpu.memory_space<vmem>>
    %dma_start3A_1374 = arith.constant 0 : i32
    %dma_start3A_1375 = tpu.memref_slice %arg8[%dma_start3A_1368, %dma_start3A_1374] : memref<4x128xi32, #tpu.memory_space<vmem>> -> memref<1x128xi32, #tpu.memory_space<vmem>>
    %dma_start3A_1376 = tpu.memref_squeeze %dma_start3A_1375 : memref<1x128xi32, #tpu.memory_space<vmem>> -> memref<128xi32, #tpu.memory_space<vmem>>
    %dma_start3A_1377 = arith.constant 0 : i32
    %dma_start3A_1378 = arith.constant 0 : i32
    %dma_start3A_1379 = tpu.memref_slice %arg4[%dma_start3A_1377, %dma_start3A_1378] : memref<1048576x32xf32, #tpu.memory_space<hbm>> -> memref<1048576x32xf32, #tpu.memory_space<hbm>>
    tpu.enqueue_indirect_dma source(%dma_start3A_1379 : memref<1048576x32xf32, #tpu.memory_space<hbm>>) target(%dma_start3A_1373 : memref<128x32xf32, #tpu.memory_space<vmem>>) offsets(%dma_start3A_1376 : memref<128xi32, #tpu.memory_space<vmem>>) semaphore(%arg12 : memref<!tpu.dma_semaphore, #tpu.memory_space<semaphore_mem>>)
    %dma_start3A_1380 = arith.constant 3 : i32
    %dma_start3A_1381 = arith.constant 3 : i32
    %dma_start3A_1382 = arith.constant 0 : i32
    %dma_start3A_1383 = arith.constant 0 : i32
    %dma_start3A_1384 = tpu.memref_slice %arg10[%dma_start3A_1381, %dma_start3A_1382, %dma_start3A_1383] : memref<4x128x32xf32, #tpu.memory_space<vmem>> -> memref<1x128x32xf32, #tpu.memory_space<vmem>>
    %dma_start3A_1385 = tpu.memref_squeeze %dma_start3A_1384 : memref<1x128x32xf32, #tpu.memory_space<vmem>> -> memref<128x32xf32, #tpu.memory_space<vmem>>
    %dma_start3A_1386 = arith.constant 0 : i32
    %dma_start3A_1387 = tpu.memref_slice %arg8[%dma_start3A_1380, %dma_start3A_1386] : memref<4x128xi32, #tpu.memory_space<vmem>> -> memref<1x128xi32, #tpu.memory_space<vmem>>
    %dma_start3A_1388 = tpu.memref_squeeze %dma_start3A_1387 : memref<1x128xi32, #tpu.memory_space<vmem>> -> memref<128xi32, #tpu.memory_space<vmem>>
    %dma_start3A_1389 = arith.constant 0 : i32
    %dma_start3A_1390 = arith.constant 0 : i32
    %dma_start3A_1391 = tpu.memref_slice %arg4[%dma_start3A_1389, %dma_start3A_1390] : memref<1048576x32xf32, #tpu.memory_space<hbm>> -> memref<1048576x32xf32, #tpu.memory_space<hbm>>
    tpu.enqueue_indirect_dma source(%dma_start3A_1391 : memref<1048576x32xf32, #tpu.memory_space<hbm>>) target(%dma_start3A_1385 : memref<128x32xf32, #tpu.memory_space<vmem>>) offsets(%dma_start3A_1388 : memref<128xi32, #tpu.memory_space<vmem>>) semaphore(%arg12 : memref<!tpu.dma_semaphore, #tpu.memory_space<semaphore_mem>>)
    %dma_start3A_1392 = arith.constant 0 : i32
    %dma_start3A_1393 = arith.constant 0 : i32
    %dma_start3A_1394 = arith.constant 0 : i32
    %dma_start3A_1395 = arith.constant 0 : i32
    %dma_start3A_1396 = tpu.memref_slice %arg11[%dma_start3A_1393, %dma_start3A_1394, %dma_start3A_1395] : memref<4x128x32xf32, #tpu.memory_space<vmem>> -> memref<1x128x32xf32, #tpu.memory_space<vmem>>
    %dma_start3A_1397 = tpu.memref_squeeze %dma_start3A_1396 : memref<1x128x32xf32, #tpu.memory_space<vmem>> -> memref<128x32xf32, #tpu.memory_space<vmem>>
    %dma_start3A_1398 = arith.constant 0 : i32
    %dma_start3A_1399 = tpu.memref_slice %arg9[%dma_start3A_1392, %dma_start3A_1398] : memref<4x128xi32, #tpu.memory_space<vmem>> -> memref<1x128xi32, #tpu.memory_space<vmem>>
    %dma_start3A_1400 = tpu.memref_squeeze %dma_start3A_1399 : memref<1x128xi32, #tpu.memory_space<vmem>> -> memref<128xi32, #tpu.memory_space<vmem>>
    %dma_start3A_1401 = arith.constant 0 : i32
    %dma_start3A_1402 = arith.constant 0 : i32
    %dma_start3A_1403 = tpu.memref_slice %arg5[%dma_start3A_1401, %dma_start3A_1402] : memref<1048576x32xf32, #tpu.memory_space<hbm>> -> memref<1048576x32xf32, #tpu.memory_space<hbm>>
    tpu.enqueue_indirect_dma source(%dma_start3A_1403 : memref<1048576x32xf32, #tpu.memory_space<hbm>>) target(%dma_start3A_1397 : memref<128x32xf32, #tpu.memory_space<vmem>>) offsets(%dma_start3A_1400 : memref<128xi32, #tpu.memory_space<vmem>>) semaphore(%arg13 : memref<!tpu.dma_semaphore, #tpu.memory_space<semaphore_mem>>)
    %dma_start3A_1404 = arith.constant 1 : i32
    %dma_start3A_1405 = arith.constant 1 : i32
    %dma_start3A_1406 = arith.constant 0 : i32
    %dma_start3A_1407 = arith.constant 0 : i32
    %dma_start3A_1408 = tpu.memref_slice %arg11[%dma_start3A_1405, %dma_start3A_1406, %dma_start3A_1407] : memref<4x128x32xf32, #tpu.memory_space<vmem>> -> memref<1x128x32xf32, #tpu.memory_space<vmem>>
    %dma_start3A_1409 = tpu.memref_squeeze %dma_start3A_1408 : memref<1x128x32xf32, #tpu.memory_space<vmem>> -> memref<128x32xf32, #tpu.memory_space<vmem>>
    %dma_start3A_1410 = arith.constant 0 : i32
    %dma_start3A_1411 = tpu.memref_slice %arg9[%dma_start3A_1404, %dma_start3A_1410] : memref<4x128xi32, #tpu.memory_space<vmem>> -> memref<1x128xi32, #tpu.memory_space<vmem>>
    %dma_start3A_1412 = tpu.memref_squeeze %dma_start3A_1411 : memref<1x128xi32, #tpu.memory_space<vmem>> -> memref<128xi32, #tpu.memory_space<vmem>>
    %dma_start3A_1413 = arith.constant 0 : i32
    %dma_start3A_1414 = arith.constant 0 : i32
    %dma_start3A_1415 = tpu.memref_slice %arg5[%dma_start3A_1413, %dma_start3A_1414] : memref<1048576x32xf32, #tpu.memory_space<hbm>> -> memref<1048576x32xf32, #tpu.memory_space<hbm>>
    tpu.enqueue_indirect_dma source(%dma_start3A_1415 : memref<1048576x32xf32, #tpu.memory_space<hbm>>) target(%dma_start3A_1409 : memref<128x32xf32, #tpu.memory_space<vmem>>) offsets(%dma_start3A_1412 : memref<128xi32, #tpu.memory_space<vmem>>) semaphore(%arg13 : memref<!tpu.dma_semaphore, #tpu.memory_space<semaphore_mem>>)
    %dma_start3A_1416 = arith.constant 2 : i32
    %dma_start3A_1417 = arith.constant 2 : i32
    %dma_start3A_1418 = arith.constant 0 : i32
    %dma_start3A_1419 = arith.constant 0 : i32
    %dma_start3A_1420 = tpu.memref_slice %arg11[%dma_start3A_1417, %dma_start3A_1418, %dma_start3A_1419] : memref<4x128x32xf32, #tpu.memory_space<vmem>> -> memref<1x128x32xf32, #tpu.memory_space<vmem>>
    %dma_start3A_1421 = tpu.memref_squeeze %dma_start3A_1420 : memref<1x128x32xf32, #tpu.memory_space<vmem>> -> memref<128x32xf32, #tpu.memory_space<vmem>>
    %dma_start3A_1422 = arith.constant 0 : i32
    %dma_start3A_1423 = tpu.memref_slice %arg9[%dma_start3A_1416, %dma_start3A_1422] : memref<4x128xi32, #tpu.memory_space<vmem>> -> memref<1x128xi32, #tpu.memory_space<vmem>>
    %dma_start3A_1424 = tpu.memref_squeeze %dma_start3A_1423 : memref<1x128xi32, #tpu.memory_space<vmem>> -> memref<128xi32, #tpu.memory_space<vmem>>
    %dma_start3A_1425 = arith.constant 0 : i32
    %dma_start3A_1426 = arith.constant 0 : i32
    %dma_start3A_1427 = tpu.memref_slice %arg5[%dma_start3A_1425, %dma_start3A_1426] : memref<1048576x32xf32, #tpu.memory_space<hbm>> -> memref<1048576x32xf32, #tpu.memory_space<hbm>>
    tpu.enqueue_indirect_dma source(%dma_start3A_1427 : memref<1048576x32xf32, #tpu.memory_space<hbm>>) target(%dma_start3A_1421 : memref<128x32xf32, #tpu.memory_space<vmem>>) offsets(%dma_start3A_1424 : memref<128xi32, #tpu.memory_space<vmem>>) semaphore(%arg13 : memref<!tpu.dma_semaphore, #tpu.memory_space<semaphore_mem>>)
    %dma_start3A_1428 = arith.constant 3 : i32
    %dma_start3A_1429 = arith.constant 3 : i32
    %dma_start3A_1430 = arith.constant 0 : i32
    %dma_start3A_1431 = arith.constant 0 : i32
    %dma_start3A_1432 = tpu.memref_slice %arg11[%dma_start3A_1429, %dma_start3A_1430, %dma_start3A_1431] : memref<4x128x32xf32, #tpu.memory_space<vmem>> -> memref<1x128x32xf32, #tpu.memory_space<vmem>>
    %dma_start3A_1433 = tpu.memref_squeeze %dma_start3A_1432 : memref<1x128x32xf32, #tpu.memory_space<vmem>> -> memref<128x32xf32, #tpu.memory_space<vmem>>
    %dma_start3A_1434 = arith.constant 0 : i32
    %dma_start3A_1435 = tpu.memref_slice %arg9[%dma_start3A_1428, %dma_start3A_1434] : memref<4x128xi32, #tpu.memory_space<vmem>> -> memref<1x128xi32, #tpu.memory_space<vmem>>
    %dma_start3A_1436 = tpu.memref_squeeze %dma_start3A_1435 : memref<1x128xi32, #tpu.memory_space<vmem>> -> memref<128xi32, #tpu.memory_space<vmem>>
    %dma_start3A_1437 = arith.constant 0 : i32
    %dma_start3A_1438 = arith.constant 0 : i32
    %dma_start3A_1439 = tpu.memref_slice %arg5[%dma_start3A_1437, %dma_start3A_1438] : memref<1048576x32xf32, #tpu.memory_space<hbm>> -> memref<1048576x32xf32, #tpu.memory_space<hbm>>
    tpu.enqueue_indirect_dma source(%dma_start3A_1439 : memref<1048576x32xf32, #tpu.memory_space<hbm>>) target(%dma_start3A_1433 : memref<128x32xf32, #tpu.memory_space<vmem>>) offsets(%dma_start3A_1436 : memref<128xi32, #tpu.memory_space<vmem>>) semaphore(%arg13 : memref<!tpu.dma_semaphore, #tpu.memory_space<semaphore_mem>>)
    %dma_wait3A = arith.constant 0 : i32
    %dma_wait3A_1440 = arith.constant 0 : i32
    %dma_wait3A_1441 = arith.constant 0 : i32
    %dma_wait3A_1442 = arith.constant 0 : i32
    %dma_wait3A_1443 = tpu.memref_slice %arg10[%dma_wait3A_1440, %dma_wait3A_1441, %dma_wait3A_1442] : memref<4x128x32xf32, #tpu.memory_space<vmem>> -> memref<1x128x32xf32, #tpu.memory_space<vmem>>
    %dma_wait3A_1444 = tpu.memref_squeeze %dma_wait3A_1443 : memref<1x128x32xf32, #tpu.memory_space<vmem>> -> memref<128x32xf32, #tpu.memory_space<vmem>>
    %dma_wait3A_1445 = arith.constant 0 : i32
    %dma_wait3A_1446 = tpu.memref_slice %arg8[%dma_wait3A, %dma_wait3A_1445] : memref<4x128xi32, #tpu.memory_space<vmem>> -> memref<1x128xi32, #tpu.memory_space<vmem>>
    %dma_wait3A_1447 = tpu.memref_squeeze %dma_wait3A_1446 : memref<1x128xi32, #tpu.memory_space<vmem>> -> memref<128xi32, #tpu.memory_space<vmem>>
    %dma_wait3A_1448 = arith.constant 0 : i32
    %dma_wait3A_1449 = arith.constant 0 : i32
    %dma_wait3A_1450 = tpu.memref_slice %arg4[%dma_wait3A_1448, %dma_wait3A_1449] : memref<1048576x32xf32, #tpu.memory_space<hbm>> -> memref<1048576x32xf32, #tpu.memory_space<hbm>>
    tpu.wait_indirect_dma semaphore(%arg12 : memref<!tpu.dma_semaphore, #tpu.memory_space<semaphore_mem>>) src(%dma_wait3A_1450 : memref<1048576x32xf32, #tpu.memory_space<hbm>>) dst(%dma_wait3A_1444 : memref<128x32xf32, #tpu.memory_space<vmem>>)
    %add3A_1451 = arith.constant 0 : i32
    %add3A_1452 = arith.addi %mul3A_4, %add3A_1451 : i32
    %run_scoped3A = arith.constant 0 : i32
    "tpu.region"() ({
      %run_scoped3A_1558 = tpu.sem_alloc : memref<!tpu.dma_semaphore, #tpu.memory_space<semaphore_mem>>
      %dma_start3A_1559 = arith.constant 0 : i32
      %dma_start3A_1560 = arith.constant 0 : i32
      %dma_start3A_1561 = tpu.memref_slice %arg10[%run_scoped3A, %dma_start3A_1559, %dma_start3A_1560] : memref<4x128x32xf32, #tpu.memory_space<vmem>> -> memref<1x128x32xf32, #tpu.memory_space<vmem>>
      %dma_start3A_1562 = tpu.memref_squeeze %dma_start3A_1561 : memref<1x128x32xf32, #tpu.memory_space<vmem>> -> memref<128x32xf32, #tpu.memory_space<vmem>>
      %dma_start3A_1563 = arith.constant 0 : i32
      %dma_start3A_1564 = tpu.memref_slice %arg6[%add3A_1452, %dma_start3A_1563] : memref<16384x32xf32, #tpu.memory_space<hbm>> -> memref<128x32xf32, #tpu.memory_space<hbm>>
      %dma_start3A_1565 = arith.constant 0 : i32
      %dma_start3A_1566 = tpu.memref_slice %arg6[%add3A_1452, %dma_start3A_1565] : memref<16384x32xf32, #tpu.memory_space<hbm>> -> memref<128x32xf32, #tpu.memory_space<hbm>>
      %dma_start3A_1567 = arith.constant 0 : i32
      %dma_start3A_1568 = arith.constant 0 : i32
      %dma_start3A_1569 = tpu.memref_slice %arg10[%run_scoped3A, %dma_start3A_1567, %dma_start3A_1568] : memref<4x128x32xf32, #tpu.memory_space<vmem>> -> memref<1x128x32xf32, #tpu.memory_space<vmem>>
      %dma_start3A_1570 = tpu.memref_squeeze %dma_start3A_1569 : memref<1x128x32xf32, #tpu.memory_space<vmem>> -> memref<128x32xf32, #tpu.memory_space<vmem>>
      tpu.enqueue_dma source(%dma_start3A_1570 : memref<128x32xf32, #tpu.memory_space<vmem>>) target(%dma_start3A_1566 : memref<128x32xf32, #tpu.memory_space<hbm>>) target_semaphore(%run_scoped3A_1558 : memref<!tpu.dma_semaphore, #tpu.memory_space<semaphore_mem>>)
      %dma_wait3A_1571 = arith.constant 0 : i32
      %dma_wait3A_1572 = arith.constant 0 : i32
      %dma_wait3A_1573 = tpu.memref_slice %arg10[%run_scoped3A, %dma_wait3A_1571, %dma_wait3A_1572] : memref<4x128x32xf32, #tpu.memory_space<vmem>> -> memref<1x128x32xf32, #tpu.memory_space<vmem>>
      %dma_wait3A_1574 = tpu.memref_squeeze %dma_wait3A_1573 : memref<1x128x32xf32, #tpu.memory_space<vmem>> -> memref<128x32xf32, #tpu.memory_space<vmem>>
      %dma_wait3A_1575 = arith.constant 0 : i32
      %dma_wait3A_1576 = tpu.memref_slice %arg6[%add3A_1452, %dma_wait3A_1575] : memref<16384x32xf32, #tpu.memory_space<hbm>> -> memref<128x32xf32, #tpu.memory_space<hbm>>
      %dma_wait3A_1577 = arith.constant 0 : i32
      %dma_wait3A_1578 = tpu.memref_slice %arg6[%add3A_1452, %dma_wait3A_1577] : memref<16384x32xf32, #tpu.memory_space<hbm>> -> memref<128x32xf32, #tpu.memory_space<hbm>>
      %dma_wait3A_1579 = arith.constant 0 : i32
      %dma_wait3A_1580 = arith.constant 0 : i32
      %dma_wait3A_1581 = tpu.memref_slice %arg10[%run_scoped3A, %dma_wait3A_1579, %dma_wait3A_1580] : memref<4x128x32xf32, #tpu.memory_space<vmem>> -> memref<1x128x32xf32, #tpu.memory_space<vmem>>
      %dma_wait3A_1582 = tpu.memref_squeeze %dma_wait3A_1581 : memref<1x128x32xf32, #tpu.memory_space<vmem>> -> memref<128x32xf32, #tpu.memory_space<vmem>>
      tpu.wait_dma2 semaphore(%run_scoped3A_1558 : memref<!tpu.dma_semaphore, #tpu.memory_space<semaphore_mem>>) src(%dma_wait3A_1582 : memref<128x32xf32, #tpu.memory_space<vmem>>) dst(%dma_wait3A_1578 : memref<128x32xf32, #tpu.memory_space<hbm>>)
      tpu.yield
    }) : () -> ()
    %dma_wait3A_1453 = arith.constant 1 : i32
    %dma_wait3A_1454 = arith.constant 1 : i32
    %dma_wait3A_1455 = arith.constant 0 : i32
    %dma_wait3A_1456 = arith.constant 0 : i32
    %dma_wait3A_1457 = tpu.memref_slice %arg10[%dma_wait3A_1454, %dma_wait3A_1455, %dma_wait3A_1456] : memref<4x128x32xf32, #tpu.memory_space<vmem>> -> memref<1x128x32xf32, #tpu.memory_space<vmem>>
    %dma_wait3A_1458 = tpu.memref_squeeze %dma_wait3A_1457 : memref<1x128x32xf32, #tpu.memory_space<vmem>> -> memref<128x32xf32, #tpu.memory_space<vmem>>
    %dma_wait3A_1459 = arith.constant 0 : i32
    %dma_wait3A_1460 = tpu.memref_slice %arg8[%dma_wait3A_1453, %dma_wait3A_1459] : memref<4x128xi32, #tpu.memory_space<vmem>> -> memref<1x128xi32, #tpu.memory_space<vmem>>
    %dma_wait3A_1461 = tpu.memref_squeeze %dma_wait3A_1460 : memref<1x128xi32, #tpu.memory_space<vmem>> -> memref<128xi32, #tpu.memory_space<vmem>>
    %dma_wait3A_1462 = arith.constant 0 : i32
    %dma_wait3A_1463 = arith.constant 0 : i32
    %dma_wait3A_1464 = tpu.memref_slice %arg4[%dma_wait3A_1462, %dma_wait3A_1463] : memref<1048576x32xf32, #tpu.memory_space<hbm>> -> memref<1048576x32xf32, #tpu.memory_space<hbm>>
    tpu.wait_indirect_dma semaphore(%arg12 : memref<!tpu.dma_semaphore, #tpu.memory_space<semaphore_mem>>) src(%dma_wait3A_1464 : memref<1048576x32xf32, #tpu.memory_space<hbm>>) dst(%dma_wait3A_1458 : memref<128x32xf32, #tpu.memory_space<vmem>>)
    %add3A_1465 = arith.constant 128 : i32
    %add3A_1466 = arith.addi %mul3A_4, %add3A_1465 : i32
    %run_scoped3A_1467 = arith.constant 1 : i32
    "tpu.region"() ({
      %run_scoped3A_1558 = tpu.sem_alloc : memref<!tpu.dma_semaphore, #tpu.memory_space<semaphore_mem>>
      %dma_start3A_1559 = arith.constant 0 : i32
      %dma_start3A_1560 = arith.constant 0 : i32
      %dma_start3A_1561 = tpu.memref_slice %arg10[%run_scoped3A_1467, %dma_start3A_1559, %dma_start3A_1560] : memref<4x128x32xf32, #tpu.memory_space<vmem>> -> memref<1x128x32xf32, #tpu.memory_space<vmem>>
      %dma_start3A_1562 = tpu.memref_squeeze %dma_start3A_1561 : memref<1x128x32xf32, #tpu.memory_space<vmem>> -> memref<128x32xf32, #tpu.memory_space<vmem>>
      %dma_start3A_1563 = arith.constant 0 : i32
      %dma_start3A_1564 = tpu.memref_slice %arg6[%add3A_1466, %dma_start3A_1563] : memref<16384x32xf32, #tpu.memory_space<hbm>> -> memref<128x32xf32, #tpu.memory_space<hbm>>
      %dma_start3A_1565 = arith.constant 0 : i32
      %dma_start3A_1566 = tpu.memref_slice %arg6[%add3A_1466, %dma_start3A_1565] : memref<16384x32xf32, #tpu.memory_space<hbm>> -> memref<128x32xf32, #tpu.memory_space<hbm>>
      %dma_start3A_1567 = arith.constant 0 : i32
      %dma_start3A_1568 = arith.constant 0 : i32
      %dma_start3A_1569 = tpu.memref_slice %arg10[%run_scoped3A_1467, %dma_start3A_1567, %dma_start3A_1568] : memref<4x128x32xf32, #tpu.memory_space<vmem>> -> memref<1x128x32xf32, #tpu.memory_space<vmem>>
      %dma_start3A_1570 = tpu.memref_squeeze %dma_start3A_1569 : memref<1x128x32xf32, #tpu.memory_space<vmem>> -> memref<128x32xf32, #tpu.memory_space<vmem>>
      tpu.enqueue_dma source(%dma_start3A_1570 : memref<128x32xf32, #tpu.memory_space<vmem>>) target(%dma_start3A_1566 : memref<128x32xf32, #tpu.memory_space<hbm>>) target_semaphore(%run_scoped3A_1558 : memref<!tpu.dma_semaphore, #tpu.memory_space<semaphore_mem>>)
      %dma_wait3A_1571 = arith.constant 0 : i32
      %dma_wait3A_1572 = arith.constant 0 : i32
      %dma_wait3A_1573 = tpu.memref_slice %arg10[%run_scoped3A_1467, %dma_wait3A_1571, %dma_wait3A_1572] : memref<4x128x32xf32, #tpu.memory_space<vmem>> -> memref<1x128x32xf32, #tpu.memory_space<vmem>>
      %dma_wait3A_1574 = tpu.memref_squeeze %dma_wait3A_1573 : memref<1x128x32xf32, #tpu.memory_space<vmem>> -> memref<128x32xf32, #tpu.memory_space<vmem>>
      %dma_wait3A_1575 = arith.constant 0 : i32
      %dma_wait3A_1576 = tpu.memref_slice %arg6[%add3A_1466, %dma_wait3A_1575] : memref<16384x32xf32, #tpu.memory_space<hbm>> -> memref<128x32xf32, #tpu.memory_space<hbm>>
      %dma_wait3A_1577 = arith.constant 0 : i32
      %dma_wait3A_1578 = tpu.memref_slice %arg6[%add3A_1466, %dma_wait3A_1577] : memref<16384x32xf32, #tpu.memory_space<hbm>> -> memref<128x32xf32, #tpu.memory_space<hbm>>
      %dma_wait3A_1579 = arith.constant 0 : i32
      %dma_wait3A_1580 = arith.constant 0 : i32
      %dma_wait3A_1581 = tpu.memref_slice %arg10[%run_scoped3A_1467, %dma_wait3A_1579, %dma_wait3A_1580] : memref<4x128x32xf32, #tpu.memory_space<vmem>> -> memref<1x128x32xf32, #tpu.memory_space<vmem>>
      %dma_wait3A_1582 = tpu.memref_squeeze %dma_wait3A_1581 : memref<1x128x32xf32, #tpu.memory_space<vmem>> -> memref<128x32xf32, #tpu.memory_space<vmem>>
      tpu.wait_dma2 semaphore(%run_scoped3A_1558 : memref<!tpu.dma_semaphore, #tpu.memory_space<semaphore_mem>>) src(%dma_wait3A_1582 : memref<128x32xf32, #tpu.memory_space<vmem>>) dst(%dma_wait3A_1578 : memref<128x32xf32, #tpu.memory_space<hbm>>)
      tpu.yield
    }) : () -> ()
    %dma_wait3A_1468 = arith.constant 2 : i32
    %dma_wait3A_1469 = arith.constant 2 : i32
    %dma_wait3A_1470 = arith.constant 0 : i32
    %dma_wait3A_1471 = arith.constant 0 : i32
    %dma_wait3A_1472 = tpu.memref_slice %arg10[%dma_wait3A_1469, %dma_wait3A_1470, %dma_wait3A_1471] : memref<4x128x32xf32, #tpu.memory_space<vmem>> -> memref<1x128x32xf32, #tpu.memory_space<vmem>>
    %dma_wait3A_1473 = tpu.memref_squeeze %dma_wait3A_1472 : memref<1x128x32xf32, #tpu.memory_space<vmem>> -> memref<128x32xf32, #tpu.memory_space<vmem>>
    %dma_wait3A_1474 = arith.constant 0 : i32
    %dma_wait3A_1475 = tpu.memref_slice %arg8[%dma_wait3A_1468, %dma_wait3A_1474] : memref<4x128xi32, #tpu.memory_space<vmem>> -> memref<1x128xi32, #tpu.memory_space<vmem>>
    %dma_wait3A_1476 = tpu.memref_squeeze %dma_wait3A_1475 : memref<1x128xi32, #tpu.memory_space<vmem>> -> memref<128xi32, #tpu.memory_space<vmem>>
    %dma_wait3A_1477 = arith.constant 0 : i32
    %dma_wait3A_1478 = arith.constant 0 : i32
    %dma_wait3A_1479 = tpu.memref_slice %arg4[%dma_wait3A_1477, %dma_wait3A_1478] : memref<1048576x32xf32, #tpu.memory_space<hbm>> -> memref<1048576x32xf32, #tpu.memory_space<hbm>>
    tpu.wait_indirect_dma semaphore(%arg12 : memref<!tpu.dma_semaphore, #tpu.memory_space<semaphore_mem>>) src(%dma_wait3A_1479 : memref<1048576x32xf32, #tpu.memory_space<hbm>>) dst(%dma_wait3A_1473 : memref<128x32xf32, #tpu.memory_space<vmem>>)
    %add3A_1480 = arith.constant 256 : i32
    %add3A_1481 = arith.addi %mul3A_4, %add3A_1480 : i32
    %run_scoped3A_1482 = arith.constant 2 : i32
    "tpu.region"() ({
      %run_scoped3A_1558 = tpu.sem_alloc : memref<!tpu.dma_semaphore, #tpu.memory_space<semaphore_mem>>
      %dma_start3A_1559 = arith.constant 0 : i32
      %dma_start3A_1560 = arith.constant 0 : i32
      %dma_start3A_1561 = tpu.memref_slice %arg10[%run_scoped3A_1482, %dma_start3A_1559, %dma_start3A_1560] : memref<4x128x32xf32, #tpu.memory_space<vmem>> -> memref<1x128x32xf32, #tpu.memory_space<vmem>>
      %dma_start3A_1562 = tpu.memref_squeeze %dma_start3A_1561 : memref<1x128x32xf32, #tpu.memory_space<vmem>> -> memref<128x32xf32, #tpu.memory_space<vmem>>
      %dma_start3A_1563 = arith.constant 0 : i32
      %dma_start3A_1564 = tpu.memref_slice %arg6[%add3A_1481, %dma_start3A_1563] : memref<16384x32xf32, #tpu.memory_space<hbm>> -> memref<128x32xf32, #tpu.memory_space<hbm>>
      %dma_start3A_1565 = arith.constant 0 : i32
      %dma_start3A_1566 = tpu.memref_slice %arg6[%add3A_1481, %dma_start3A_1565] : memref<16384x32xf32, #tpu.memory_space<hbm>> -> memref<128x32xf32, #tpu.memory_space<hbm>>
      %dma_start3A_1567 = arith.constant 0 : i32
      %dma_start3A_1568 = arith.constant 0 : i32
      %dma_start3A_1569 = tpu.memref_slice %arg10[%run_scoped3A_1482, %dma_start3A_1567, %dma_start3A_1568] : memref<4x128x32xf32, #tpu.memory_space<vmem>> -> memref<1x128x32xf32, #tpu.memory_space<vmem>>
      %dma_start3A_1570 = tpu.memref_squeeze %dma_start3A_1569 : memref<1x128x32xf32, #tpu.memory_space<vmem>> -> memref<128x32xf32, #tpu.memory_space<vmem>>
      tpu.enqueue_dma source(%dma_start3A_1570 : memref<128x32xf32, #tpu.memory_space<vmem>>) target(%dma_start3A_1566 : memref<128x32xf32, #tpu.memory_space<hbm>>) target_semaphore(%run_scoped3A_1558 : memref<!tpu.dma_semaphore, #tpu.memory_space<semaphore_mem>>)
      %dma_wait3A_1571 = arith.constant 0 : i32
      %dma_wait3A_1572 = arith.constant 0 : i32
      %dma_wait3A_1573 = tpu.memref_slice %arg10[%run_scoped3A_1482, %dma_wait3A_1571, %dma_wait3A_1572] : memref<4x128x32xf32, #tpu.memory_space<vmem>> -> memref<1x128x32xf32, #tpu.memory_space<vmem>>
      %dma_wait3A_1574 = tpu.memref_squeeze %dma_wait3A_1573 : memref<1x128x32xf32, #tpu.memory_space<vmem>> -> memref<128x32xf32, #tpu.memory_space<vmem>>
      %dma_wait3A_1575 = arith.constant 0 : i32
      %dma_wait3A_1576 = tpu.memref_slice %arg6[%add3A_1481, %dma_wait3A_1575] : memref<16384x32xf32, #tpu.memory_space<hbm>> -> memref<128x32xf32, #tpu.memory_space<hbm>>
      %dma_wait3A_1577 = arith.constant 0 : i32
      %dma_wait3A_1578 = tpu.memref_slice %arg6[%add3A_1481, %dma_wait3A_1577] : memref<16384x32xf32, #tpu.memory_space<hbm>> -> memref<128x32xf32, #tpu.memory_space<hbm>>
      %dma_wait3A_1579 = arith.constant 0 : i32
      %dma_wait3A_1580 = arith.constant 0 : i32
      %dma_wait3A_1581 = tpu.memref_slice %arg10[%run_scoped3A_1482, %dma_wait3A_1579, %dma_wait3A_1580] : memref<4x128x32xf32, #tpu.memory_space<vmem>> -> memref<1x128x32xf32, #tpu.memory_space<vmem>>
      %dma_wait3A_1582 = tpu.memref_squeeze %dma_wait3A_1581 : memref<1x128x32xf32, #tpu.memory_space<vmem>> -> memref<128x32xf32, #tpu.memory_space<vmem>>
      tpu.wait_dma2 semaphore(%run_scoped3A_1558 : memref<!tpu.dma_semaphore, #tpu.memory_space<semaphore_mem>>) src(%dma_wait3A_1582 : memref<128x32xf32, #tpu.memory_space<vmem>>) dst(%dma_wait3A_1578 : memref<128x32xf32, #tpu.memory_space<hbm>>)
      tpu.yield
    }) : () -> ()
    %dma_wait3A_1483 = arith.constant 3 : i32
    %dma_wait3A_1484 = arith.constant 3 : i32
    %dma_wait3A_1485 = arith.constant 0 : i32
    %dma_wait3A_1486 = arith.constant 0 : i32
    %dma_wait3A_1487 = tpu.memref_slice %arg10[%dma_wait3A_1484, %dma_wait3A_1485, %dma_wait3A_1486] : memref<4x128x32xf32, #tpu.memory_space<vmem>> -> memref<1x128x32xf32, #tpu.memory_space<vmem>>
    %dma_wait3A_1488 = tpu.memref_squeeze %dma_wait3A_1487 : memref<1x128x32xf32, #tpu.memory_space<vmem>> -> memref<128x32xf32, #tpu.memory_space<vmem>>
    %dma_wait3A_1489 = arith.constant 0 : i32
    %dma_wait3A_1490 = tpu.memref_slice %arg8[%dma_wait3A_1483, %dma_wait3A_1489] : memref<4x128xi32, #tpu.memory_space<vmem>> -> memref<1x128xi32, #tpu.memory_space<vmem>>
    %dma_wait3A_1491 = tpu.memref_squeeze %dma_wait3A_1490 : memref<1x128xi32, #tpu.memory_space<vmem>> -> memref<128xi32, #tpu.memory_space<vmem>>
    %dma_wait3A_1492 = arith.constant 0 : i32
    %dma_wait3A_1493 = arith.constant 0 : i32
    %dma_wait3A_1494 = tpu.memref_slice %arg4[%dma_wait3A_1492, %dma_wait3A_1493] : memref<1048576x32xf32, #tpu.memory_space<hbm>> -> memref<1048576x32xf32, #tpu.memory_space<hbm>>
    tpu.wait_indirect_dma semaphore(%arg12 : memref<!tpu.dma_semaphore, #tpu.memory_space<semaphore_mem>>) src(%dma_wait3A_1494 : memref<1048576x32xf32, #tpu.memory_space<hbm>>) dst(%dma_wait3A_1488 : memref<128x32xf32, #tpu.memory_space<vmem>>)
    %add3A_1495 = arith.constant 384 : i32
    %add3A_1496 = arith.addi %mul3A_4, %add3A_1495 : i32
    %run_scoped3A_1497 = arith.constant 3 : i32
    "tpu.region"() ({
      %run_scoped3A_1558 = tpu.sem_alloc : memref<!tpu.dma_semaphore, #tpu.memory_space<semaphore_mem>>
      %dma_start3A_1559 = arith.constant 0 : i32
      %dma_start3A_1560 = arith.constant 0 : i32
      %dma_start3A_1561 = tpu.memref_slice %arg10[%run_scoped3A_1497, %dma_start3A_1559, %dma_start3A_1560] : memref<4x128x32xf32, #tpu.memory_space<vmem>> -> memref<1x128x32xf32, #tpu.memory_space<vmem>>
      %dma_start3A_1562 = tpu.memref_squeeze %dma_start3A_1561 : memref<1x128x32xf32, #tpu.memory_space<vmem>> -> memref<128x32xf32, #tpu.memory_space<vmem>>
      %dma_start3A_1563 = arith.constant 0 : i32
      %dma_start3A_1564 = tpu.memref_slice %arg6[%add3A_1496, %dma_start3A_1563] : memref<16384x32xf32, #tpu.memory_space<hbm>> -> memref<128x32xf32, #tpu.memory_space<hbm>>
      %dma_start3A_1565 = arith.constant 0 : i32
      %dma_start3A_1566 = tpu.memref_slice %arg6[%add3A_1496, %dma_start3A_1565] : memref<16384x32xf32, #tpu.memory_space<hbm>> -> memref<128x32xf32, #tpu.memory_space<hbm>>
      %dma_start3A_1567 = arith.constant 0 : i32
      %dma_start3A_1568 = arith.constant 0 : i32
      %dma_start3A_1569 = tpu.memref_slice %arg10[%run_scoped3A_1497, %dma_start3A_1567, %dma_start3A_1568] : memref<4x128x32xf32, #tpu.memory_space<vmem>> -> memref<1x128x32xf32, #tpu.memory_space<vmem>>
      %dma_start3A_1570 = tpu.memref_squeeze %dma_start3A_1569 : memref<1x128x32xf32, #tpu.memory_space<vmem>> -> memref<128x32xf32, #tpu.memory_space<vmem>>
      tpu.enqueue_dma source(%dma_start3A_1570 : memref<128x32xf32, #tpu.memory_space<vmem>>) target(%dma_start3A_1566 : memref<128x32xf32, #tpu.memory_space<hbm>>) target_semaphore(%run_scoped3A_1558 : memref<!tpu.dma_semaphore, #tpu.memory_space<semaphore_mem>>)
      %dma_wait3A_1571 = arith.constant 0 : i32
      %dma_wait3A_1572 = arith.constant 0 : i32
      %dma_wait3A_1573 = tpu.memref_slice %arg10[%run_scoped3A_1497, %dma_wait3A_1571, %dma_wait3A_1572] : memref<4x128x32xf32, #tpu.memory_space<vmem>> -> memref<1x128x32xf32, #tpu.memory_space<vmem>>
      %dma_wait3A_1574 = tpu.memref_squeeze %dma_wait3A_1573 : memref<1x128x32xf32, #tpu.memory_space<vmem>> -> memref<128x32xf32, #tpu.memory_space<vmem>>
      %dma_wait3A_1575 = arith.constant 0 : i32
      %dma_wait3A_1576 = tpu.memref_slice %arg6[%add3A_1496, %dma_wait3A_1575] : memref<16384x32xf32, #tpu.memory_space<hbm>> -> memref<128x32xf32, #tpu.memory_space<hbm>>
      %dma_wait3A_1577 = arith.constant 0 : i32
      %dma_wait3A_1578 = tpu.memref_slice %arg6[%add3A_1496, %dma_wait3A_1577] : memref<16384x32xf32, #tpu.memory_space<hbm>> -> memref<128x32xf32, #tpu.memory_space<hbm>>
      %dma_wait3A_1579 = arith.constant 0 : i32
      %dma_wait3A_1580 = arith.constant 0 : i32
      %dma_wait3A_1581 = tpu.memref_slice %arg10[%run_scoped3A_1497, %dma_wait3A_1579, %dma_wait3A_1580] : memref<4x128x32xf32, #tpu.memory_space<vmem>> -> memref<1x128x32xf32, #tpu.memory_space<vmem>>
      %dma_wait3A_1582 = tpu.memref_squeeze %dma_wait3A_1581 : memref<1x128x32xf32, #tpu.memory_space<vmem>> -> memref<128x32xf32, #tpu.memory_space<vmem>>
      tpu.wait_dma2 semaphore(%run_scoped3A_1558 : memref<!tpu.dma_semaphore, #tpu.memory_space<semaphore_mem>>) src(%dma_wait3A_1582 : memref<128x32xf32, #tpu.memory_space<vmem>>) dst(%dma_wait3A_1578 : memref<128x32xf32, #tpu.memory_space<hbm>>)
      tpu.yield
    }) : () -> ()
    %dma_wait3A_1498 = arith.constant 0 : i32
    %dma_wait3A_1499 = arith.constant 0 : i32
    %dma_wait3A_1500 = arith.constant 0 : i32
    %dma_wait3A_1501 = arith.constant 0 : i32
    %dma_wait3A_1502 = tpu.memref_slice %arg11[%dma_wait3A_1499, %dma_wait3A_1500, %dma_wait3A_1501] : memref<4x128x32xf32, #tpu.memory_space<vmem>> -> memref<1x128x32xf32, #tpu.memory_space<vmem>>
    %dma_wait3A_1503 = tpu.memref_squeeze %dma_wait3A_1502 : memref<1x128x32xf32, #tpu.memory_space<vmem>> -> memref<128x32xf32, #tpu.memory_space<vmem>>
    %dma_wait3A_1504 = arith.constant 0 : i32
    %dma_wait3A_1505 = tpu.memref_slice %arg9[%dma_wait3A_1498, %dma_wait3A_1504] : memref<4x128xi32, #tpu.memory_space<vmem>> -> memref<1x128xi32, #tpu.memory_space<vmem>>
    %dma_wait3A_1506 = tpu.memref_squeeze %dma_wait3A_1505 : memref<1x128xi32, #tpu.memory_space<vmem>> -> memref<128xi32, #tpu.memory_space<vmem>>
    %dma_wait3A_1507 = arith.constant 0 : i32
    %dma_wait3A_1508 = arith.constant 0 : i32
    %dma_wait3A_1509 = tpu.memref_slice %arg5[%dma_wait3A_1507, %dma_wait3A_1508] : memref<1048576x32xf32, #tpu.memory_space<hbm>> -> memref<1048576x32xf32, #tpu.memory_space<hbm>>
    tpu.wait_indirect_dma semaphore(%arg13 : memref<!tpu.dma_semaphore, #tpu.memory_space<semaphore_mem>>) src(%dma_wait3A_1509 : memref<1048576x32xf32, #tpu.memory_space<hbm>>) dst(%dma_wait3A_1503 : memref<128x32xf32, #tpu.memory_space<vmem>>)
    %add3A_1510 = arith.constant 0 : i32
    %add3A_1511 = arith.addi %mul3A_4, %add3A_1510 : i32
    %run_scoped3A_1512 = arith.constant 0 : i32
    "tpu.region"() ({
      %run_scoped3A_1558 = tpu.sem_alloc : memref<!tpu.dma_semaphore, #tpu.memory_space<semaphore_mem>>
      %dma_start3A_1559 = arith.constant 0 : i32
      %dma_start3A_1560 = arith.constant 0 : i32
      %dma_start3A_1561 = tpu.memref_slice %arg11[%run_scoped3A_1512, %dma_start3A_1559, %dma_start3A_1560] : memref<4x128x32xf32, #tpu.memory_space<vmem>> -> memref<1x128x32xf32, #tpu.memory_space<vmem>>
      %dma_start3A_1562 = tpu.memref_squeeze %dma_start3A_1561 : memref<1x128x32xf32, #tpu.memory_space<vmem>> -> memref<128x32xf32, #tpu.memory_space<vmem>>
      %dma_start3A_1563 = arith.constant 0 : i32
      %dma_start3A_1564 = tpu.memref_slice %arg7[%add3A_1511, %dma_start3A_1563] : memref<16384x32xf32, #tpu.memory_space<hbm>> -> memref<128x32xf32, #tpu.memory_space<hbm>>
      %dma_start3A_1565 = arith.constant 0 : i32
      %dma_start3A_1566 = tpu.memref_slice %arg7[%add3A_1511, %dma_start3A_1565] : memref<16384x32xf32, #tpu.memory_space<hbm>> -> memref<128x32xf32, #tpu.memory_space<hbm>>
      %dma_start3A_1567 = arith.constant 0 : i32
      %dma_start3A_1568 = arith.constant 0 : i32
      %dma_start3A_1569 = tpu.memref_slice %arg11[%run_scoped3A_1512, %dma_start3A_1567, %dma_start3A_1568] : memref<4x128x32xf32, #tpu.memory_space<vmem>> -> memref<1x128x32xf32, #tpu.memory_space<vmem>>
      %dma_start3A_1570 = tpu.memref_squeeze %dma_start3A_1569 : memref<1x128x32xf32, #tpu.memory_space<vmem>> -> memref<128x32xf32, #tpu.memory_space<vmem>>
      tpu.enqueue_dma source(%dma_start3A_1570 : memref<128x32xf32, #tpu.memory_space<vmem>>) target(%dma_start3A_1566 : memref<128x32xf32, #tpu.memory_space<hbm>>) target_semaphore(%run_scoped3A_1558 : memref<!tpu.dma_semaphore, #tpu.memory_space<semaphore_mem>>)
      %dma_wait3A_1571 = arith.constant 0 : i32
      %dma_wait3A_1572 = arith.constant 0 : i32
      %dma_wait3A_1573 = tpu.memref_slice %arg11[%run_scoped3A_1512, %dma_wait3A_1571, %dma_wait3A_1572] : memref<4x128x32xf32, #tpu.memory_space<vmem>> -> memref<1x128x32xf32, #tpu.memory_space<vmem>>
      %dma_wait3A_1574 = tpu.memref_squeeze %dma_wait3A_1573 : memref<1x128x32xf32, #tpu.memory_space<vmem>> -> memref<128x32xf32, #tpu.memory_space<vmem>>
      %dma_wait3A_1575 = arith.constant 0 : i32
      %dma_wait3A_1576 = tpu.memref_slice %arg7[%add3A_1511, %dma_wait3A_1575] : memref<16384x32xf32, #tpu.memory_space<hbm>> -> memref<128x32xf32, #tpu.memory_space<hbm>>
      %dma_wait3A_1577 = arith.constant 0 : i32
      %dma_wait3A_1578 = tpu.memref_slice %arg7[%add3A_1511, %dma_wait3A_1577] : memref<16384x32xf32, #tpu.memory_space<hbm>> -> memref<128x32xf32, #tpu.memory_space<hbm>>
      %dma_wait3A_1579 = arith.constant 0 : i32
      %dma_wait3A_1580 = arith.constant 0 : i32
      %dma_wait3A_1581 = tpu.memref_slice %arg11[%run_scoped3A_1512, %dma_wait3A_1579, %dma_wait3A_1580] : memref<4x128x32xf32, #tpu.memory_space<vmem>> -> memref<1x128x32xf32, #tpu.memory_space<vmem>>
      %dma_wait3A_1582 = tpu.memref_squeeze %dma_wait3A_1581 : memref<1x128x32xf32, #tpu.memory_space<vmem>> -> memref<128x32xf32, #tpu.memory_space<vmem>>
      tpu.wait_dma2 semaphore(%run_scoped3A_1558 : memref<!tpu.dma_semaphore, #tpu.memory_space<semaphore_mem>>) src(%dma_wait3A_1582 : memref<128x32xf32, #tpu.memory_space<vmem>>) dst(%dma_wait3A_1578 : memref<128x32xf32, #tpu.memory_space<hbm>>)
      tpu.yield
    }) : () -> ()
    %dma_wait3A_1513 = arith.constant 1 : i32
    %dma_wait3A_1514 = arith.constant 1 : i32
    %dma_wait3A_1515 = arith.constant 0 : i32
    %dma_wait3A_1516 = arith.constant 0 : i32
    %dma_wait3A_1517 = tpu.memref_slice %arg11[%dma_wait3A_1514, %dma_wait3A_1515, %dma_wait3A_1516] : memref<4x128x32xf32, #tpu.memory_space<vmem>> -> memref<1x128x32xf32, #tpu.memory_space<vmem>>
    %dma_wait3A_1518 = tpu.memref_squeeze %dma_wait3A_1517 : memref<1x128x32xf32, #tpu.memory_space<vmem>> -> memref<128x32xf32, #tpu.memory_space<vmem>>
    %dma_wait3A_1519 = arith.constant 0 : i32
    %dma_wait3A_1520 = tpu.memref_slice %arg9[%dma_wait3A_1513, %dma_wait3A_1519] : memref<4x128xi32, #tpu.memory_space<vmem>> -> memref<1x128xi32, #tpu.memory_space<vmem>>
    %dma_wait3A_1521 = tpu.memref_squeeze %dma_wait3A_1520 : memref<1x128xi32, #tpu.memory_space<vmem>> -> memref<128xi32, #tpu.memory_space<vmem>>
    %dma_wait3A_1522 = arith.constant 0 : i32
    %dma_wait3A_1523 = arith.constant 0 : i32
    %dma_wait3A_1524 = tpu.memref_slice %arg5[%dma_wait3A_1522, %dma_wait3A_1523] : memref<1048576x32xf32, #tpu.memory_space<hbm>> -> memref<1048576x32xf32, #tpu.memory_space<hbm>>
    tpu.wait_indirect_dma semaphore(%arg13 : memref<!tpu.dma_semaphore, #tpu.memory_space<semaphore_mem>>) src(%dma_wait3A_1524 : memref<1048576x32xf32, #tpu.memory_space<hbm>>) dst(%dma_wait3A_1518 : memref<128x32xf32, #tpu.memory_space<vmem>>)
    %add3A_1525 = arith.constant 128 : i32
    %add3A_1526 = arith.addi %mul3A_4, %add3A_1525 : i32
    %run_scoped3A_1527 = arith.constant 1 : i32
    "tpu.region"() ({
      %run_scoped3A_1558 = tpu.sem_alloc : memref<!tpu.dma_semaphore, #tpu.memory_space<semaphore_mem>>
      %dma_start3A_1559 = arith.constant 0 : i32
      %dma_start3A_1560 = arith.constant 0 : i32
      %dma_start3A_1561 = tpu.memref_slice %arg11[%run_scoped3A_1527, %dma_start3A_1559, %dma_start3A_1560] : memref<4x128x32xf32, #tpu.memory_space<vmem>> -> memref<1x128x32xf32, #tpu.memory_space<vmem>>
      %dma_start3A_1562 = tpu.memref_squeeze %dma_start3A_1561 : memref<1x128x32xf32, #tpu.memory_space<vmem>> -> memref<128x32xf32, #tpu.memory_space<vmem>>
      %dma_start3A_1563 = arith.constant 0 : i32
      %dma_start3A_1564 = tpu.memref_slice %arg7[%add3A_1526, %dma_start3A_1563] : memref<16384x32xf32, #tpu.memory_space<hbm>> -> memref<128x32xf32, #tpu.memory_space<hbm>>
      %dma_start3A_1565 = arith.constant 0 : i32
      %dma_start3A_1566 = tpu.memref_slice %arg7[%add3A_1526, %dma_start3A_1565] : memref<16384x32xf32, #tpu.memory_space<hbm>> -> memref<128x32xf32, #tpu.memory_space<hbm>>
      %dma_start3A_1567 = arith.constant 0 : i32
      %dma_start3A_1568 = arith.constant 0 : i32
      %dma_start3A_1569 = tpu.memref_slice %arg11[%run_scoped3A_1527, %dma_start3A_1567, %dma_start3A_1568] : memref<4x128x32xf32, #tpu.memory_space<vmem>> -> memref<1x128x32xf32, #tpu.memory_space<vmem>>
      %dma_start3A_1570 = tpu.memref_squeeze %dma_start3A_1569 : memref<1x128x32xf32, #tpu.memory_space<vmem>> -> memref<128x32xf32, #tpu.memory_space<vmem>>
      tpu.enqueue_dma source(%dma_start3A_1570 : memref<128x32xf32, #tpu.memory_space<vmem>>) target(%dma_start3A_1566 : memref<128x32xf32, #tpu.memory_space<hbm>>) target_semaphore(%run_scoped3A_1558 : memref<!tpu.dma_semaphore, #tpu.memory_space<semaphore_mem>>)
      %dma_wait3A_1571 = arith.constant 0 : i32
      %dma_wait3A_1572 = arith.constant 0 : i32
      %dma_wait3A_1573 = tpu.memref_slice %arg11[%run_scoped3A_1527, %dma_wait3A_1571, %dma_wait3A_1572] : memref<4x128x32xf32, #tpu.memory_space<vmem>> -> memref<1x128x32xf32, #tpu.memory_space<vmem>>
      %dma_wait3A_1574 = tpu.memref_squeeze %dma_wait3A_1573 : memref<1x128x32xf32, #tpu.memory_space<vmem>> -> memref<128x32xf32, #tpu.memory_space<vmem>>
      %dma_wait3A_1575 = arith.constant 0 : i32
      %dma_wait3A_1576 = tpu.memref_slice %arg7[%add3A_1526, %dma_wait3A_1575] : memref<16384x32xf32, #tpu.memory_space<hbm>> -> memref<128x32xf32, #tpu.memory_space<hbm>>
      %dma_wait3A_1577 = arith.constant 0 : i32
      %dma_wait3A_1578 = tpu.memref_slice %arg7[%add3A_1526, %dma_wait3A_1577] : memref<16384x32xf32, #tpu.memory_space<hbm>> -> memref<128x32xf32, #tpu.memory_space<hbm>>
      %dma_wait3A_1579 = arith.constant 0 : i32
      %dma_wait3A_1580 = arith.constant 0 : i32
      %dma_wait3A_1581 = tpu.memref_slice %arg11[%run_scoped3A_1527, %dma_wait3A_1579, %dma_wait3A_1580] : memref<4x128x32xf32, #tpu.memory_space<vmem>> -> memref<1x128x32xf32, #tpu.memory_space<vmem>>
      %dma_wait3A_1582 = tpu.memref_squeeze %dma_wait3A_1581 : memref<1x128x32xf32, #tpu.memory_space<vmem>> -> memref<128x32xf32, #tpu.memory_space<vmem>>
      tpu.wait_dma2 semaphore(%run_scoped3A_1558 : memref<!tpu.dma_semaphore, #tpu.memory_space<semaphore_mem>>) src(%dma_wait3A_1582 : memref<128x32xf32, #tpu.memory_space<vmem>>) dst(%dma_wait3A_1578 : memref<128x32xf32, #tpu.memory_space<hbm>>)
      tpu.yield
    }) : () -> ()
    %dma_wait3A_1528 = arith.constant 2 : i32
    %dma_wait3A_1529 = arith.constant 2 : i32
    %dma_wait3A_1530 = arith.constant 0 : i32
    %dma_wait3A_1531 = arith.constant 0 : i32
    %dma_wait3A_1532 = tpu.memref_slice %arg11[%dma_wait3A_1529, %dma_wait3A_1530, %dma_wait3A_1531] : memref<4x128x32xf32, #tpu.memory_space<vmem>> -> memref<1x128x32xf32, #tpu.memory_space<vmem>>
    %dma_wait3A_1533 = tpu.memref_squeeze %dma_wait3A_1532 : memref<1x128x32xf32, #tpu.memory_space<vmem>> -> memref<128x32xf32, #tpu.memory_space<vmem>>
    %dma_wait3A_1534 = arith.constant 0 : i32
    %dma_wait3A_1535 = tpu.memref_slice %arg9[%dma_wait3A_1528, %dma_wait3A_1534] : memref<4x128xi32, #tpu.memory_space<vmem>> -> memref<1x128xi32, #tpu.memory_space<vmem>>
    %dma_wait3A_1536 = tpu.memref_squeeze %dma_wait3A_1535 : memref<1x128xi32, #tpu.memory_space<vmem>> -> memref<128xi32, #tpu.memory_space<vmem>>
    %dma_wait3A_1537 = arith.constant 0 : i32
    %dma_wait3A_1538 = arith.constant 0 : i32
    %dma_wait3A_1539 = tpu.memref_slice %arg5[%dma_wait3A_1537, %dma_wait3A_1538] : memref<1048576x32xf32, #tpu.memory_space<hbm>> -> memref<1048576x32xf32, #tpu.memory_space<hbm>>
    tpu.wait_indirect_dma semaphore(%arg13 : memref<!tpu.dma_semaphore, #tpu.memory_space<semaphore_mem>>) src(%dma_wait3A_1539 : memref<1048576x32xf32, #tpu.memory_space<hbm>>) dst(%dma_wait3A_1533 : memref<128x32xf32, #tpu.memory_space<vmem>>)
    %add3A_1540 = arith.constant 256 : i32
    %add3A_1541 = arith.addi %mul3A_4, %add3A_1540 : i32
    %run_scoped3A_1542 = arith.constant 2 : i32
    "tpu.region"() ({
      %run_scoped3A_1558 = tpu.sem_alloc : memref<!tpu.dma_semaphore, #tpu.memory_space<semaphore_mem>>
      %dma_start3A_1559 = arith.constant 0 : i32
      %dma_start3A_1560 = arith.constant 0 : i32
      %dma_start3A_1561 = tpu.memref_slice %arg11[%run_scoped3A_1542, %dma_start3A_1559, %dma_start3A_1560] : memref<4x128x32xf32, #tpu.memory_space<vmem>> -> memref<1x128x32xf32, #tpu.memory_space<vmem>>
      %dma_start3A_1562 = tpu.memref_squeeze %dma_start3A_1561 : memref<1x128x32xf32, #tpu.memory_space<vmem>> -> memref<128x32xf32, #tpu.memory_space<vmem>>
      %dma_start3A_1563 = arith.constant 0 : i32
      %dma_start3A_1564 = tpu.memref_slice %arg7[%add3A_1541, %dma_start3A_1563] : memref<16384x32xf32, #tpu.memory_space<hbm>> -> memref<128x32xf32, #tpu.memory_space<hbm>>
      %dma_start3A_1565 = arith.constant 0 : i32
      %dma_start3A_1566 = tpu.memref_slice %arg7[%add3A_1541, %dma_start3A_1565] : memref<16384x32xf32, #tpu.memory_space<hbm>> -> memref<128x32xf32, #tpu.memory_space<hbm>>
      %dma_start3A_1567 = arith.constant 0 : i32
      %dma_start3A_1568 = arith.constant 0 : i32
      %dma_start3A_1569 = tpu.memref_slice %arg11[%run_scoped3A_1542, %dma_start3A_1567, %dma_start3A_1568] : memref<4x128x32xf32, #tpu.memory_space<vmem>> -> memref<1x128x32xf32, #tpu.memory_space<vmem>>
      %dma_start3A_1570 = tpu.memref_squeeze %dma_start3A_1569 : memref<1x128x32xf32, #tpu.memory_space<vmem>> -> memref<128x32xf32, #tpu.memory_space<vmem>>
      tpu.enqueue_dma source(%dma_start3A_1570 : memref<128x32xf32, #tpu.memory_space<vmem>>) target(%dma_start3A_1566 : memref<128x32xf32, #tpu.memory_space<hbm>>) target_semaphore(%run_scoped3A_1558 : memref<!tpu.dma_semaphore, #tpu.memory_space<semaphore_mem>>)
      %dma_wait3A_1571 = arith.constant 0 : i32
      %dma_wait3A_1572 = arith.constant 0 : i32
      %dma_wait3A_1573 = tpu.memref_slice %arg11[%run_scoped3A_1542, %dma_wait3A_1571, %dma_wait3A_1572] : memref<4x128x32xf32, #tpu.memory_space<vmem>> -> memref<1x128x32xf32, #tpu.memory_space<vmem>>
      %dma_wait3A_1574 = tpu.memref_squeeze %dma_wait3A_1573 : memref<1x128x32xf32, #tpu.memory_space<vmem>> -> memref<128x32xf32, #tpu.memory_space<vmem>>
      %dma_wait3A_1575 = arith.constant 0 : i32
      %dma_wait3A_1576 = tpu.memref_slice %arg7[%add3A_1541, %dma_wait3A_1575] : memref<16384x32xf32, #tpu.memory_space<hbm>> -> memref<128x32xf32, #tpu.memory_space<hbm>>
      %dma_wait3A_1577 = arith.constant 0 : i32
      %dma_wait3A_1578 = tpu.memref_slice %arg7[%add3A_1541, %dma_wait3A_1577] : memref<16384x32xf32, #tpu.memory_space<hbm>> -> memref<128x32xf32, #tpu.memory_space<hbm>>
      %dma_wait3A_1579 = arith.constant 0 : i32
      %dma_wait3A_1580 = arith.constant 0 : i32
      %dma_wait3A_1581 = tpu.memref_slice %arg11[%run_scoped3A_1542, %dma_wait3A_1579, %dma_wait3A_1580] : memref<4x128x32xf32, #tpu.memory_space<vmem>> -> memref<1x128x32xf32, #tpu.memory_space<vmem>>
      %dma_wait3A_1582 = tpu.memref_squeeze %dma_wait3A_1581 : memref<1x128x32xf32, #tpu.memory_space<vmem>> -> memref<128x32xf32, #tpu.memory_space<vmem>>
      tpu.wait_dma2 semaphore(%run_scoped3A_1558 : memref<!tpu.dma_semaphore, #tpu.memory_space<semaphore_mem>>) src(%dma_wait3A_1582 : memref<128x32xf32, #tpu.memory_space<vmem>>) dst(%dma_wait3A_1578 : memref<128x32xf32, #tpu.memory_space<hbm>>)
      tpu.yield
    }) : () -> ()
    %dma_wait3A_1543 = arith.constant 3 : i32
    %dma_wait3A_1544 = arith.constant 3 : i32
    %dma_wait3A_1545 = arith.constant 0 : i32
    %dma_wait3A_1546 = arith.constant 0 : i32
    %dma_wait3A_1547 = tpu.memref_slice %arg11[%dma_wait3A_1544, %dma_wait3A_1545, %dma_wait3A_1546] : memref<4x128x32xf32, #tpu.memory_space<vmem>> -> memref<1x128x32xf32, #tpu.memory_space<vmem>>
    %dma_wait3A_1548 = tpu.memref_squeeze %dma_wait3A_1547 : memref<1x128x32xf32, #tpu.memory_space<vmem>> -> memref<128x32xf32, #tpu.memory_space<vmem>>
    %dma_wait3A_1549 = arith.constant 0 : i32
    %dma_wait3A_1550 = tpu.memref_slice %arg9[%dma_wait3A_1543, %dma_wait3A_1549] : memref<4x128xi32, #tpu.memory_space<vmem>> -> memref<1x128xi32, #tpu.memory_space<vmem>>
    %dma_wait3A_1551 = tpu.memref_squeeze %dma_wait3A_1550 : memref<1x128xi32, #tpu.memory_space<vmem>> -> memref<128xi32, #tpu.memory_space<vmem>>
    %dma_wait3A_1552 = arith.constant 0 : i32
    %dma_wait3A_1553 = arith.constant 0 : i32
    %dma_wait3A_1554 = tpu.memref_slice %arg5[%dma_wait3A_1552, %dma_wait3A_1553] : memref<1048576x32xf32, #tpu.memory_space<hbm>> -> memref<1048576x32xf32, #tpu.memory_space<hbm>>
    tpu.wait_indirect_dma semaphore(%arg13 : memref<!tpu.dma_semaphore, #tpu.memory_space<semaphore_mem>>) src(%dma_wait3A_1554 : memref<1048576x32xf32, #tpu.memory_space<hbm>>) dst(%dma_wait3A_1548 : memref<128x32xf32, #tpu.memory_space<vmem>>)
    %add3A_1555 = arith.constant 384 : i32
    %add3A_1556 = arith.addi %mul3A_4, %add3A_1555 : i32
    %run_scoped3A_1557 = arith.constant 3 : i32
    "tpu.region"() ({
      %run_scoped3A_1558 = tpu.sem_alloc : memref<!tpu.dma_semaphore, #tpu.memory_space<semaphore_mem>>
      %dma_start3A_1559 = arith.constant 0 : i32
      %dma_start3A_1560 = arith.constant 0 : i32
      %dma_start3A_1561 = tpu.memref_slice %arg11[%run_scoped3A_1557, %dma_start3A_1559, %dma_start3A_1560] : memref<4x128x32xf32, #tpu.memory_space<vmem>> -> memref<1x128x32xf32, #tpu.memory_space<vmem>>
      %dma_start3A_1562 = tpu.memref_squeeze %dma_start3A_1561 : memref<1x128x32xf32, #tpu.memory_space<vmem>> -> memref<128x32xf32, #tpu.memory_space<vmem>>
      %dma_start3A_1563 = arith.constant 0 : i32
      %dma_start3A_1564 = tpu.memref_slice %arg7[%add3A_1556, %dma_start3A_1563] : memref<16384x32xf32, #tpu.memory_space<hbm>> -> memref<128x32xf32, #tpu.memory_space<hbm>>
      %dma_start3A_1565 = arith.constant 0 : i32
      %dma_start3A_1566 = tpu.memref_slice %arg7[%add3A_1556, %dma_start3A_1565] : memref<16384x32xf32, #tpu.memory_space<hbm>> -> memref<128x32xf32, #tpu.memory_space<hbm>>
      %dma_start3A_1567 = arith.constant 0 : i32
      %dma_start3A_1568 = arith.constant 0 : i32
      %dma_start3A_1569 = tpu.memref_slice %arg11[%run_scoped3A_1557, %dma_start3A_1567, %dma_start3A_1568] : memref<4x128x32xf32, #tpu.memory_space<vmem>> -> memref<1x128x32xf32, #tpu.memory_space<vmem>>
      %dma_start3A_1570 = tpu.memref_squeeze %dma_start3A_1569 : memref<1x128x32xf32, #tpu.memory_space<vmem>> -> memref<128x32xf32, #tpu.memory_space<vmem>>
      tpu.enqueue_dma source(%dma_start3A_1570 : memref<128x32xf32, #tpu.memory_space<vmem>>) target(%dma_start3A_1566 : memref<128x32xf32, #tpu.memory_space<hbm>>) target_semaphore(%run_scoped3A_1558 : memref<!tpu.dma_semaphore, #tpu.memory_space<semaphore_mem>>)
      %dma_wait3A_1571 = arith.constant 0 : i32
      %dma_wait3A_1572 = arith.constant 0 : i32
      %dma_wait3A_1573 = tpu.memref_slice %arg11[%run_scoped3A_1557, %dma_wait3A_1571, %dma_wait3A_1572] : memref<4x128x32xf32, #tpu.memory_space<vmem>> -> memref<1x128x32xf32, #tpu.memory_space<vmem>>
      %dma_wait3A_1574 = tpu.memref_squeeze %dma_wait3A_1573 : memref<1x128x32xf32, #tpu.memory_space<vmem>> -> memref<128x32xf32, #tpu.memory_space<vmem>>
      %dma_wait3A_1575 = arith.constant 0 : i32
      %dma_wait3A_1576 = tpu.memref_slice %arg7[%add3A_1556, %dma_wait3A_1575] : memref<16384x32xf32, #tpu.memory_space<hbm>> -> memref<128x32xf32, #tpu.memory_space<hbm>>
      %dma_wait3A_1577 = arith.constant 0 : i32
      %dma_wait3A_1578 = tpu.memref_slice %arg7[%add3A_1556, %dma_wait3A_1577] : memref<16384x32xf32, #tpu.memory_space<hbm>> -> memref<128x32xf32, #tpu.memory_space<hbm>>
      %dma_wait3A_1579 = arith.constant 0 : i32
      %dma_wait3A_1580 = arith.constant 0 : i32
      %dma_wait3A_1581 = tpu.memref_slice %arg11[%run_scoped3A_1557, %dma_wait3A_1579, %dma_wait3A_1580] : memref<4x128x32xf32, #tpu.memory_space<vmem>> -> memref<1x128x32xf32, #tpu.memory_space<vmem>>
      %dma_wait3A_1582 = tpu.memref_squeeze %dma_wait3A_1581 : memref<1x128x32xf32, #tpu.memory_space<vmem>> -> memref<128x32xf32, #tpu.memory_space<vmem>>
      tpu.wait_dma2 semaphore(%run_scoped3A_1558 : memref<!tpu.dma_semaphore, #tpu.memory_space<semaphore_mem>>) src(%dma_wait3A_1582 : memref<128x32xf32, #tpu.memory_space<vmem>>) dst(%dma_wait3A_1578 : memref<128x32xf32, #tpu.memory_space<hbm>>)
      tpu.yield
    }) : () -> ()
    return
  }
}

module attributes {stable_mosaic.version = 14 : i64} {
  func.func @_stage_body(%arg0: i32, %arg1: memref<32x8192xf32, #tpu.memory_space<vmem>>, %arg2: memref<32x8192xf32, #tpu.memory_space<vmem>>, %arg3: memref<32x8192xf32, #tpu.memory_space<vmem>>, %arg4: memref<32x8192xf32, #tpu.memory_space<vmem>>, %arg5: memref<8192x128xf32, #tpu.memory_space<vmem>>) attributes {dimension_semantics = [#tpu.dimension_semantics<arbitrary>], iteration_bounds = array<i64: 32>, scalar_prefetch = 0 : i64, scratch_operands = 0 : i64, tpu.core_type = #tpu.core_type<tc>, window_params = [{transform_indices = @transform_0, window_bounds = array<i64: 32, 8192>}, {transform_indices = @transform_1, window_bounds = array<i64: 32, 8192>}, {transform_indices = @transform_2, window_bounds = array<i64: 32, 8192>}, {transform_indices = @transform_3, window_bounds = array<i64: 32, 8192>}, {transform_indices = @transform_4, window_bounds = array<i64: 8192, 128>}]} {
    %get3A = arith.constant 0 : index
    %get3A_0 = arith.constant 0 : index
    %get3A_1 = vector.load %arg1[%get3A, %get3A_0] : memref<32x8192xf32, #tpu.memory_space<vmem>>, vector<32x8192xf32>
    %transpose3A = tpu.transpose %get3A_1, [1, 0] : vector<32x8192xf32> -> vector<8192x32xf32>
    %get3A_2 = arith.constant 0 : index
    %get3A_3 = arith.constant 0 : index
    %get3A_4 = vector.load %arg2[%get3A_2, %get3A_3] : memref<32x8192xf32, #tpu.memory_space<vmem>>, vector<32x8192xf32>
    %transpose3A_5 = tpu.transpose %get3A_4, [1, 0] : vector<32x8192xf32> -> vector<8192x32xf32>
    %get3A_6 = arith.constant 0 : index
    %get3A_7 = arith.constant 0 : index
    %get3A_8 = vector.load %arg3[%get3A_6, %get3A_7] : memref<32x8192xf32, #tpu.memory_space<vmem>>, vector<32x8192xf32>
    %transpose3A_9 = tpu.transpose %get3A_8, [1, 0] : vector<32x8192xf32> -> vector<8192x32xf32>
    %get3A_10 = arith.constant 0 : index
    %get3A_11 = arith.constant 0 : index
    %get3A_12 = vector.load %arg4[%get3A_10, %get3A_11] : memref<32x8192xf32, #tpu.memory_space<vmem>>, vector<32x8192xf32>
    %transpose3A_13 = tpu.transpose %get3A_12, [1, 0] : vector<32x8192xf32> -> vector<8192x32xf32>
    %concatenate3A = tpu.concatenate %transpose3A, %transpose3A_5, %transpose3A_9, %transpose3A_13 in 1 : vector<8192x32xf32>, vector<8192x32xf32>, vector<8192x32xf32>, vector<8192x32xf32> -> vector<8192x128xf32>
    %swap3A = arith.constant 0 : index
    %swap3A_14 = arith.constant 0 : index
    %swap3A_15 = vector.load %arg5[%swap3A, %swap3A_14] : memref<8192x128xf32, #tpu.memory_space<vmem>>, vector<8192x128xf32>
    tpu.vector_store %arg5[%swap3A, %swap3A_14], %concatenate3A {strides = array<i32>} : memref<8192x128xf32, #tpu.memory_space<vmem>>, vector<8192x128xf32>,
    return
  }
  func.func @transform_0(%arg0: i32) -> (i32, i32) {
    %add3A = arith.constant 0 : i32
    %add3A_0 = arith.addi %add3A, %arg0 : i32
    %min3A = arith.constant 122 : i32
    %min3A_1 = arith.minsi %add3A_0, %min3A : i32
    %c0_i32 = arith.constant 0 : i32
    %c0_i32_2 = arith.constant 0 : i32
    return %c0_i32, %min3A_1 : i32, i32
  }
  func.func @transform_1(%arg0: i32) -> (i32, i32) {
    %add3A = arith.constant 32 : i32
    %add3A_0 = arith.addi %add3A, %arg0 : i32
    %min3A = arith.constant 122 : i32
    %min3A_1 = arith.minsi %add3A_0, %min3A : i32
    %c0_i32 = arith.constant 0 : i32
    %c0_i32_2 = arith.constant 0 : i32
    return %c0_i32, %min3A_1 : i32, i32
  }
  func.func @transform_2(%arg0: i32) -> (i32, i32) {
    %add3A = arith.constant 64 : i32
    %add3A_0 = arith.addi %add3A, %arg0 : i32
    %min3A = arith.constant 122 : i32
    %min3A_1 = arith.minsi %add3A_0, %min3A : i32
    %c0_i32 = arith.constant 0 : i32
    %c0_i32_2 = arith.constant 0 : i32
    return %c0_i32, %min3A_1 : i32, i32
  }
  func.func @transform_3(%arg0: i32) -> (i32, i32) {
    %add3A = arith.constant 96 : i32
    %add3A_0 = arith.addi %add3A, %arg0 : i32
    %min3A = arith.constant 122 : i32
    %min3A_1 = arith.minsi %add3A_0, %min3A : i32
    %c0_i32 = arith.constant 0 : i32
    %c0_i32_2 = arith.constant 0 : i32
    return %c0_i32, %min3A_1 : i32, i32
  }
  func.func @transform_4(%arg0: i32) -> (i32, i32) {
    %c0_i32 = arith.constant 0 : i32
    %c0_i32_0 = arith.constant 0 : i32
    return %arg0, %c0_i32 : i32, i32
  }
}

module attributes {stable_mosaic.version = 14 : i64} {
  func.func @_mlp_body(%arg0: i32, %arg1: memref<2048x32xf32, #tpu.memory_space<vmem>>, %arg2: memref<2048x32xf32, #tpu.memory_space<vmem>>, %arg3: memref<32x64xf32, #tpu.memory_space<vmem>>, %arg4: memref<32x64xf32, #tpu.memory_space<vmem>>, %arg5: memref<1x64xf32, #tpu.memory_space<vmem>>, %arg6: memref<64x32xf32, #tpu.memory_space<vmem>>, %arg7: memref<1x32xf32, #tpu.memory_space<vmem>>, %arg8: memref<32x16xf32, #tpu.memory_space<vmem>>, %arg9: memref<1x16xf32, #tpu.memory_space<vmem>>, %arg10: memref<16x1xf32, #tpu.memory_space<vmem>>, %arg11: memref<1x1xf32, #tpu.memory_space<vmem>>, %arg12: memref<2048x1xf32, #tpu.memory_space<vmem>>) attributes {dimension_semantics = [#tpu.dimension_semantics<arbitrary>], iteration_bounds = array<i64: 8>, scalar_prefetch = 0 : i64, scratch_operands = 0 : i64, tpu.core_type = #tpu.core_type<tc>, window_params = [{transform_indices = @transform_0, window_bounds = array<i64: 2048, 32>}, {transform_indices = @transform_1, window_bounds = array<i64: 2048, 32>}, {pipeline_mode = #tpu.pipeline_mode<synchronous>, transform_indices = @transform_2, window_bounds = array<i64: 32, 64>}, {pipeline_mode = #tpu.pipeline_mode<synchronous>, transform_indices = @transform_3, window_bounds = array<i64: 32, 64>}, {pipeline_mode = #tpu.pipeline_mode<synchronous>, transform_indices = @transform_4, window_bounds = array<i64: 1, 64>}, {pipeline_mode = #tpu.pipeline_mode<synchronous>, transform_indices = @transform_5, window_bounds = array<i64: 64, 32>}, {pipeline_mode = #tpu.pipeline_mode<synchronous>, transform_indices = @transform_6, window_bounds = array<i64: 1, 32>}, {pipeline_mode = #tpu.pipeline_mode<synchronous>, transform_indices = @transform_7, window_bounds = array<i64: 32, 16>}, {pipeline_mode = #tpu.pipeline_mode<synchronous>, transform_indices = @transform_8, window_bounds = array<i64: 1, 16>}, {pipeline_mode = #tpu.pipeline_mode<synchronous>, transform_indices = @transform_9, window_bounds = array<i64: 16, 1>}, {pipeline_mode = #tpu.pipeline_mode<synchronous>, transform_indices = @transform_10, window_bounds = array<i64: 1, 1>}, {transform_indices = @transform_11, window_bounds = array<i64: 2048, 1>}]} {
    %get3A = arith.constant 0 : index
    %get3A_0 = arith.constant 0 : index
    %get3A_1 = vector.load %arg1[%get3A, %get3A_0] : memref<2048x32xf32, #tpu.memory_space<vmem>>, vector<2048x32xf32>
    %get3A_2 = arith.constant 0 : index
    %get3A_3 = arith.constant 0 : index
    %get3A_4 = vector.load %arg3[%get3A_2, %get3A_3] : memref<32x64xf32, #tpu.memory_space<vmem>>, vector<32x64xf32>
    %dot_general3A = arith.constant dense<0.000000e+00> : vector<2048x64xf32>
    %dot_general3A_5 = tpu.matmul %get3A_1, %get3A_4, %dot_general3A {dimension_numbers = #tpu.dot_dimension_numbers<[1], [0], [0], [1], [0, 0, 1, 1], [], []>, transpose_lhs_hint = false} : vector<2048x32xf32>, vector<32x64xf32>, vector<2048x64xf32> -> vector<2048x64xf32>
    %get3A_6 = arith.constant 0 : index
    %get3A_7 = arith.constant 0 : index
    %get3A_8 = vector.load %arg2[%get3A_6, %get3A_7] : memref<2048x32xf32, #tpu.memory_space<vmem>>, vector<2048x32xf32>
    %get3A_9 = arith.constant 0 : index
    %get3A_10 = arith.constant 0 : index
    %get3A_11 = vector.load %arg4[%get3A_9, %get3A_10] : memref<32x64xf32, #tpu.memory_space<vmem>>, vector<32x64xf32>
    %dot_general3A_12 = arith.constant dense<0.000000e+00> : vector<2048x64xf32>
    %dot_general3A_13 = tpu.matmul %get3A_8, %get3A_11, %dot_general3A_12 {dimension_numbers = #tpu.dot_dimension_numbers<[1], [0], [0], [1], [0, 0, 1, 1], [], []>, transpose_lhs_hint = false} : vector<2048x32xf32>, vector<32x64xf32>, vector<2048x64xf32> -> vector<2048x64xf32>
    %add3A = arith.addf %dot_general3A_5, %dot_general3A_13 : vector<2048x64xf32>
    %get3A_14 = arith.constant 0 : index
    %get3A_15 = arith.constant 0 : index
    %get3A_16 = vector.load %arg5[%get3A_14, %get3A_15] : memref<1x64xf32, #tpu.memory_space<vmem>>, vector<1x64xf32>
    %add3A_17 = vector.broadcast %get3A_16 : vector<1x64xf32> to vector<2048x64xf32>
    %add3A_18 = arith.addf %add3A, %add3A_17 : vector<2048x64xf32>
    %max3A = arith.constant 0.000000e+00 : f32
    %max3A_19 = vector.broadcast %max3A : f32 to vector<2048x64xf32>
    %max3A_20 = arith.maximumf %add3A_18, %max3A_19 : vector<2048x64xf32>
    %get3A_21 = arith.constant 0 : index
    %get3A_22 = arith.constant 0 : index
    %get3A_23 = vector.load %arg6[%get3A_21, %get3A_22] : memref<64x32xf32, #tpu.memory_space<vmem>>, vector<64x32xf32>
    %dot_general3A_24 = arith.constant dense<0.000000e+00> : vector<2048x32xf32>
    %dot_general3A_25 = tpu.matmul %max3A_20, %get3A_23, %dot_general3A_24 {dimension_numbers = #tpu.dot_dimension_numbers<[1], [0], [0], [1], [0, 0, 1, 1], [], []>, transpose_lhs_hint = false} : vector<2048x64xf32>, vector<64x32xf32>, vector<2048x32xf32> -> vector<2048x32xf32>
    %get3A_26 = arith.constant 0 : index
    %get3A_27 = arith.constant 0 : index
    %get3A_28 = vector.load %arg7[%get3A_26, %get3A_27] : memref<1x32xf32, #tpu.memory_space<vmem>>, vector<1x32xf32>
    %add3A_29 = vector.broadcast %get3A_28 : vector<1x32xf32> to vector<2048x32xf32>
    %add3A_30 = arith.addf %dot_general3A_25, %add3A_29 : vector<2048x32xf32>
    %max3A_31 = arith.constant 0.000000e+00 : f32
    %max3A_32 = vector.broadcast %max3A_31 : f32 to vector<2048x32xf32>
    %max3A_33 = arith.maximumf %add3A_30, %max3A_32 : vector<2048x32xf32>
    %get3A_34 = arith.constant 0 : index
    %get3A_35 = arith.constant 0 : index
    %get3A_36 = vector.load %arg8[%get3A_34, %get3A_35] : memref<32x16xf32, #tpu.memory_space<vmem>>, vector<32x16xf32>
    %dot_general3A_37 = arith.constant dense<0.000000e+00> : vector<2048x16xf32>
    %dot_general3A_38 = tpu.matmul %max3A_33, %get3A_36, %dot_general3A_37 {dimension_numbers = #tpu.dot_dimension_numbers<[1], [0], [0], [1], [0, 0, 1, 1], [], []>, transpose_lhs_hint = false} : vector<2048x32xf32>, vector<32x16xf32>, vector<2048x16xf32> -> vector<2048x16xf32>
    %get3A_39 = arith.constant 0 : index
    %get3A_40 = arith.constant 0 : index
    %get3A_41 = vector.load %arg9[%get3A_39, %get3A_40] : memref<1x16xf32, #tpu.memory_space<vmem>>, vector<1x16xf32>
    %add3A_42 = vector.broadcast %get3A_41 : vector<1x16xf32> to vector<2048x16xf32>
    %add3A_43 = arith.addf %dot_general3A_38, %add3A_42 : vector<2048x16xf32>
    %max3A_44 = arith.constant 0.000000e+00 : f32
    %max3A_45 = vector.broadcast %max3A_44 : f32 to vector<2048x16xf32>
    %max3A_46 = arith.maximumf %add3A_43, %max3A_45 : vector<2048x16xf32>
    %get3A_47 = arith.constant 0 : index
    %get3A_48 = arith.constant 0 : index
    %get3A_49 = vector.load %arg10[%get3A_47, %get3A_48] : memref<16x1xf32, #tpu.memory_space<vmem>>, vector<16x1xf32>
    %dot_general3A_50 = arith.constant dense<0.000000e+00> : vector<2048x1xf32>
    %dot_general3A_51 = tpu.matmul %max3A_46, %get3A_49, %dot_general3A_50 {dimension_numbers = #tpu.dot_dimension_numbers<[1], [0], [0], [1], [0, 0, 1, 1], [], []>, transpose_lhs_hint = false} : vector<2048x16xf32>, vector<16x1xf32>, vector<2048x1xf32> -> vector<2048x1xf32>
    %get3A_52 = arith.constant 0 : index
    %get3A_53 = arith.constant 0 : index
    %get3A_54 = vector.load %arg11[%get3A_52, %get3A_53] : memref<1x1xf32, #tpu.memory_space<vmem>>, vector<1x1xf32>
    %add3A_55 = vector.broadcast %get3A_54 : vector<1x1xf32> to vector<2048x1xf32>
    %add3A_56 = arith.addf %dot_general3A_51, %add3A_55 : vector<2048x1xf32>
    %neg3A = arith.constant 0.000000e+00 : f32
    %neg3A_57 = vector.broadcast %neg3A : f32 to vector<2048x1xf32>
    %neg3A_58 = arith.subf %neg3A_57, %add3A_56 : vector<2048x1xf32>
    %exp3A = math.exp %neg3A_58 : vector<2048x1xf32>
    %add3A_59 = arith.constant 1.000000e+00 : f32
    %add3A_60 = vector.broadcast %add3A_59 : f32 to vector<2048x1xf32>
    %add3A_61 = arith.addf %add3A_60, %exp3A : vector<2048x1xf32>
    %div3A = arith.constant 1.000000e+00 : f32
    %div3A_62 = vector.broadcast %div3A : f32 to vector<2048x1xf32>
    %div3A_63 = arith.divf %div3A_62, %add3A_61 : vector<2048x1xf32>
    %swap3A = arith.constant 0 : index
    %swap3A_64 = arith.constant 0 : index
    %swap3A_65 = vector.load %arg12[%swap3A, %swap3A_64] : memref<2048x1xf32, #tpu.memory_space<vmem>>, vector<2048x1xf32>
    tpu.vector_store %arg12[%swap3A, %swap3A_64], %div3A_63 {strides = array<i32>} : memref<2048x1xf32, #tpu.memory_space<vmem>>, vector<2048x1xf32>,
    return
  }
  func.func @transform_0(%arg0: i32) -> (i32, i32) {
    %c0_i32 = arith.constant 0 : i32
    %c0_i32_0 = arith.constant 0 : i32
    return %arg0, %c0_i32 : i32, i32
  }
  func.func @transform_1(%arg0: i32) -> (i32, i32) {
    %c0_i32 = arith.constant 0 : i32
    %c0_i32_0 = arith.constant 0 : i32
    return %arg0, %c0_i32 : i32, i32
  }
  func.func @transform_2(%arg0: i32) -> (i32, i32) {
    %c0_i32 = arith.constant 0 : i32
    %c0_i32_0 = arith.constant 0 : i32
    %c0_i32_1 = arith.constant 0 : i32
    return %c0_i32, %c0_i32_0 : i32, i32
  }
  func.func @transform_3(%arg0: i32) -> (i32, i32) {
    %c0_i32 = arith.constant 0 : i32
    %c0_i32_0 = arith.constant 0 : i32
    %c0_i32_1 = arith.constant 0 : i32
    return %c0_i32, %c0_i32_0 : i32, i32
  }
  func.func @transform_4(%arg0: i32) -> (i32, i32) {
    %c0_i32 = arith.constant 0 : i32
    %c0_i32_0 = arith.constant 0 : i32
    %c0_i32_1 = arith.constant 0 : i32
    return %c0_i32, %c0_i32_0 : i32, i32
  }
  func.func @transform_5(%arg0: i32) -> (i32, i32) {
    %c0_i32 = arith.constant 0 : i32
    %c0_i32_0 = arith.constant 0 : i32
    %c0_i32_1 = arith.constant 0 : i32
    return %c0_i32, %c0_i32_0 : i32, i32
  }
  func.func @transform_6(%arg0: i32) -> (i32, i32) {
    %c0_i32 = arith.constant 0 : i32
    %c0_i32_0 = arith.constant 0 : i32
    %c0_i32_1 = arith.constant 0 : i32
    return %c0_i32, %c0_i32_0 : i32, i32
  }
  func.func @transform_7(%arg0: i32) -> (i32, i32) {
    %c0_i32 = arith.constant 0 : i32
    %c0_i32_0 = arith.constant 0 : i32
    %c0_i32_1 = arith.constant 0 : i32
    return %c0_i32, %c0_i32_0 : i32, i32
  }
  func.func @transform_8(%arg0: i32) -> (i32, i32) {
    %c0_i32 = arith.constant 0 : i32
    %c0_i32_0 = arith.constant 0 : i32
    %c0_i32_1 = arith.constant 0 : i32
    return %c0_i32, %c0_i32_0 : i32, i32
  }
  func.func @transform_9(%arg0: i32) -> (i32, i32) {
    %c0_i32 = arith.constant 0 : i32
    %c0_i32_0 = arith.constant 0 : i32
    %c0_i32_1 = arith.constant 0 : i32
    return %c0_i32, %c0_i32_0 : i32, i32
  }
  func.func @transform_10(%arg0: i32) -> (i32, i32) {
    %c0_i32 = arith.constant 0 : i32
    %c0_i32_0 = arith.constant 0 : i32
    %c0_i32_1 = arith.constant 0 : i32
    return %c0_i32, %c0_i32_0 : i32, i32
  }
  func.func @transform_11(%arg0: i32) -> (i32, i32) {
    %c0_i32 = arith.constant 0 : i32
    %c0_i32_0 = arith.constant 0 : i32
    return %arg0, %c0_i32 : i32, i32
  }
}

</mosaic_0001>

<sc_bundles>
// kernel: kernel.6.cloned.1.call-start
scs
__scs_entry_jumppad:
0x0: {  	(pc) =	sbr.rel $0x88, $3  }
0x1: {  	(tag) =	ssettag $0x0;
	lr =	simm.s32 $0x1  }
0x2: {  	[smem:$0x3F95] =	sst lr;
	_ =	strace $0xD0000000  }
0x3: {  	_ = 	snop  }
0x4: {  	_ = 	snop  }
0x5: {  	_ = 	snop  }
0x6: {  	_ = 	snop  }
0x7: {  	_ = 	snop  }
__scs_overlays_trampoline_lowered:
0x8: {  	[smem:$0x3FA4] =	sst s0  }
0x9: {  	[smem:$0x3FA5] =	sst s1  }
0xa: {  	[smem:$0x3FA6] =	sst s2  }
0xb: {  	[smem:$0x3FA7] =	sst s3  }
0xc: {  	[smem:$0x3FA8] =	sst s4  }
0xd: {  	[smem:$0x3FA9] =	sst s5  }
0xe: {  	[smem:$0x3FAA] =	sst s6  }
0xf: {  	[smem:$0x3FAB] =	sst s7  }
0x10: {  	[smem:$0x3FAC] =	sst s8  }
0x11: {  	[smem:$0x3FAD] =	sst s9;
	s0 =	simm.s32 @!p0 $0x0  }
0x12: {  	s1 =	sld [smem:$0x3F93];
	s0 =	simm.s32 @p0 $0x1  }
0x13: {  	[smem:$0x3FAE] =	sst s0;
	s0 =	simm.s32 @!p1 $0x0  }
0x14: {  	s2 =	sld [smem:$0x3F92];
	s0 =	simm.s32 @p1 $0x1  }
0x15: {  	[smem:$0x3FAF] =	sst s0;
	s0 =	simm.s32 @!p2 $0x0  }
0x16: {  	s3 =	sld [smem:$0x3FDB];
	s0 =	simm.s32 @p2 $0x1  }
0x17: {  	s4 =	simm.s32 $0x1BF5;
	[smem:$0x3FB1] =	sst s0  }
0x18: {  	s0 =	sld [smem:$0x3F94];
	_ =	swait.ge [sflag:s4], $0x0  }
0x19: {  	s7 =	sld [smem:$0x3F95]  }
0x1a: {  	s8 =	sadd.s32 $0xFFFFE003, lr  }
0x1b: {  	s9 =	sadd.s32 $0xFFFFFEF7, lr;
	s5 =	simm.s32 $0xFFFFFFFF;
	p2 =	slt.u32 s8, $0xFFFFF086  }
0x1c: {  	p1 =	slt.u32 s9, $0xF7A;
	s5 =	simm.s32 @!p2 $0x0  }
0x1d: {  	s5 =	simm.s32 @p1 $0x1;
	p0 =	seq.s32 s7, s2  }
0x1e: {  	s7 =	smul.u32 @!p0 $0xF7A, s2;
	p2 =	seq.s32 @!p0 s5, $0x0  }
0x1f: {  	s9 =	smul.u32 $0xF7A, s1;
	s8 =	simm.s32 @!p0 $0x1BF5;
	p2 =	por !p2, p0  }
0x20: {  	[sflag:s8] =	ssyncset.s32 @!p0 $0xFFFFF086;
	s6 =	sadd.s32 @!p0 s3, s7;
	s7 =	simm.s32 @!p0 $0x108  }
0x21: {  	s3 =	sadd.s32 s3, s9;
	s6 =	sadd.s32 @!p0 $0x88, s6;
	s7 =	simm.s32 @p2 $0x1082  }
0x22: {  	[simem:s7], [sflag:s8] =	dma.local @!p0 [hbm:s6], $0xF7A  }
0x23: {  	s9 =	sor.u32 $0xD0000000, s2;
	s6 =	simm.s32 $0x108;
	_ =	swait.ge @!p0 [sflag:s8], $0x0  }
0x24: {  	s3 =	sadd.s32 $0x88, s3;
	s6 =	simm.s32 @!p1 $0x1082;
	[sflag:s4] =	ssyncset.s32 $0xFFFFF086  }
0x25: {  	[simem:s6], [sflag:s4] =	dma.local [hbm:s3], $0xF7A  }
0x26: {  	[smem:$0x3F95] =	sst s1;
	(tag) =	ssettag s2;
	_ =	strace s9  }
0x27: {  	s1 =	sld [smem:$0x3FA5]  }
0x28: {  	s2 =	sld [smem:$0x3FA6]  }
0x29: {  	s4 =	sld [smem:$0x3FA8]  }
0x2a: {  	p0 =	seq.s32 s5, $0x0;
	s5 =	sld [smem:$0x3FA9]  }
0x2b: {  	s6 =	sld [smem:$0x3FAA]  }
0x2c: {  	s7 =	sld [smem:$0x3FAB]  }
0x2d: {  	s3 =	simm.s32 $0x108;
	s8 =	sld [smem:$0x3FAC]  }
0x2e: {  	s3 =	simm.s32 @!p0 $0x1082;
	s9 =	sld [smem:$0x3FAD]  }
0x2f: {  	lr =	sadd.s32 s0, s3;
	s0 =	sld [smem:$0x3FA4]  }
0x30: {  	s3 =	sld [smem:$0x3FA7]  }
0x31: {  	[smem:$0x3FB0] =	sst s10  }
0x32: {  	s10 =	sld [smem:$0x3FAE];
	_ =	sdelay $0x3  }
0x33: {  	p0 =	seq.s32 s10, $0x1;
	s10 =	sld [smem:$0x3FB0];
	_ =	sdelay $0x3  }
0x34: {  	[smem:$0x3FB0] =	sst s10  }
0x35: {  	s10 =	sld [smem:$0x3FAF];
	_ =	sdelay $0x3  }
0x36: {  	p1 =	seq.s32 s10, $0x1;
	s10 =	sld [smem:$0x3FB0];
	_ =	sdelay $0x3  }
0x37: {  	[smem:$0x3FB0] =	sst s10  }
0x38: {  	s10 =	sld [smem:$0x3FB1]  }
0x39: {  	_ = 	snop;
	(pc) =	sbr.ind lr, $3  }
0x3a: {  	_ = 	snop  }
0x3b: {  	_ = 	snop  }
0x3c: {  	p2 =	seq.s32 s10, $0x1;
	s10 =	sld [smem:$0x3FB0]  }
0x3d: {  	_ =	shalt  }
0x3e: {  	_ =	shalt  }
0x3f: {  	_ =	shalt  }
0x40: {  	_ =	shalt  }
0x41: {  	_ =	shalt  }
0x42: {  	_ =	shalt  }
0x43: {  	_ =	shalt  }
0x44: {  	_ =	shalt  }
0x45: {  	_ =	shalt  }
0x46: {  	_ =	shalt  }
0x47: {  	_ =	shalt  }
0x48: {  	_ =	shalt  }
0x49: {  	_ =	shalt  }
0x4a: {  	_ =	shalt  }
0x4b: {  	_ =	shalt  }
0x4c: {  	_ =	shalt  }
0x4d: {  	_ =	shalt  }
0x4e: {  	_ =	shalt  }
0x4f: {  	_ =	shalt  }
0x50: {  	_ =	shalt  }
0x51: {  	_ =	shalt  }
0x52: {  	_ =	shalt  }
0x53: {  	_ =	shalt  }
0x54: {  	_ =	shalt  }
0x55: {  	_ =	shalt  }
0x56: {  	_ =	shalt  }
0x57: {  	_ =	shalt  }
0x58: {  	_ =	shalt  }
0x59: {  	_ =	shalt  }
0x5a: {  	_ =	shalt  }
0x5b: {  	_ =	shalt  }
0x5c: {  	_ =	shalt  }
0x5d: {  	_ =	shalt  }
0x5e: {  	_ =	shalt  }
0x5f: {  	_ =	shalt  }
0x60: {  	_ =	shalt  }
0x61: {  	_ =	shalt  }
0x62: {  	_ =	shalt  }
0x63: {  	_ =	shalt  }
0x64: {  	_ =	shalt  }
0x65: {  	_ =	shalt  }
0x66: {  	_ =	shalt  }
0x67: {  	_ =	shalt  }
0x68: {  	_ =	shalt  }
0x69: {  	_ =	shalt  }
0x6a: {  	_ =	shalt  }
0x6b: {  	_ =	shalt  }
0x6c: {  	_ =	shalt  }
0x6d: {  	_ =	shalt  }
0x6e: {  	_ =	shalt  }
0x6f: {  	_ =	shalt  }
0x70: {  	_ =	shalt  }
0x71: {  	_ =	shalt  }
0x72: {  	_ =	shalt  }
0x73: {  	_ =	shalt  }
0x74: {  	_ =	shalt  }
0x75: {  	_ =	shalt  }
0x76: {  	_ =	shalt  }
0x77: {  	_ =	shalt  }
0x78: {  	_ =	shalt  }
0x79: {  	_ =	shalt  }
0x7a: {  	_ =	shalt  }
0x7b: {  	_ =	shalt  }
0x7c: {  	_ =	shalt  }
0x7d: {  	_ =	shalt  }
0x7e: {  	_ =	shalt  }
0x7f: {  	_ =	shalt  }
0x80: {  	_ =	shalt  }
0x81: {  	_ =	shalt  }
0x82: {  	_ =	shalt  }
0x83: {  	_ =	shalt  }
0x84: {  	_ =	shalt  }
0x85: {  	_ =	shalt  }
0x86: {  	_ =	shalt  }
0x87: {  	_ =	shalt  }
.Lfunc_end0:
.L_simem_size_0:
called_computation_lowered:
.L_overlay_start_0:
0x88: {  	s2 =	sld [smem:$0x3FD9]  }
0x89: {  	s3 =	sld [smem:$0x3FFE];
	_ =	sdelay $0x1  }
0x8a: {  	s1 =	srdreg.scid  }
0x8b: {  	s0 =	sand.u32 $0x1, s1  }
0x8c: {  	s17 =	sshll.u32 s0, $0xA;
	s2 =	sadd.s32 s3, s2  }
0x8d: {  	s2 =	sadd.s32 s2, s17  }
0x8e: {  	[smem:$0x3FBC] =	sst s2  }
0x8f: {  	_ = 	snop  }
0x90: {  	s2 =	sld [smem:$0x3FC9]  }
0x91: {  	s18 =	sld [smem:$0x3FC8];
	(tm) =	ssettm $0x1  }
0x92: {  	s4 =	sld [smem:$0x3FFB];
	_ =	sdelay $0x3  }
0x93: {  	_ =	strace s4  }
0x94: {  	s4 =	sld [smem:$0x3FFC];
	_ =	sdelay $0x3  }
0x95: {  	_ =	strace s4  }
0x96: {  	s4 =	sld [smem:$0x3FFD];
	_ =	sdelay $0x3  }
0x97: {  	_ =	strace s4  }
0x98: {  	_ =	strace $0x8FFFFFFF  }
0x99: {  	s19 =	sld [smem:$0x3FDB];
	_ =	sdelay $0x1  }
0x9a: {  	s5 =	simm.s32 $_scs_section_size  }
0x9b: {  	s6 =	simm.s32 $_size__tile_overlayer_lowered;
	s7 =	simm.s32 $_tile_overlayer_lowered  }
0x9c: {  	s22 =	simm.s32 $0x1BFF;
	s21 =	sshll.u32 s7, $0x1;
	s4 =	sadd.s32 s5, s19  }
0x9d: {  	s8 =	simm.s32 $0x0;
	s20 =	sshll.u32 s6, $0x1;
	s6 =	sadd.s32 s21, s4  }
0x9e: {  	[timem:s8], [sflag:s22] =	dma.local [hbm:s6], s20  }
0x9f: {  	_ =	swait.ge [sflag:s22], s20  }
0xa0: {  	s5 =	ssub.s32 $0x0, s20;
	[sflag:s22] =	ssyncset.done $0x0  }
0xa1: {  	[sflag:s22] =	ssyncadd.s32 s5;
	_ =	sdelay $0x1  }
0xa2: {  	s23 =	simm.s32 $0x1B8B  }
0xa3: {  	_ =	swait.ge [sflag:s23], $0x1  }
0xa4: {  	[sflag:s23] =	ssyncset.done $0x0  }
0xa5: {  	s25 =	simm.s32 $0x1B8E;
	s24 =	sld [smem:$0x3FFE];
	[sflag:s23] =	ssyncadd.s32 $0xFFFFFFFF  }
0xa6: {  	s26 =	simm.s32 $execute0_lowered;
	[smem:$0x3FD2] =	sst s25  }
0xa7: {  	s6 =	sshll.u32 s26, $0x1;
	_ =	strace $0x80000046;
	[dreg:$0x1] =	wrdreg $0xFFFFFFFF  }
0xa8: {  	s28 =	simm.s32 $_size_execute0_lowered;
	s4 =	sadd.s32 s4, s6;
	[dreg:$0x0] =	wrdreg $0x0  }
0xa9: {  	s6 =	sshll.u32 s28, $0x1;
	[dreg:$0x2] =	wrdreg s4  }
0xaa: {  	[dreg:$0x3] =	wrdreg s6  }
0xab: {  	[dreg:$0x4] =	wrdreg $0xC0  }
0xac: {  	_ =	task [dreg:s8], $0x5FFFF  }
0xad: {  	[dreg:$0x1] =	wrdreg $0xFFFFFFFF  }
0xae: {  	[dreg:$0x0] =	wrdreg $0x60  }
0xaf: {  	[dreg:$0x2] =	wrdreg s2  }
0xb0: {  	[dreg:$0x3] =	wrdreg s18  }
0xb1: {  	[dreg:$0x4] =	wrdreg s24  }
0xb2: {  	[dreg:$0x5] =	wrdreg $0x9  }
0xb3: {  	_ =	task.clear_ibuf [dreg:s8], $0x6FFFF;
	_ =	strace $0x90000046  }
0xb4: {  	s29 =	simm.s32 $0x9;
	_ =	strace $0x80000048  }
0xb5: {  	_ =	swait.ge [sflag:s29], $0x1  }
0xb6: {  	[sflag:s29] =	ssyncadd.s32 $0xFFFFFFFF  }
0xb7: {  	_ =	strace $0x90000048  }
0xb8: {  	_ =	sfence  }
0xb9: {  	s30 =	sld [smem:$0x0];
	_ =	sdelay $0x2  }
0xba: {  	s31 =	sshll.u32 s1, $0xD;
	s1 =	sshrl.u32 s1, $0x2  }
0xbb: {  	s3 =	sand.u32 $0x4000, s31;
	s1 =	sadd.s32 s1, s30  }
0xbc: {  	s0 =	sor.u32 s3, s0;
	s1 =	sshll.u32 s1, $0x11  }
0xbd: {  	s0 =	sor.u32 s1, s0  }
0xbe: {  	s0 =	sadd.s32 $0x8F2B, s0  }
0xbf: {  	[sflag:s0] =	ssyncadd.remote.s32 $0x1  }
0xc0: {  	_ =	sfence.sel $0xFFFF  }
0xc1: {  	[dreg:$0x0] =	wrdreg $0xFFFFFFFF;
	(pc) =	sbr.abs _section_cstart, $3  }
0xc2: {  	[dreg:$0x1] =	wrdreg $0xFFFFFFFF  }
0xc3: {  	_ =	task.clear_ibuf [dreg:s8], $0x2FFFF;
	_ =	strace $0x9FFFFFFF  }
0xc4: {  	(tm) =	ssettm $0x7FFFFFFF  }
0xc5: {  	_ =	shalt  }
tec
execute0_lowered:
.L_overlay_start_1:
0x0: {  	(tag) =	ssettag $0x1  }
0x1: {  	s0 =	rddreg [dreg:$0x0]  }
0x2: {  	s5 =	rddreg [dreg:$0x1]  }
0x3: {  	s6 =	rddreg [dreg:$0x2]  }
0x4: {  	s2 =	simm.s32 $0x0;
	s3 =	srdreg.scid;
	s1 =	stileid.u32  }
0x5: {  	s15 =	simm.s32 $0x200;
	s16 =	simm.s32 $0x80;
	s17 =	simm.s32 $0x400  }
0x6: {  	s18 =	simm.s32 $0x1400;
	s19 =	simm.s32 $0x100;
	s20 =	simm.s32 $0x2400  }
0x7: {  	s21 =	simm.s32 $0x180;
	s22 =	simm.s32 $0x3400;
	s28 =	simm.s32 $0x6400  }
0x8: {  	s29 =	simm.s32 $0x380;
	s30 =	simm.s32 $0x7400;
	s31 =	simm.s32 $0x1  }
0x9: {  	[smem:$0x7FF] =	sst s2;
	s7 =	sand.u32 $0x1, s3;
	s3 =	sadd.s32 $0x401600, s6  }
0xa: {  	s4 =	sshll.u32 s1, $0x1;
	s9 =	sadd.s32 $0x811600, s6;
	s12 =	sadd.s32 $0x801600, s6  }
0xb: {  	_ =	strace $0x80000047;
	s8 =	sor.u32 s7, s4;
	s23 =	ssub.s32 $0x2, s7  }
0xc: {  	s4 =	sadd.s32 $0x1600, s6;
	s10 =	sshll.u32 s8, $0x6;
	s7 =	sshrl.u32 s23, $0x1  }
0xd: {  	s25 =	sshll.u32 s8, $0xB;
	s0 =	sadd.s32 s0, s10;
	s24 =	sadd.s32 s5, s10  }
0xe: {  	s13 =	ssub.s32 s23, s7;
	s5 =	sadd.s32 s9, s25;
	s26 =	sor.u32 $0x200, s25  }
0xf: {  	s11 =	sor.u32 $0x400, s25;
	s14 =	sor.u32 $0x600, s25;
	[dreg:$0x4] =	wrdreg s0  }
0x10: {  	s23 =	simm.s32 $0x4400;
	[dreg:$0x5] =	wrdreg s24;
	s6 =	sadd.s32 s9, s26  }
0x11: {  	s7 =	sadd.s32 s9, s11;
	s8 =	sadd.s32 s9, s14;
	s9 =	sadd.s32 s12, s25  }
0x12: {  	s10 =	sadd.s32 s12, s26;
	s11 =	sadd.s32 s12, s11;
	s12 =	sadd.s32 s12, s14  }
0x13: {  	s13 =	smax.u32 s13, $0x1;
	s14 =	simm.s32 $0x3;
	s24 =	simm.s32 $0x280  }
0x14: {  	s25 =	simm.s32 $0x5400;
	s26 =	simm.s32 $0x300;
	s0 =	simm.s32 $0x2  }
.LBB2_1:
0x15: {  	s1 =	rddreg [dreg:$0x4]  }
0x16: {  	[tilespmem:s2], [sflag:$0x3] =	stream.linear.gather [hbm4b:s1+s2], $0x200, $0x38;
	[tilespmem:$0x8400] =	vst v63  }
0x17: {  	_ =	swait.ge [sflag:s14], $0x200  }
0x18: {  	[sflag:s14] =	ssyncset.done $0x0  }
0x19: {  	s1 =	rddreg [dreg:$0x5];
	[sflag:s14] =	ssyncadd.s32 $0xFFFFFE00  }
0x1a: {  	[tilespmem:s15], [sflag:$0x3] =	stream.linear.gather [hbm4b:s1+s2], $0x200, $0x38;
	[tilespmem:$0x8400] =	vst v63  }
0x1b: {  	_ =	swait.ge [sflag:s14], $0x200  }
0x1c: {  	[sflag:s14] =	ssyncset.done $0x0  }
0x1d: {  	[sflag:s14] =	ssyncadd.s32 $0xFFFFFE00  }
0x1e: {  	v0 =	vld [tilespmem:$0x0]  }
0x1f: {  	v1 =	vld [tilespmem:$0x200]  }
0x20: {  	v2 =	vld [tilespmem:$0x10]  }
0x21: {  	v3 =	vld [tilespmem:$0x210]  }
0x22: {  	v4 =	vld [tilespmem:$0x20]  }
0x23: {  	v7 =	vld [tilespmem:$0x220]  }
0x24: {  	v50 =	vld [tilespmem:$0x30]  }
0x25: {  	v9 =	vld [tilespmem:$0x230]  }
0x26: {  	v11 =	vld [tilespmem:$0x40]  }
0x27: {  	v12 =	vld [tilespmem:$0x240]  }
0x28: {  	v54 =	vld [tilespmem:$0x50]  }
0x29: {  	v13 =	vld [tilespmem:$0x250]  }
0x2a: {  	v59 =	vld [tilespmem:$0x60]  }
0x2b: {  	v15 =	vld [tilespmem:$0x260]  }
0x2c: {  	v17 =	vld [tilespmem:$0x70];
	v5 =	vshrl.u32 v0, $0x12;
	v0 =	vshll.u32 v0, $0x2;
	v6 =	vshll.u32 v1, $0x2  }
0x2d: {  	v18 =	vld [tilespmem:$0x270];
	v1 =	vshrl.u32 v1, $0x12;
	v49 =	vshll.u32 v2, $0x2;
	v2 =	vshrl.u32 v2, $0x12  }
0x2e: {  	v24 =	vld [tilespmem:$0x80];
	v8 =	vshll.u32 v3, $0x2;
	v3 =	vshrl.u32 v3, $0x12;
	v52 =	vshrl.u32 v4, $0x12  }
0x2f: {  	v19 =	vld [tilespmem:$0x280];
	v4 =	vshll.u32 v4, $0x2;
	v10 =	vshll.u32 v7, $0x2;
	v7 =	vshrl.u32 v7, $0x12  }
0x30: {  	v28 =	vld [tilespmem:$0x90];
	v55 =	vshrl.u32 v50, $0x12;
	v56 =	vshll.u32 v9, $0x2;
	v9 =	vshrl.u32 v9, $0x12  }
0x31: {  	v21 =	vld [tilespmem:$0x290];
	v58 =	vshll.u32 v11, $0x2;
	v11 =	vshrl.u32 v11, $0x12;
	v14 =	vshll.u32 v12, $0x2  }
0x32: {  	v23 =	vld [tilespmem:$0xA0];
	v60 =	vshrl.u32 v12, $0x12;
	v62 =	vshrl.u32 v54, $0x12;
	v16 =	vshll.u32 v13, $0x2  }
0x33: {  	v33 =	vld [tilespmem:$0xB0];
	v13 =	vshrl.u32 v13, $0x12;
	v25 =	vshrl.u32 v59, $0x12;
	v26 =	vshll.u32 v15, $0x2  }
0x34: {  	v36 =	vld [tilespmem:$0x2B0];
	v15 =	vshrl.u32 v15, $0x12;
	v27 =	vshll.u32 v17, $0x2;
	v17 =	vshrl.u32 v17, $0x12  }
0x35: {  	v20 =	vshll.u32 v18, $0x2;
	v29 =	vshrl.u32 v18, $0x12;
	v31 =	vshrl.u32 v24, $0x12  }
0x36: {  	v22 =	vshll.u32 v19, $0x2;
	v19 =	vshrl.u32 v19, $0x12;
	v34 =	vshrl.u32 v28, $0x12  }
0x37: {  	v35 =	vshll.u32 v21, $0x2;
	v38 =	vshrl.u32 v21, $0x12;
	v39 =	vshll.u32 v23, $0x2  }
0x38: {  	v41 =	vshrl.u32 v23, $0x12;
	v46 =	vshrl.u32 v33, $0x12;
	v18 =	vshll.u32 v33, $0x2  }
0x39: {  	v47 =	vshll.u32 v36, $0x2;
	v0 =	vand.u32 $0xFFFFC, v0;
	v6 =	vand.u32 $0xFFFFC, v6  }
0x3a: {  	v51 =	vand.u32 $0xFFFFC, v8;
	v4 =	vand.u32 $0xFFFFC, v4;
	v10 =	vand.u32 $0xFFFFC, v10  }
0x3b: {  	v61 =	vand.u32 $0xFFFFC, v14;
	v16 =	vand.u32 $0xFFFFC, v16;
	v30 =	vand.u32 $0xFFFFC, v20  }
0x3c: {  	v40 =	vld [tilespmem:$0xC0];
	v22 =	vand.u32 $0xFFFFC, v22;
	v0 =	vadd.s32 v5, v0;
	v1 =	vadd.s32 v1, v6  }
0x3d: {  	v5 =	vand.u32 $0xFFFFC, v49;
	v3 =	vadd.s32 v3, v51;
	v4 =	vadd.s32 v52, v4  }
0x3e: {  	v53 =	vadd.s32 v7, v10;
	v6 =	vshll.u32 v50, $0x2;
	v10 =	vand.u32 $0xFFFFC, v56  }
0x3f: {  	v7 =	vshll.u32 v54, $0x2;
	v63 =	vadd.s32 v13, v16;
	v16 =	vand.u32 $0xFFFFC, v26  }
0x40: {  	v13 =	vshll.u32 v24, $0x2;
	v32 =	vadd.s32 v29, v30;
	v49 =	vand.u32 $0xFFFFC, v18  }
0x41: {  	v50 =	vshrl.u32 v36, $0x12;
	v56 =	vshll.u32 v40, $0x2;
	v2 =	vadd.s32 v2, v5  }
0x42: {  	v6 =	vand.u32 $0xFFFFC, v6;
	v57 =	vadd.s32 v9, v10;
	v9 =	vand.u32 $0xFFFFC, v58  }
0x43: {  	v7 =	vand.u32 $0xFFFFC, v7;
	v10 =	vshll.u32 v59, $0x2;
	v14 =	vadd.s32 v15, v16;
	[tilespmem:$0x0] =	vst v0  }
0x44: {  	v43 =	vld [tilespmem:$0x2C0];
	v15 =	vand.u32 $0xFFFFC, v27;
	v13 =	vand.u32 $0xFFFFC, v13;
	[tilespmem:$0x200] =	vst v1;
	v16 =	vshll.u32 v28, $0x2  }
0x45: {  	v48 =	vld [tilespmem:$0xD0];
	[tilespmem:$0x210] =	vst v3;
	v3 =	vand.u32 $0xFFFFC, v39;
	v52 =	vadd.s32 v46, v49;
	v59 =	vand.u32 $0xFFFFC, v56  }
0x46: {  	[tilespmem:$0x20] =	vst v4;
	v6 =	vadd.s32 v55, v6;
	v9 =	vadd.s32 v11, v9;
	v11 =	vadd.s32 v60, v61  }
0x47: {  	[tilespmem:$0x220] =	vst v53;
	v7 =	vadd.s32 v62, v7;
	v10 =	vand.u32 $0xFFFFC, v10;
	v15 =	vadd.s32 v17, v15  }
0x48: {  	v33 =	vld [tilespmem:$0x110];
	[tilespmem:$0x250] =	vst v63;
	v13 =	vadd.s32 v31, v13;
	v17 =	vadd.s32 v19, v22;
	v37 =	vand.u32 $0xFFFFC, v16  }
0x49: {  	v24 =	vld [tilespmem:$0x2A0];
	[tilespmem:$0x270] =	vst v32;
	v19 =	vand.u32 $0xFFFFC, v35;
	v3 =	vadd.s32 v41, v3;
	v55 =	vshrl.u32 v40, $0x12  }
0x4a: {  	v51 =	vld [tilespmem:$0x2D0];
	[tilespmem:$0x230] =	vst v57;
	v57 =	vshll.u32 v43, $0x2;
	v60 =	vshrl.u32 v43, $0x12;
	v62 =	vshll.u32 v48, $0x2  }
0x4b: {  	v54 =	vld [tilespmem:$0xE0];
	[tilespmem:$0x10] =	vst v2;
	v22 =	vshrl.u32 v48, $0x12;
	v10 =	vadd.s32 v25, v10;
	v1 =	vadd.s32 v34, v37  }
0x4c: {  	v29 =	vld [tilespmem:$0x100];
	v2 =	vadd.s32 v38, v19;
	v19 =	vand.u32 $0xFFFFC, v47;
	[tilespmem:$0x240] =	vst v11;
	v16 =	vand.u32 $0xFFFFC, v57  }
0x4d: {  	v36 =	vld [tilespmem:$0x310];
	[tilespmem:$0x50] =	vst v7;
	v7 =	vadd.s32 v55, v59;
	v11 =	vand.u32 $0xFFFFC, v62;
	v47 =	vshrl.u32 v33, $0x12  }
0x4e: {  	v58 =	vld [tilespmem:$0x2E0];
	[tilespmem:$0x80] =	vst v13;
	v13 =	vshll.u32 v33, $0x2;
	v53 =	vadd.s32 v50, v19;
	v61 =	vadd.s32 v60, v16  }
0x4f: {  	v63 =	vld [tilespmem:$0xF0];
	[tilespmem:$0x60] =	vst v10;
	v10 =	vadd.s32 v22, v11;
	v50 =	vand.u32 $0xFFFFC, v13;
	v42 =	vshll.u32 v24, $0x2  }
0x50: {  	v32 =	vld [tilespmem:$0x300];
	[tilespmem:$0x260] =	vst v14;
	v44 =	vshrl.u32 v24, $0x12;
	v23 =	vshll.u32 v51, $0x2;
	v25 =	vshrl.u32 v51, $0x12  }
0x51: {  	v49 =	vld [tilespmem:$0x130];
	[tilespmem:$0xB0] =	vst v52;
	v27 =	vshrl.u32 v54, $0x12;
	v8 =	vshll.u32 v54, $0x2;
	v40 =	vshll.u32 v29, $0x2  }
0x52: {  	[tilespmem:$0x30] =	vst v6;
	v48 =	vshll.u32 v36, $0x2;
	v51 =	vshrl.u32 v36, $0x12;
	v5 =	vadd.s32 v47, v50  }
0x53: {  	[tilespmem:$0x40] =	vst v9;
	v45 =	vand.u32 $0xFFFFC, v42;
	v26 =	vand.u32 $0xFFFFC, v23;
	v28 =	vshll.u32 v58, $0x2  }
0x54: {  	v41 =	vld [tilespmem:$0x120];
	[tilespmem:$0x70] =	vst v15;
	v30 =	vand.u32 $0xFFFFC, v8;
	v31 =	vshrl.u32 v58, $0x12;
	v34 =	vshrl.u32 v63, $0x12  }
0x55: {  	v52 =	vld [tilespmem:$0x330];
	[tilespmem:$0x280] =	vst v17;
	v12 =	vshll.u32 v63, $0x2;
	v42 =	vshrl.u32 v29, $0x12;
	v43 =	vshll.u32 v32, $0x2  }
0x56: {  	[tilespmem:$0xA0] =	vst v3;
	v62 =	vshll.u32 v49, $0x2;
	v19 =	vshrl.u32 v49, $0x12;
	v4 =	vadd.s32 v44, v45  }
0x57: {  	v21 =	vld [tilespmem:$0x350];
	[tilespmem:$0x90] =	vst v1;
	v16 =	vand.u32 $0xFFFFC, v28;
	v11 =	vadd.s32 v25, v26;
	v0 =	vadd.s32 v27, v30  }
0x58: {  	[tilespmem:$0x290] =	vst v2;
	v24 =	vld [tilespmem:$0x2F0];
	v37 =	vand.u32 $0xFFFFC, v12;
	v12 =	vand.u32 $0xFFFFC, v40;
	v45 =	vshrl.u32 v32, $0x12  }
0x59: {  	[tilespmem:$0xC0] =	vst v7;
	v54 =	vld [tilespmem:$0x140];
	v46 =	vand.u32 $0xFFFFC, v43;
	v55 =	vshrl.u32 v41, $0x12;
	v56 =	vshll.u32 v41, $0x2  }
0x5a: {  	[tilespmem:$0x2B0] =	vst v53;
	v58 =	vld [tilespmem:$0x340];
	v20 =	vshll.u32 v52, $0x2;
	v22 =	vshrl.u32 v52, $0x12;
	v8 =	vadd.s32 v31, v16  }
0x5b: {  	v63 =	vld [tilespmem:$0x150];
	v1 =	vadd.s32 v34, v37;
	[tilespmem:$0x2A0] =	vst v4;
	v3 =	vadd.s32 v42, v12;
	v4 =	vadd.s32 v45, v46  }
0x5c: {  	v29 =	vld [tilespmem:$0x360];
	v59 =	vand.u32 $0xFFFFC, v56;
	[tilespmem:$0x2D0] =	vst v11;
	v11 =	vand.u32 $0xFFFFC, v62;
	v23 =	vand.u32 $0xFFFFC, v20  }
0x5d: {  	v49 =	vld [tilespmem:$0x190];
	[tilespmem:$0xE0] =	vst v0;
	v9 =	vadd.s32 v55, v59;
	v0 =	vadd.s32 v19, v11;
	v30 =	vadd.s32 v22, v23  }
0x5e: {  	[tilespmem:$0x2C0] =	vst v61;
	v44 =	vld [tilespmem:$0x320];
	v35 =	vshll.u32 v24, $0x2;
	v38 =	vshrl.u32 v24, $0x12;
	v24 =	vshrl.u32 v54, $0x12  }
0x5f: {  	[tilespmem:$0xD0] =	vst v10;
	v36 =	vld [tilespmem:$0x370];
	v7 =	vshll.u32 v54, $0x2;
	v15 =	vand.u32 $0xFFFFC, v35;
	v25 =	vshll.u32 v58, $0x2  }
0x60: {  	[tilespmem:$0x110] =	vst v5;
	v26 =	vld [tilespmem:$0x160];
	v27 =	vand.u32 $0xFFFFC, v7;
	v28 =	vshrl.u32 v58, $0x12;
	v33 =	vshrl.u32 v63, $0x12  }
0x61: {  	v32 =	vld [tilespmem:$0x170];
	[tilespmem:$0x2E0] =	vst v8;
	v34 =	vshll.u32 v63, $0x2;
	v35 =	vshll.u32 v21, $0x2;
	v43 =	vshll.u32 v29, $0x2  }
0x62: {  	v41 =	vld [tilespmem:$0x180];
	[tilespmem:$0xF0] =	vst v1;
	v45 =	vshrl.u32 v29, $0x12;
	v62 =	vshll.u32 v49, $0x2;
	v39 =	vadd.s32 v38, v15  }
0x63: {  	v52 =	vld [tilespmem:$0x390];
	[tilespmem:$0x100] =	vst v3;
	v15 =	vand.u32 $0xFFFFC, v48;
	v57 =	vshll.u32 v44, $0x2;
	v60 =	vshrl.u32 v44, $0x12  }
0x64: {  	v17 =	vld [tilespmem:$0x3B0];
	[tilespmem:$0x300] =	vst v4;
	v1 =	vadd.s32 v24, v27;
	v37 =	vand.u32 $0xFFFFC, v34;
	v38 =	vshrl.u32 v21, $0x12  }
0x65: {  	[tilespmem:$0x120] =	vst v9;
	v11 =	vand.u32 $0xFFFFC, v35;
	v40 =	vshll.u32 v26, $0x2;
	v42 =	vshrl.u32 v26, $0x12  }
0x66: {  	[tilespmem:$0x130] =	vst v0;
	v46 =	vand.u32 $0xFFFFC, v43;
	v47 =	vshrl.u32 v32, $0x12;
	v7 =	vshll.u32 v32, $0x2  }
0x67: {  	[tilespmem:$0x330] =	vst v30;
	v48 =	vshll.u32 v36, $0x2;
	v56 =	vshrl.u32 v41, $0x12;
	v8 =	vshll.u32 v41, $0x2  }
0x68: {  	v5 =	vand.u32 $0xFFFFC, v62;
	v16 =	vshll.u32 v52, $0x2;
	v19 =	vshrl.u32 v52, $0x12;
	[tilespmem:$0x2F0] =	vst v39  }
0x69: {  	v32 =	vshll.u32 v17, $0x2;
	v35 =	vshrl.u32 v17, $0x12;
	v53 =	vadd.s32 v51, v15;
	[tilespmem:$0x140] =	vst v1  }
0x6a: {  	v13 =	vand.u32 $0xFFFFC, v57;
	v4 =	vadd.s32 v33, v37;
	v39 =	vadd.s32 v38, v11;
	[tilespmem:$0x310] =	vst v53  }
0x6b: {  	v55 =	vld [tilespmem:$0x1A0];
	v6 =	vand.u32 $0xFFFFC, v40;
	v50 =	vand.u32 $0xFFFFC, v7;
	v51 =	vshrl.u32 v36, $0x12;
	[tilespmem:$0x150] =	vst v4  }
0x6c: {  	v23 =	vld [tilespmem:$0x1C0];
	v11 =	vand.u32 $0xFFFFC, v48;
	v59 =	vand.u32 $0xFFFFC, v8;
	v61 =	vadd.s32 v60, v13;
	[tilespmem:$0x350] =	vst v39  }
0x6d: {  	v58 =	vld [tilespmem:$0x3A0];
	v15 =	vshrl.u32 v49, $0x12;
	v20 =	vand.u32 $0xFFFFC, v16;
	v6 =	vadd.s32 v42, v6;
	[tilespmem:$0x320] =	vst v61  }
0x6e: {  	v63 =	vld [tilespmem:$0x1B0];
	v13 =	vand.u32 $0xFFFFC, v25;
	v53 =	vadd.s32 v45, v46;
	v0 =	vadd.s32 v47, v50;
	[tilespmem:$0x160] =	vst v6  }
0x6f: {  	v29 =	vld [tilespmem:$0x1D0];
	v54 =	vadd.s32 v51, v11;
	v2 =	vadd.s32 v56, v59;
	v18 =	vadd.s32 v15, v5;
	[tilespmem:$0x360] =	vst v53  }
0x70: {  	v44 =	vld [tilespmem:$0x380];
	v21 =	vshrl.u32 v55, $0x12;
	v7 =	vshll.u32 v55, $0x2;
	v27 =	vadd.s32 v19, v20;
	[tilespmem:$0x170] =	vst v0  }
0x71: {  	v26 =	vld [tilespmem:$0x3C0];
	v37 =	vshll.u32 v23, $0x2;
	v39 =	vshrl.u32 v23, $0x12;
	v31 =	vadd.s32 v28, v13;
	[tilespmem:$0x370] =	vst v54  }
0x72: {  	v24 =	vand.u32 $0xFFFFC, v7;
	[tilespmem:$0x180] =	vst v2;
	v7 =	vand.u32 $0xFFFFC, v32;
	v4 =	vand.u32 $0xFFFFC, v37  }
0x73: {  	v41 =	vld [tilespmem:$0x3E0];
	[tilespmem:$0x190] =	vst v18;
	v22 =	vshll.u32 v58, $0x2;
	v25 =	vshrl.u32 v58, $0x12;
	v0 =	vadd.s32 v21, v24  }
0x74: {  	[tilespmem:$0x340] =	vst v31;
	v30 =	vshrl.u32 v63, $0x12;
	v31 =	vshll.u32 v63, $0x2;
	v36 =	vadd.s32 v35, v7  }
0x75: {  	v33 =	vld [tilespmem:$0x3D0];
	[tilespmem:$0x390] =	vst v27;
	v5 =	vshll.u32 v29, $0x2;
	v57 =	vshll.u32 v44, $0x2;
	v60 =	vshrl.u32 v44, $0x12  }
0x76: {  	v38 =	vld [tilespmem:$0x1E0];
	v34 =	vand.u32 $0xFFFFC, v31;
	[tilespmem:$0x1A0] =	vst v0;
	v40 =	vshll.u32 v26, $0x2;
	v0 =	vadd.s32 v39, v4  }
0x77: {  	v42 =	vshrl.u32 v26, $0x12;
	v44 =	vshrl.u32 v29, $0x12;
	[tilespmem:$0x3B0] =	vst v36;
	v47 =	vand.u32 $0xFFFFC, v5  }
0x78: {  	v54 =	vshll.u32 v41, $0x2;
	v9 =	vand.u32 $0xFFFFC, v57;
	v1 =	vadd.s32 v30, v34;
	[tilespmem:$0x1C0] =	vst v0  }
0x79: {  	v46 =	vld [tilespmem:$0x1F0];
	v56 =	vshrl.u32 v41, $0x12;
	v43 =	vand.u32 $0xFFFFC, v40;
	v61 =	vadd.s32 v60, v9;
	[tilespmem:$0x1B0] =	vst v1  }
0x7a: {  	v49 =	vld [tilespmem:$0x3F0];
	v45 =	vshll.u32 v33, $0x2;
	v48 =	vshrl.u32 v33, $0x12;
	v50 =	vadd.s32 v42, v43;
	[tilespmem:$0x380] =	vst v61  }
0x7b: {  	v52 =	vshrl.u32 v38, $0x12;
	v4 =	vand.u32 $0xFFFFC, v54;
	v1 =	vadd.s32 v44, v47;
	[tilespmem:$0x3C0] =	vst v50  }
0x7c: {  	v53 =	vshll.u32 v38, $0x2;
	v9 =	vand.u32 $0xFFFFC, v22;
	v57 =	vadd.s32 v56, v4;
	[tilespmem:$0x1D0] =	vst v1  }
0x7d: {  	v7 =	vand.u32 $0xFFFFC, v45;
	v55 =	vand.u32 $0xFFFFC, v53;
	v28 =	vadd.s32 v25, v9;
	[tilespmem:$0x3E0] =	vst v57  }
0x7e: {  	v58 =	vshll.u32 v46, $0x2;
	v59 =	vshrl.u32 v46, $0x12;
	v51 =	vadd.s32 v48, v7;
	[tilespmem:$0x3A0] =	vst v28  }
0x7f: {  	v60 =	vshll.u32 v49, $0x2;
	v0 =	vadd.s32 v52, v55;
	v2 =	vand.u32 $0xFFFFC, v58;
	[tilespmem:$0x3D0] =	vst v51  }
0x80: {  	v61 =	vshrl.u32 v49, $0x12;
	v62 =	vand.u32 $0xFFFFC, v60;
	[tilespmem:$0x1E0] =	vst v0;
	v0 =	vadd.s32 v59, v2  }
0x81: {  	v63 =	vadd.s32 v61, v62;
	[tilespmem:$0x1F0] =	vst v0  }
0x82: {  	[tilespmem:$0x3F0] =	vst v63  }
0x83: {  	[tilespmem:s17], [sflag:$0x1] =	stream.indirect.gather [hbm4b:s3+s16], $0x20, s2, s16, $0xb8;
	[tilespmem:$0x8400] =	vst v63  }
0x84: {  	_ = 	snop  }
0x85: {  	[tilespmem:s18], [sflag:$0x1] =	stream.indirect.gather [hbm4b:s3+s16], $0x20, s16, s16, $0xb8;
	[tilespmem:$0x8400] =	vst v63  }
0x86: {  	_ = 	snop  }
0x87: {  	[tilespmem:s20], [sflag:$0x1] =	stream.indirect.gather [hbm4b:s3+s16], $0x20, s19, s16, $0xb8;
	[tilespmem:$0x8400] =	vst v63  }
0x88: {  	_ = 	snop  }
0x89: {  	[tilespmem:s22], [sflag:$0x1] =	stream.indirect.gather [hbm4b:s3+s16], $0x20, s21, s16, $0xb8;
	[tilespmem:$0x8400] =	vst v63  }
0x8a: {  	_ = 	snop  }
0x8b: {  	[tilespmem:s23], [sflag:$0x2] =	stream.indirect.gather [hbm4b:s4+s16], $0x20, s15, s16, $0xb8;
	[tilespmem:$0x8400] =	vst v63  }
0x8c: {  	_ = 	snop  }
0x8d: {  	[tilespmem:s25], [sflag:$0x2] =	stream.indirect.gather [hbm4b:s4+s16], $0x20, s24, s16, $0xb8;
	[tilespmem:$0x8400] =	vst v63  }
0x8e: {  	_ = 	snop  }
0x8f: {  	[tilespmem:s28], [sflag:$0x2] =	stream.indirect.gather [hbm4b:s4+s16], $0x20, s26, s16, $0xb8;
	[tilespmem:$0x8400] =	vst v63  }
0x90: {  	_ = 	snop  }
0x91: {  	[tilespmem:s30], [sflag:$0x2] =	stream.indirect.gather [hbm4b:s4+s16], $0x20, s29, s16, $0xb8;
	[tilespmem:$0x8400] =	vst v63  }
0x92: {  	_ =	swait.ge [sflag:s31], $0x1000  }
0x93: {  	[sflag:s31] =	ssyncset.done $0x0  }
0x94: {  	[sflag:s31] =	ssyncadd.s32 $0xFFFFF000  }
0x95: {  	[hbm4b:s5+s2] =	stream.linear.scatter [tilespmem:s17], [sflag:$0x3], $0x1000, $0x38;
	[tilespmem:$0x8400] =	vst v63  }
0x96: {  	_ =	swait.ge [sflag:s14], $0x1000  }
0x97: {  	[sflag:s14] =	ssyncset.done $0x0  }
0x98: {  	[sflag:s14] =	ssyncadd.s32 $0xFFFFF000  }
0x99: {  	_ =	swait.ge [sflag:s31], $0x1000  }
0x9a: {  	[sflag:s31] =	ssyncset.done $0x0  }
0x9b: {  	[sflag:s31] =	ssyncadd.s32 $0xFFFFF000  }
0x9c: {  	[hbm4b:s6+s2] =	stream.linear.scatter [tilespmem:s18], [sflag:$0x3], $0x1000, $0x38;
	[tilespmem:$0x8400] =	vst v63  }
0x9d: {  	_ =	swait.ge [sflag:s14], $0x1000  }
0x9e: {  	[sflag:s14] =	ssyncset.done $0x0  }
0x9f: {  	[sflag:s14] =	ssyncadd.s32 $0xFFFFF000  }
0xa0: {  	_ =	swait.ge [sflag:s31], $0x1000  }
0xa1: {  	[sflag:s31] =	ssyncset.done $0x0  }
0xa2: {  	[sflag:s31] =	ssyncadd.s32 $0xFFFFF000  }
0xa3: {  	[hbm4b:s7+s2] =	stream.linear.scatter [tilespmem:s20], [sflag:$0x3], $0x1000, $0x38;
	[tilespmem:$0x8400] =	vst v63  }
0xa4: {  	_ =	swait.ge [sflag:s14], $0x1000  }
0xa5: {  	[sflag:s14] =	ssyncset.done $0x0  }
0xa6: {  	[sflag:s14] =	ssyncadd.s32 $0xFFFFF000  }
0xa7: {  	_ =	swait.ge [sflag:s31], $0x1000  }
0xa8: {  	[sflag:s31] =	ssyncset.done $0x0  }
0xa9: {  	[sflag:s31] =	ssyncadd.s32 $0xFFFFF000  }
0xaa: {  	[hbm4b:s8+s2] =	stream.linear.scatter [tilespmem:s22], [sflag:$0x3], $0x1000, $0x38;
	[tilespmem:$0x8400] =	vst v63  }
0xab: {  	_ =	swait.ge [sflag:s14], $0x1000  }
0xac: {  	[sflag:s14] =	ssyncset.done $0x0  }
0xad: {  	[sflag:s14] =	ssyncadd.s32 $0xFFFFF000  }
0xae: {  	_ =	swait.ge [sflag:s0], $0x1000  }
0xaf: {  	[sflag:s0] =	ssyncset.done $0x0  }
0xb0: {  	[sflag:s0] =	ssyncadd.s32 $0xFFFFF000  }
0xb1: {  	[hbm4b:s9+s2] =	stream.linear.scatter [tilespmem:s23], [sflag:$0x3], $0x1000, $0x38;
	[tilespmem:$0x8400] =	vst v63  }
0xb2: {  	_ =	swait.ge [sflag:s14], $0x1000  }
0xb3: {  	[sflag:s14] =	ssyncset.done $0x0  }
0xb4: {  	[sflag:s14] =	ssyncadd.s32 $0xFFFFF000  }
0xb5: {  	_ =	swait.ge [sflag:s0], $0x1000  }
0xb6: {  	[sflag:s0] =	ssyncset.done $0x0  }
0xb7: {  	[sflag:s0] =	ssyncadd.s32 $0xFFFFF000  }
0xb8: {  	[hbm4b:s10+s2] =	stream.linear.scatter [tilespmem:s25], [sflag:$0x3], $0x1000, $0x38;
	[tilespmem:$0x8400] =	vst v63  }
0xb9: {  	_ =	swait.ge [sflag:s14], $0x1000  }
0xba: {  	[sflag:s14] =	ssyncset.done $0x0  }
0xbb: {  	[sflag:s14] =	ssyncadd.s32 $0xFFFFF000  }
0xbc: {  	_ =	swait.ge [sflag:s0], $0x1000  }
0xbd: {  	[sflag:s0] =	ssyncset.done $0x0  }
0xbe: {  	[sflag:s0] =	ssyncadd.s32 $0xFFFFF000  }
0xbf: {  	[hbm4b:s11+s2] =	stream.linear.scatter [tilespmem:s28], [sflag:$0x3], $0x1000, $0x38;
	[tilespmem:$0x8400] =	vst v63  }
0xc0: {  	_ =	swait.ge [sflag:s14], $0x1000  }
0xc1: {  	[sflag:s14] =	ssyncset.done $0x0  }
0xc2: {  	[sflag:s14] =	ssyncadd.s32 $0xFFFFF000  }
0xc3: {  	_ =	swait.ge [sflag:s0], $0x1000  }
0xc4: {  	p0 =	sne.s32 s13, $0x1;
	[sflag:s0] =	ssyncset.done $0x0  }
.Ltmp0:
0xc5: {  	[sflag:s0] =	ssyncadd.s32 $0xFFFFF000;
	(pc) =	sbr.rel @p0 .LBB2_1-.Ltmp0, $4  }
0xc6: {  	[hbm4b:s12+s2] =	stream.linear.scatter [tilespmem:s30], [sflag:$0x3], $0x1000, $0x38;
	[tilespmem:$0x8400] =	vst v63  }
0xc7: {  	_ =	swait.ge [sflag:s14], $0x1000  }
0xc8: {  	[sflag:s14] =	ssyncset.done $0x0  }
0xc9: {  	s13 =	sadd.s32 $0xFFFFFFFF, s13;
	[sflag:s14] =	ssyncadd.s32 $0xFFFFF000  }
0xca: {  	_ =	sfence.sel $0x180000  }
0xcb: {  	[bflag:$0x0] =	sbarrier.arrive $0xFFFF  }
0xcc: {  	_ =	strace $0x90000047  }
0xcd: {  	s0 =	stileid.u32;
	[bflag:$0x2] =	sbarrier.arrive $0xFFFF  }
0xce: {  	p0 =	sne.s32 s0, $0x0;
	s0 =	rddreg [dreg:$0x3]  }
0xcf: {  	s0 =	sadd.s32 @!p0 $0x100000, s0  }
0xd0: {  	[sflag:s0] =	ssyncadd.tile.s32 @!p0 $0x1;
	_ =	shalt  }
.Lfunc_end2:
_tile_overlayer_lowered:
.L_overlay_start_2:
0xd1: {  	(tag) =	ssettag $0x2  }
0xd2: {  	s0 =	rddreg [dreg:$0x0];
	s2 =	stileid.u32  }
0xd3: {  	s1 =	rddreg [dreg:$0x1];
	p0 =	sne.s32 s2, $0x0  }
0xd4: {  	s3 =	rddreg [dreg:$0x2];
	[bflag:$0x3] =	sbarrier.arrive $0xFFFF;
	s2 =	simm.s32 @!p0 $0x1C03  }
0xd5: {  	[timem:s3], [sflag:s2] =	dma.local @!p0 [hbm:s0], s1  }
0xd6: {  	s0 =	simm.s32 @!p0 $0x3  }
0xd7: {  	_ =	swait.ge @!p0 [sflag:s0], s1  }
0xd8: {  	s1 =	ssub.s32 @!p0 $0x0, s1;
	[sflag:s0] =	ssyncset.done @!p0 $0x0  }
0xd9: {  	[sflag:s0] =	ssyncadd.s32 @!p0 s1  }
0xda: {  	[bflag:$0x3] =	sbarrier.arrive $0xFFFF  }
0xdb: {  	_ =	shalt  }

</sc_bundles>
